<compile_context>
chip_gen: v7x
topology: tpu7x:2x2x1
jax: 0.10.2.dev20260603
libtpu: 0.0.44.dev20260713+nightly
codegen_flags: <defaults>
</compile_context>

<pallas_src>
import functools

import jax
import jax.numpy as jnp
from jax import lax
from jax.experimental import pallas as pl
from jax.experimental.pallas import tpu as pltpu, tpu_sc as plsc

VOCAB = 1_000_000
D = 64
N_VALUES = 4096
VAL_LEN = 50
Q_LEN = 200

NC, NS = 2, 16
NW = NC * NS
VALS_PER_TILE = N_VALUES // NW
ROWS_PER_TILE = VALS_PER_TILE * VAL_LEN
G = 128
IDX_ROWS = ROWS_PER_TILE // G

MV_CHUNK = 6250
MV_NCHUNK = VOCAB // MV_CHUNK
MV_NBUF = 10



def _matvec_body(qtok_ref, table_hbm, filt_ref, o_ref, qbuf, qsem, buf, sems):
    def qissue(i, c):
        t = qtok_ref[i]
        pltpu.make_async_copy(
            table_hbm.at[pl.ds(t, 1), :], qbuf.at[pl.ds(i, 1), :], qsem
        ).start()
        return c

    lax.fori_loop(0, Q_LEN, qissue, 0)

    def start(c, slot):
        pltpu.make_async_copy(
            table_hbm.at[pl.ds(c * MV_CHUNK, MV_CHUNK), :],
            buf.at[slot], sems.at[slot],
        ).start()

    for i in range(MV_NBUF):
        start(i, i)

    def qdrain(i, c):
        pltpu.make_async_copy(
            table_hbm.at[pl.ds(0, 1), :], qbuf.at[pl.ds(0, 1), :], qsem
        ).wait()
        return c

    lax.fori_loop(0, Q_LEN, qdrain, 0)
    q = jnp.sum(qbuf[...], axis=0, keepdims=True)

    def step(c, carry):
        slot = lax.rem(c, MV_NBUF)
        pltpu.make_async_copy(
            table_hbm.at[pl.ds(0, MV_CHUNK), :], buf.at[slot], sems.at[slot]
        ).wait()
        s = lax.dot_general(
            q, buf[slot],
            (((1,), (1,)), ((), ())),
            preferred_element_type=jnp.float32,
        )
        o_ref[pl.ds(c, 1), :] = filt_ref[pl.ds(c, 1), :] * s

        @pl.when(c + MV_NBUF < MV_NCHUNK)
        def _():
            start(c + MV_NBUF, slot)

        return carry

    lax.fori_loop(0, MV_NCHUNK, step, 0)



def _sc_pool(g_flat, vt3):
    mesh = plsc.VectorSubcoreMesh(
        core_axis_name="c", subcore_axis_name="s",
        num_cores=NC, num_subcores=NS)

    @functools.partial(
        pl.kernel,
        out_type=jax.ShapeDtypeStruct((N_VALUES,), jnp.float32),
        mesh=mesh,
        compiler_params=pltpu.CompilerParams(
            needs_layout_passes=False, use_tc_tiling_on_sc=False),
        scratch_types=[
            pltpu.VMEM((IDX_ROWS, G), jnp.int32),
            pltpu.VMEM((IDX_ROWS, G), jnp.float32),
            pltpu.VMEM((VALS_PER_TILE,), jnp.float32),
            pltpu.SemaphoreType.DMA,
        ],
    )
    def body(g_h, vt_h, x_out, idx_v, w_v, xout, sem):
        wid = lax.axis_index("s") * NC + lax.axis_index("c")
        pltpu.sync_copy(vt_h.at[wid], idx_v)
        handles = [
            pltpu.async_copy(g_h.at[idx_v.at[r]], w_v.at[r], sem)
            for r in range(IDX_ROWS)
        ]
        for h in handles:
            h.wait()

        iota16 = lax.iota(jnp.int32, 16)
        zero = jnp.zeros((16,), jnp.float32)
        for gi in range(VALS_PER_TILE // 16):
            base = gi * 16 * VAL_LEN + iota16 * VAL_LEN

            def lbody(l, acc):
                fl = base + l
                wv = plsc.load_gather(w_v, [fl >> 7, fl & 127])
                return acc + wv

            acc = lax.fori_loop(0, VAL_LEN, lbody, zero)
            xout[pl.ds(gi * 16, 16)] = acc * (1.0 / VAL_LEN)
        pltpu.sync_copy(xout, x_out.at[pl.ds(wid * VALS_PER_TILE,
                                             VALS_PER_TILE)])

    return body(g_flat, vt3)



def _softmax_body(x_ref, o_ref):
    a = jnp.abs(x_ref[...])
    m = jnp.max(a, axis=(0, 1), keepdims=True)
    e = jnp.exp(a - m)
    ssum = jnp.sum(e, axis=(0, 1), keepdims=True)
    o_ref[...] = (a - m) - jnp.log(ssum)


def kernel(table, filter_w, query_tokens, values_tokens):
    vt3 = values_tokens.reshape(NW, IDX_ROWS, G).astype(jnp.int32)
    filt2 = filter_w.reshape(MV_NCHUNK, MV_CHUNK)
    qtok = query_tokens.astype(jnp.int32)

    g2 = pl.pallas_call(
        _matvec_body,
        in_specs=[
            pl.BlockSpec(memory_space=pltpu.SMEM),
            pl.BlockSpec(memory_space=pltpu.HBM),
            pl.BlockSpec(memory_space=pltpu.VMEM),
        ],
        out_shape=jax.ShapeDtypeStruct((MV_NCHUNK, MV_CHUNK), jnp.float32),
        scratch_shapes=[
            pltpu.VMEM((Q_LEN, D), jnp.float32),
            pltpu.SemaphoreType.DMA,
            pltpu.VMEM((MV_NBUF, MV_CHUNK, D), jnp.float32),
            pltpu.SemaphoreType.DMA((MV_NBUF,)),
        ],
    )(qtok, table, filt2)

    g_flat = g2.reshape(VOCAB)
    x = _sc_pool(g_flat, vt3)

    out = pl.pallas_call(
        _softmax_body,
        out_shape=jax.ShapeDtypeStruct((32, 128), jnp.float32),
    )(x.reshape(32, 128))
    return out.reshape(N_VALUES)

# --- scband reference (transcript-rebuilt; emitter-appended) ---
"""Pipeline reference for scband-embedding-model-23965917512377 (READ-ONLY COPY).

The authoritative reference and input builder live on the scoring server;
editing this copy changes nothing except your own understanding.
"""

import jax, jax.numpy as jnp
import numpy as np

VOCAB = 1_000_000
EMBED_DIM = 64
N_VALUES = 4096
VAL_LEN = 50
Q_LEN = 200

def setup_inputs(seed: int = 0) -> dict:
    key = jax.random.key(seed)
    k1, k2, k3, k4 = jax.random.split(key, 4)
    table = jax.random.normal(k1, (VOCAB, EMBED_DIM), dtype=jnp.float32) * 0.02
    filter_w = jax.random.uniform(k2, (VOCAB,), dtype=jnp.float32)
    query_tokens = jax.random.randint(k3, (Q_LEN,), 0, VOCAB)
    values_tokens = jax.random.randint(k4, (N_VALUES, VAL_LEN), 0, VOCAB)
    return {"table": table, "filter_w": filter_w, "query_tokens": query_tokens, "values_tokens": values_tokens}

def reference(table, filter_w, query_tokens, values_tokens):
    # query: embedding lookup then sum over tokens; query is detached in the original
    q_enc = jnp.take(table, query_tokens, axis=0).sum(axis=0)  # [d]
    q_enc = jax.lax.stop_gradient(q_enc)
    # values: filter(tokens) * embeddings(tokens), mean over tokens
    v_emb = jnp.take(table, values_tokens, axis=0)              # [N, L, d]
    w = jnp.take(filter_w, values_tokens, axis=0)[..., None]    # [N, L, 1]
    values_matrix = (w * v_emb).mean(axis=1)                    # [N, d]
    out = values_matrix @ q_enc                                 # [N]
    return jax.nn.log_softmax(jnp.abs(out), axis=0)

if __name__ == "__main__":
    import jax
    _d = setup_inputs()
    print(jax.jit(kernel)(*tuple(_d.values())))

</pallas_src>

<mosaic_0001>
#map = affine_map<(d0, d1) -> (0)>
#map1 = affine_map<(d0, d1) -> (0, 0, 0)>
module attributes {stable_mosaic.version = 14 : i64} {
  func.func @body(%arg0: i32, %arg1: i32, %arg2: memref<1000000xf32, #tpu.memory_space<hbm>>, %arg3: memref<32x50x128xi32, #tpu.memory_space<hbm>>, %arg4: memref<4096xf32, #tpu.memory_space<hbm>>, %arg5: memref<50x128xi32, #tpu.memory_space<vmem>>, %arg6: memref<50x128xf32, #tpu.memory_space<vmem>>, %arg7: memref<128xf32, #tpu.memory_space<vmem>>, %arg8: memref<!tpu.dma_semaphore, #tpu.memory_space<semaphore_mem>>) attributes {dimension_semantics = [#tpu.dimension_semantics<core_parallel>, #tpu.dimension_semantics<subcore_parallel>], iteration_bounds = array<i64: 2, 16>, scalar_prefetch = 0 : i64, scratch_operands = 4 : i64, tpu.core_type = #tpu.core_type<sc_vector_subcore>, window_params = [{transform_indices = #map}, {transform_indices = #map1}, {transform_indices = #map}]} {
    %mul3A = arith.constant 2 : i32
    %mul3A_0 = arith.muli %arg1, %mul3A : i32
    %add3A = arith.addi %mul3A_0, %arg0 : i32
    "tpu.region"() ({
      %run_scoped3A = tpu.sem_alloc : memref<!tpu.dma_semaphore, #tpu.memory_space<semaphore_mem>>
      %dma_start3A_1136 = arith.constant 0 : i32
      %dma_start3A_1137 = arith.constant 0 : i32
      %dma_start3A_1138 = tpu.memref_slice %arg3[%add3A, %dma_start3A_1136, %dma_start3A_1137] : memref<32x50x128xi32, #tpu.memory_space<hbm>> -> memref<1x50x128xi32, #tpu.memory_space<hbm>>
      %dma_start3A_1139 = tpu.memref_squeeze %dma_start3A_1138 : memref<1x50x128xi32, #tpu.memory_space<hbm>> -> memref<50x128xi32, #tpu.memory_space<hbm>>
      %dma_start3A_1140 = arith.constant 0 : i32
      %dma_start3A_1141 = arith.constant 0 : i32
      %dma_start3A_1142 = tpu.memref_slice %arg3[%add3A, %dma_start3A_1140, %dma_start3A_1141] : memref<32x50x128xi32, #tpu.memory_space<hbm>> -> memref<1x50x128xi32, #tpu.memory_space<hbm>>
      %dma_start3A_1143 = tpu.memref_squeeze %dma_start3A_1142 : memref<1x50x128xi32, #tpu.memory_space<hbm>> -> memref<50x128xi32, #tpu.memory_space<hbm>>
      tpu.enqueue_dma source(%dma_start3A_1143 : memref<50x128xi32, #tpu.memory_space<hbm>>) target(%arg5 : memref<50x128xi32, #tpu.memory_space<vmem>>) target_semaphore(%run_scoped3A : memref<!tpu.dma_semaphore, #tpu.memory_space<semaphore_mem>>)
      %dma_wait3A_1144 = arith.constant 0 : i32
      %dma_wait3A_1145 = arith.constant 0 : i32
      %dma_wait3A_1146 = tpu.memref_slice %arg3[%add3A, %dma_wait3A_1144, %dma_wait3A_1145] : memref<32x50x128xi32, #tpu.memory_space<hbm>> -> memref<1x50x128xi32, #tpu.memory_space<hbm>>
      %dma_wait3A_1147 = tpu.memref_squeeze %dma_wait3A_1146 : memref<1x50x128xi32, #tpu.memory_space<hbm>> -> memref<50x128xi32, #tpu.memory_space<hbm>>
      %dma_wait3A_1148 = arith.constant 0 : i32
      %dma_wait3A_1149 = arith.constant 0 : i32
      %dma_wait3A_1150 = tpu.memref_slice %arg3[%add3A, %dma_wait3A_1148, %dma_wait3A_1149] : memref<32x50x128xi32, #tpu.memory_space<hbm>> -> memref<1x50x128xi32, #tpu.memory_space<hbm>>
      %dma_wait3A_1151 = tpu.memref_squeeze %dma_wait3A_1150 : memref<1x50x128xi32, #tpu.memory_space<hbm>> -> memref<50x128xi32, #tpu.memory_space<hbm>>
      tpu.wait_dma2 semaphore(%run_scoped3A : memref<!tpu.dma_semaphore, #tpu.memory_space<semaphore_mem>>) src(%dma_wait3A_1151 : memref<50x128xi32, #tpu.memory_space<hbm>>) dst(%arg5 : memref<50x128xi32, #tpu.memory_space<vmem>>)
      tpu.yield
    }) : () -> ()
    %dma_start3A = arith.constant 0 : i32
    %dma_start3A_1 = arith.constant 0 : i32
    %dma_start3A_2 = arith.constant 0 : i32
    %dma_start3A_3 = tpu.memref_slice %arg6[%dma_start3A_1, %dma_start3A_2] : memref<50x128xf32, #tpu.memory_space<vmem>> -> memref<1x128xf32, #tpu.memory_space<vmem>>
    %dma_start3A_4 = tpu.memref_squeeze %dma_start3A_3 : memref<1x128xf32, #tpu.memory_space<vmem>> -> memref<128xf32, #tpu.memory_space<vmem>>
    %dma_start3A_5 = arith.constant 0 : i32
    %dma_start3A_6 = tpu.memref_slice %arg5[%dma_start3A, %dma_start3A_5] : memref<50x128xi32, #tpu.memory_space<vmem>> -> memref<1x128xi32, #tpu.memory_space<vmem>>
    %dma_start3A_7 = tpu.memref_squeeze %dma_start3A_6 : memref<1x128xi32, #tpu.memory_space<vmem>> -> memref<128xi32, #tpu.memory_space<vmem>>
    %dma_start3A_8 = arith.constant 0 : i32
    %dma_start3A_9 = tpu.memref_slice %arg2[%dma_start3A_8] : memref<1000000xf32, #tpu.memory_space<hbm>> -> memref<1000000xf32, #tpu.memory_space<hbm>>
    tpu.enqueue_indirect_dma source(%dma_start3A_9 : memref<1000000xf32, #tpu.memory_space<hbm>>) target(%dma_start3A_4 : memref<128xf32, #tpu.memory_space<vmem>>) offsets(%dma_start3A_7 : memref<128xi32, #tpu.memory_space<vmem>>) semaphore(%arg8 : memref<!tpu.dma_semaphore, #tpu.memory_space<semaphore_mem>>)
    %dma_start3A_10 = arith.constant 1 : i32
    %dma_start3A_11 = arith.constant 1 : i32
    %dma_start3A_12 = arith.constant 0 : i32
    %dma_start3A_13 = tpu.memref_slice %arg6[%dma_start3A_11, %dma_start3A_12] : memref<50x128xf32, #tpu.memory_space<vmem>> -> memref<1x128xf32, #tpu.memory_space<vmem>>
    %dma_start3A_14 = tpu.memref_squeeze %dma_start3A_13 : memref<1x128xf32, #tpu.memory_space<vmem>> -> memref<128xf32, #tpu.memory_space<vmem>>
    %dma_start3A_15 = arith.constant 0 : i32
    %dma_start3A_16 = tpu.memref_slice %arg5[%dma_start3A_10, %dma_start3A_15] : memref<50x128xi32, #tpu.memory_space<vmem>> -> memref<1x128xi32, #tpu.memory_space<vmem>>
    %dma_start3A_17 = tpu.memref_squeeze %dma_start3A_16 : memref<1x128xi32, #tpu.memory_space<vmem>> -> memref<128xi32, #tpu.memory_space<vmem>>
    %dma_start3A_18 = arith.constant 0 : i32
    %dma_start3A_19 = tpu.memref_slice %arg2[%dma_start3A_18] : memref<1000000xf32, #tpu.memory_space<hbm>> -> memref<1000000xf32, #tpu.memory_space<hbm>>
    tpu.enqueue_indirect_dma source(%dma_start3A_19 : memref<1000000xf32, #tpu.memory_space<hbm>>) target(%dma_start3A_14 : memref<128xf32, #tpu.memory_space<vmem>>) offsets(%dma_start3A_17 : memref<128xi32, #tpu.memory_space<vmem>>) semaphore(%arg8 : memref<!tpu.dma_semaphore, #tpu.memory_space<semaphore_mem>>)
    %dma_start3A_20 = arith.constant 2 : i32
    %dma_start3A_21 = arith.constant 2 : i32
    %dma_start3A_22 = arith.constant 0 : i32
    %dma_start3A_23 = tpu.memref_slice %arg6[%dma_start3A_21, %dma_start3A_22] : memref<50x128xf32, #tpu.memory_space<vmem>> -> memref<1x128xf32, #tpu.memory_space<vmem>>
    %dma_start3A_24 = tpu.memref_squeeze %dma_start3A_23 : memref<1x128xf32, #tpu.memory_space<vmem>> -> memref<128xf32, #tpu.memory_space<vmem>>
    %dma_start3A_25 = arith.constant 0 : i32
    %dma_start3A_26 = tpu.memref_slice %arg5[%dma_start3A_20, %dma_start3A_25] : memref<50x128xi32, #tpu.memory_space<vmem>> -> memref<1x128xi32, #tpu.memory_space<vmem>>
    %dma_start3A_27 = tpu.memref_squeeze %dma_start3A_26 : memref<1x128xi32, #tpu.memory_space<vmem>> -> memref<128xi32, #tpu.memory_space<vmem>>
    %dma_start3A_28 = arith.constant 0 : i32
    %dma_start3A_29 = tpu.memref_slice %arg2[%dma_start3A_28] : memref<1000000xf32, #tpu.memory_space<hbm>> -> memref<1000000xf32, #tpu.memory_space<hbm>>
    tpu.enqueue_indirect_dma source(%dma_start3A_29 : memref<1000000xf32, #tpu.memory_space<hbm>>) target(%dma_start3A_24 : memref<128xf32, #tpu.memory_space<vmem>>) offsets(%dma_start3A_27 : memref<128xi32, #tpu.memory_space<vmem>>) semaphore(%arg8 : memref<!tpu.dma_semaphore, #tpu.memory_space<semaphore_mem>>)
    %dma_start3A_30 = arith.constant 3 : i32
    %dma_start3A_31 = arith.constant 3 : i32
    %dma_start3A_32 = arith.constant 0 : i32
    %dma_start3A_33 = tpu.memref_slice %arg6[%dma_start3A_31, %dma_start3A_32] : memref<50x128xf32, #tpu.memory_space<vmem>> -> memref<1x128xf32, #tpu.memory_space<vmem>>
    %dma_start3A_34 = tpu.memref_squeeze %dma_start3A_33 : memref<1x128xf32, #tpu.memory_space<vmem>> -> memref<128xf32, #tpu.memory_space<vmem>>
    %dma_start3A_35 = arith.constant 0 : i32
    %dma_start3A_36 = tpu.memref_slice %arg5[%dma_start3A_30, %dma_start3A_35] : memref<50x128xi32, #tpu.memory_space<vmem>> -> memref<1x128xi32, #tpu.memory_space<vmem>>
    %dma_start3A_37 = tpu.memref_squeeze %dma_start3A_36 : memref<1x128xi32, #tpu.memory_space<vmem>> -> memref<128xi32, #tpu.memory_space<vmem>>
    %dma_start3A_38 = arith.constant 0 : i32
    %dma_start3A_39 = tpu.memref_slice %arg2[%dma_start3A_38] : memref<1000000xf32, #tpu.memory_space<hbm>> -> memref<1000000xf32, #tpu.memory_space<hbm>>
    tpu.enqueue_indirect_dma source(%dma_start3A_39 : memref<1000000xf32, #tpu.memory_space<hbm>>) target(%dma_start3A_34 : memref<128xf32, #tpu.memory_space<vmem>>) offsets(%dma_start3A_37 : memref<128xi32, #tpu.memory_space<vmem>>) semaphore(%arg8 : memref<!tpu.dma_semaphore, #tpu.memory_space<semaphore_mem>>)
    %dma_start3A_40 = arith.constant 4 : i32
    %dma_start3A_41 = arith.constant 4 : i32
    %dma_start3A_42 = arith.constant 0 : i32
    %dma_start3A_43 = tpu.memref_slice %arg6[%dma_start3A_41, %dma_start3A_42] : memref<50x128xf32, #tpu.memory_space<vmem>> -> memref<1x128xf32, #tpu.memory_space<vmem>>
    %dma_start3A_44 = tpu.memref_squeeze %dma_start3A_43 : memref<1x128xf32, #tpu.memory_space<vmem>> -> memref<128xf32, #tpu.memory_space<vmem>>
    %dma_start3A_45 = arith.constant 0 : i32
    %dma_start3A_46 = tpu.memref_slice %arg5[%dma_start3A_40, %dma_start3A_45] : memref<50x128xi32, #tpu.memory_space<vmem>> -> memref<1x128xi32, #tpu.memory_space<vmem>>
    %dma_start3A_47 = tpu.memref_squeeze %dma_start3A_46 : memref<1x128xi32, #tpu.memory_space<vmem>> -> memref<128xi32, #tpu.memory_space<vmem>>
    %dma_start3A_48 = arith.constant 0 : i32
    %dma_start3A_49 = tpu.memref_slice %arg2[%dma_start3A_48] : memref<1000000xf32, #tpu.memory_space<hbm>> -> memref<1000000xf32, #tpu.memory_space<hbm>>
    tpu.enqueue_indirect_dma source(%dma_start3A_49 : memref<1000000xf32, #tpu.memory_space<hbm>>) target(%dma_start3A_44 : memref<128xf32, #tpu.memory_space<vmem>>) offsets(%dma_start3A_47 : memref<128xi32, #tpu.memory_space<vmem>>) semaphore(%arg8 : memref<!tpu.dma_semaphore, #tpu.memory_space<semaphore_mem>>)
    %dma_start3A_50 = arith.constant 5 : i32
    %dma_start3A_51 = arith.constant 5 : i32
    %dma_start3A_52 = arith.constant 0 : i32
    %dma_start3A_53 = tpu.memref_slice %arg6[%dma_start3A_51, %dma_start3A_52] : memref<50x128xf32, #tpu.memory_space<vmem>> -> memref<1x128xf32, #tpu.memory_space<vmem>>
    %dma_start3A_54 = tpu.memref_squeeze %dma_start3A_53 : memref<1x128xf32, #tpu.memory_space<vmem>> -> memref<128xf32, #tpu.memory_space<vmem>>
    %dma_start3A_55 = arith.constant 0 : i32
    %dma_start3A_56 = tpu.memref_slice %arg5[%dma_start3A_50, %dma_start3A_55] : memref<50x128xi32, #tpu.memory_space<vmem>> -> memref<1x128xi32, #tpu.memory_space<vmem>>
    %dma_start3A_57 = tpu.memref_squeeze %dma_start3A_56 : memref<1x128xi32, #tpu.memory_space<vmem>> -> memref<128xi32, #tpu.memory_space<vmem>>
    %dma_start3A_58 = arith.constant 0 : i32
    %dma_start3A_59 = tpu.memref_slice %arg2[%dma_start3A_58] : memref<1000000xf32, #tpu.memory_space<hbm>> -> memref<1000000xf32, #tpu.memory_space<hbm>>
    tpu.enqueue_indirect_dma source(%dma_start3A_59 : memref<1000000xf32, #tpu.memory_space<hbm>>) target(%dma_start3A_54 : memref<128xf32, #tpu.memory_space<vmem>>) offsets(%dma_start3A_57 : memref<128xi32, #tpu.memory_space<vmem>>) semaphore(%arg8 : memref<!tpu.dma_semaphore, #tpu.memory_space<semaphore_mem>>)
    %dma_start3A_60 = arith.constant 6 : i32
    %dma_start3A_61 = arith.constant 6 : i32
    %dma_start3A_62 = arith.constant 0 : i32
    %dma_start3A_63 = tpu.memref_slice %arg6[%dma_start3A_61, %dma_start3A_62] : memref<50x128xf32, #tpu.memory_space<vmem>> -> memref<1x128xf32, #tpu.memory_space<vmem>>
    %dma_start3A_64 = tpu.memref_squeeze %dma_start3A_63 : memref<1x128xf32, #tpu.memory_space<vmem>> -> memref<128xf32, #tpu.memory_space<vmem>>
    %dma_start3A_65 = arith.constant 0 : i32
    %dma_start3A_66 = tpu.memref_slice %arg5[%dma_start3A_60, %dma_start3A_65] : memref<50x128xi32, #tpu.memory_space<vmem>> -> memref<1x128xi32, #tpu.memory_space<vmem>>
    %dma_start3A_67 = tpu.memref_squeeze %dma_start3A_66 : memref<1x128xi32, #tpu.memory_space<vmem>> -> memref<128xi32, #tpu.memory_space<vmem>>
    %dma_start3A_68 = arith.constant 0 : i32
    %dma_start3A_69 = tpu.memref_slice %arg2[%dma_start3A_68] : memref<1000000xf32, #tpu.memory_space<hbm>> -> memref<1000000xf32, #tpu.memory_space<hbm>>
    tpu.enqueue_indirect_dma source(%dma_start3A_69 : memref<1000000xf32, #tpu.memory_space<hbm>>) target(%dma_start3A_64 : memref<128xf32, #tpu.memory_space<vmem>>) offsets(%dma_start3A_67 : memref<128xi32, #tpu.memory_space<vmem>>) semaphore(%arg8 : memref<!tpu.dma_semaphore, #tpu.memory_space<semaphore_mem>>)
    %dma_start3A_70 = arith.constant 7 : i32
    %dma_start3A_71 = arith.constant 7 : i32
    %dma_start3A_72 = arith.constant 0 : i32
    %dma_start3A_73 = tpu.memref_slice %arg6[%dma_start3A_71, %dma_start3A_72] : memref<50x128xf32, #tpu.memory_space<vmem>> -> memref<1x128xf32, #tpu.memory_space<vmem>>
    %dma_start3A_74 = tpu.memref_squeeze %dma_start3A_73 : memref<1x128xf32, #tpu.memory_space<vmem>> -> memref<128xf32, #tpu.memory_space<vmem>>
    %dma_start3A_75 = arith.constant 0 : i32
    %dma_start3A_76 = tpu.memref_slice %arg5[%dma_start3A_70, %dma_start3A_75] : memref<50x128xi32, #tpu.memory_space<vmem>> -> memref<1x128xi32, #tpu.memory_space<vmem>>
    %dma_start3A_77 = tpu.memref_squeeze %dma_start3A_76 : memref<1x128xi32, #tpu.memory_space<vmem>> -> memref<128xi32, #tpu.memory_space<vmem>>
    %dma_start3A_78 = arith.constant 0 : i32
    %dma_start3A_79 = tpu.memref_slice %arg2[%dma_start3A_78] : memref<1000000xf32, #tpu.memory_space<hbm>> -> memref<1000000xf32, #tpu.memory_space<hbm>>
    tpu.enqueue_indirect_dma source(%dma_start3A_79 : memref<1000000xf32, #tpu.memory_space<hbm>>) target(%dma_start3A_74 : memref<128xf32, #tpu.memory_space<vmem>>) offsets(%dma_start3A_77 : memref<128xi32, #tpu.memory_space<vmem>>) semaphore(%arg8 : memref<!tpu.dma_semaphore, #tpu.memory_space<semaphore_mem>>)
    %dma_start3A_80 = arith.constant 8 : i32
    %dma_start3A_81 = arith.constant 8 : i32
    %dma_start3A_82 = arith.constant 0 : i32
    %dma_start3A_83 = tpu.memref_slice %arg6[%dma_start3A_81, %dma_start3A_82] : memref<50x128xf32, #tpu.memory_space<vmem>> -> memref<1x128xf32, #tpu.memory_space<vmem>>
    %dma_start3A_84 = tpu.memref_squeeze %dma_start3A_83 : memref<1x128xf32, #tpu.memory_space<vmem>> -> memref<128xf32, #tpu.memory_space<vmem>>
    %dma_start3A_85 = arith.constant 0 : i32
    %dma_start3A_86 = tpu.memref_slice %arg5[%dma_start3A_80, %dma_start3A_85] : memref<50x128xi32, #tpu.memory_space<vmem>> -> memref<1x128xi32, #tpu.memory_space<vmem>>
    %dma_start3A_87 = tpu.memref_squeeze %dma_start3A_86 : memref<1x128xi32, #tpu.memory_space<vmem>> -> memref<128xi32, #tpu.memory_space<vmem>>
    %dma_start3A_88 = arith.constant 0 : i32
    %dma_start3A_89 = tpu.memref_slice %arg2[%dma_start3A_88] : memref<1000000xf32, #tpu.memory_space<hbm>> -> memref<1000000xf32, #tpu.memory_space<hbm>>
    tpu.enqueue_indirect_dma source(%dma_start3A_89 : memref<1000000xf32, #tpu.memory_space<hbm>>) target(%dma_start3A_84 : memref<128xf32, #tpu.memory_space<vmem>>) offsets(%dma_start3A_87 : memref<128xi32, #tpu.memory_space<vmem>>) semaphore(%arg8 : memref<!tpu.dma_semaphore, #tpu.memory_space<semaphore_mem>>)
    %dma_start3A_90 = arith.constant 9 : i32
    %dma_start3A_91 = arith.constant 9 : i32
    %dma_start3A_92 = arith.constant 0 : i32
    %dma_start3A_93 = tpu.memref_slice %arg6[%dma_start3A_91, %dma_start3A_92] : memref<50x128xf32, #tpu.memory_space<vmem>> -> memref<1x128xf32, #tpu.memory_space<vmem>>
    %dma_start3A_94 = tpu.memref_squeeze %dma_start3A_93 : memref<1x128xf32, #tpu.memory_space<vmem>> -> memref<128xf32, #tpu.memory_space<vmem>>
    %dma_start3A_95 = arith.constant 0 : i32
    %dma_start3A_96 = tpu.memref_slice %arg5[%dma_start3A_90, %dma_start3A_95] : memref<50x128xi32, #tpu.memory_space<vmem>> -> memref<1x128xi32, #tpu.memory_space<vmem>>
    %dma_start3A_97 = tpu.memref_squeeze %dma_start3A_96 : memref<1x128xi32, #tpu.memory_space<vmem>> -> memref<128xi32, #tpu.memory_space<vmem>>
    %dma_start3A_98 = arith.constant 0 : i32
    %dma_start3A_99 = tpu.memref_slice %arg2[%dma_start3A_98] : memref<1000000xf32, #tpu.memory_space<hbm>> -> memref<1000000xf32, #tpu.memory_space<hbm>>
    tpu.enqueue_indirect_dma source(%dma_start3A_99 : memref<1000000xf32, #tpu.memory_space<hbm>>) target(%dma_start3A_94 : memref<128xf32, #tpu.memory_space<vmem>>) offsets(%dma_start3A_97 : memref<128xi32, #tpu.memory_space<vmem>>) semaphore(%arg8 : memref<!tpu.dma_semaphore, #tpu.memory_space<semaphore_mem>>)
    %dma_start3A_100 = arith.constant 10 : i32
    %dma_start3A_101 = arith.constant 10 : i32
    %dma_start3A_102 = arith.constant 0 : i32
    %dma_start3A_103 = tpu.memref_slice %arg6[%dma_start3A_101, %dma_start3A_102] : memref<50x128xf32, #tpu.memory_space<vmem>> -> memref<1x128xf32, #tpu.memory_space<vmem>>
    %dma_start3A_104 = tpu.memref_squeeze %dma_start3A_103 : memref<1x128xf32, #tpu.memory_space<vmem>> -> memref<128xf32, #tpu.memory_space<vmem>>
    %dma_start3A_105 = arith.constant 0 : i32
    %dma_start3A_106 = tpu.memref_slice %arg5[%dma_start3A_100, %dma_start3A_105] : memref<50x128xi32, #tpu.memory_space<vmem>> -> memref<1x128xi32, #tpu.memory_space<vmem>>
    %dma_start3A_107 = tpu.memref_squeeze %dma_start3A_106 : memref<1x128xi32, #tpu.memory_space<vmem>> -> memref<128xi32, #tpu.memory_space<vmem>>
    %dma_start3A_108 = arith.constant 0 : i32
    %dma_start3A_109 = tpu.memref_slice %arg2[%dma_start3A_108] : memref<1000000xf32, #tpu.memory_space<hbm>> -> memref<1000000xf32, #tpu.memory_space<hbm>>
    tpu.enqueue_indirect_dma source(%dma_start3A_109 : memref<1000000xf32, #tpu.memory_space<hbm>>) target(%dma_start3A_104 : memref<128xf32, #tpu.memory_space<vmem>>) offsets(%dma_start3A_107 : memref<128xi32, #tpu.memory_space<vmem>>) semaphore(%arg8 : memref<!tpu.dma_semaphore, #tpu.memory_space<semaphore_mem>>)
    %dma_start3A_110 = arith.constant 11 : i32
    %dma_start3A_111 = arith.constant 11 : i32
    %dma_start3A_112 = arith.constant 0 : i32
    %dma_start3A_113 = tpu.memref_slice %arg6[%dma_start3A_111, %dma_start3A_112] : memref<50x128xf32, #tpu.memory_space<vmem>> -> memref<1x128xf32, #tpu.memory_space<vmem>>
    %dma_start3A_114 = tpu.memref_squeeze %dma_start3A_113 : memref<1x128xf32, #tpu.memory_space<vmem>> -> memref<128xf32, #tpu.memory_space<vmem>>
    %dma_start3A_115 = arith.constant 0 : i32
    %dma_start3A_116 = tpu.memref_slice %arg5[%dma_start3A_110, %dma_start3A_115] : memref<50x128xi32, #tpu.memory_space<vmem>> -> memref<1x128xi32, #tpu.memory_space<vmem>>
    %dma_start3A_117 = tpu.memref_squeeze %dma_start3A_116 : memref<1x128xi32, #tpu.memory_space<vmem>> -> memref<128xi32, #tpu.memory_space<vmem>>
    %dma_start3A_118 = arith.constant 0 : i32
    %dma_start3A_119 = tpu.memref_slice %arg2[%dma_start3A_118] : memref<1000000xf32, #tpu.memory_space<hbm>> -> memref<1000000xf32, #tpu.memory_space<hbm>>
    tpu.enqueue_indirect_dma source(%dma_start3A_119 : memref<1000000xf32, #tpu.memory_space<hbm>>) target(%dma_start3A_114 : memref<128xf32, #tpu.memory_space<vmem>>) offsets(%dma_start3A_117 : memref<128xi32, #tpu.memory_space<vmem>>) semaphore(%arg8 : memref<!tpu.dma_semaphore, #tpu.memory_space<semaphore_mem>>)
    %dma_start3A_120 = arith.constant 12 : i32
    %dma_start3A_121 = arith.constant 12 : i32
    %dma_start3A_122 = arith.constant 0 : i32
    %dma_start3A_123 = tpu.memref_slice %arg6[%dma_start3A_121, %dma_start3A_122] : memref<50x128xf32, #tpu.memory_space<vmem>> -> memref<1x128xf32, #tpu.memory_space<vmem>>
    %dma_start3A_124 = tpu.memref_squeeze %dma_start3A_123 : memref<1x128xf32, #tpu.memory_space<vmem>> -> memref<128xf32, #tpu.memory_space<vmem>>
    %dma_start3A_125 = arith.constant 0 : i32
    %dma_start3A_126 = tpu.memref_slice %arg5[%dma_start3A_120, %dma_start3A_125] : memref<50x128xi32, #tpu.memory_space<vmem>> -> memref<1x128xi32, #tpu.memory_space<vmem>>
    %dma_start3A_127 = tpu.memref_squeeze %dma_start3A_126 : memref<1x128xi32, #tpu.memory_space<vmem>> -> memref<128xi32, #tpu.memory_space<vmem>>
    %dma_start3A_128 = arith.constant 0 : i32
    %dma_start3A_129 = tpu.memref_slice %arg2[%dma_start3A_128] : memref<1000000xf32, #tpu.memory_space<hbm>> -> memref<1000000xf32, #tpu.memory_space<hbm>>
    tpu.enqueue_indirect_dma source(%dma_start3A_129 : memref<1000000xf32, #tpu.memory_space<hbm>>) target(%dma_start3A_124 : memref<128xf32, #tpu.memory_space<vmem>>) offsets(%dma_start3A_127 : memref<128xi32, #tpu.memory_space<vmem>>) semaphore(%arg8 : memref<!tpu.dma_semaphore, #tpu.memory_space<semaphore_mem>>)
    %dma_start3A_130 = arith.constant 13 : i32
    %dma_start3A_131 = arith.constant 13 : i32
    %dma_start3A_132 = arith.constant 0 : i32
    %dma_start3A_133 = tpu.memref_slice %arg6[%dma_start3A_131, %dma_start3A_132] : memref<50x128xf32, #tpu.memory_space<vmem>> -> memref<1x128xf32, #tpu.memory_space<vmem>>
    %dma_start3A_134 = tpu.memref_squeeze %dma_start3A_133 : memref<1x128xf32, #tpu.memory_space<vmem>> -> memref<128xf32, #tpu.memory_space<vmem>>
    %dma_start3A_135 = arith.constant 0 : i32
    %dma_start3A_136 = tpu.memref_slice %arg5[%dma_start3A_130, %dma_start3A_135] : memref<50x128xi32, #tpu.memory_space<vmem>> -> memref<1x128xi32, #tpu.memory_space<vmem>>
    %dma_start3A_137 = tpu.memref_squeeze %dma_start3A_136 : memref<1x128xi32, #tpu.memory_space<vmem>> -> memref<128xi32, #tpu.memory_space<vmem>>
    %dma_start3A_138 = arith.constant 0 : i32
    %dma_start3A_139 = tpu.memref_slice %arg2[%dma_start3A_138] : memref<1000000xf32, #tpu.memory_space<hbm>> -> memref<1000000xf32, #tpu.memory_space<hbm>>
    tpu.enqueue_indirect_dma source(%dma_start3A_139 : memref<1000000xf32, #tpu.memory_space<hbm>>) target(%dma_start3A_134 : memref<128xf32, #tpu.memory_space<vmem>>) offsets(%dma_start3A_137 : memref<128xi32, #tpu.memory_space<vmem>>) semaphore(%arg8 : memref<!tpu.dma_semaphore, #tpu.memory_space<semaphore_mem>>)
    %dma_start3A_140 = arith.constant 14 : i32
    %dma_start3A_141 = arith.constant 14 : i32
    %dma_start3A_142 = arith.constant 0 : i32
    %dma_start3A_143 = tpu.memref_slice %arg6[%dma_start3A_141, %dma_start3A_142] : memref<50x128xf32, #tpu.memory_space<vmem>> -> memref<1x128xf32, #tpu.memory_space<vmem>>
    %dma_start3A_144 = tpu.memref_squeeze %dma_start3A_143 : memref<1x128xf32, #tpu.memory_space<vmem>> -> memref<128xf32, #tpu.memory_space<vmem>>
    %dma_start3A_145 = arith.constant 0 : i32
    %dma_start3A_146 = tpu.memref_slice %arg5[%dma_start3A_140, %dma_start3A_145] : memref<50x128xi32, #tpu.memory_space<vmem>> -> memref<1x128xi32, #tpu.memory_space<vmem>>
    %dma_start3A_147 = tpu.memref_squeeze %dma_start3A_146 : memref<1x128xi32, #tpu.memory_space<vmem>> -> memref<128xi32, #tpu.memory_space<vmem>>
    %dma_start3A_148 = arith.constant 0 : i32
    %dma_start3A_149 = tpu.memref_slice %arg2[%dma_start3A_148] : memref<1000000xf32, #tpu.memory_space<hbm>> -> memref<1000000xf32, #tpu.memory_space<hbm>>
    tpu.enqueue_indirect_dma source(%dma_start3A_149 : memref<1000000xf32, #tpu.memory_space<hbm>>) target(%dma_start3A_144 : memref<128xf32, #tpu.memory_space<vmem>>) offsets(%dma_start3A_147 : memref<128xi32, #tpu.memory_space<vmem>>) semaphore(%arg8 : memref<!tpu.dma_semaphore, #tpu.memory_space<semaphore_mem>>)
    %dma_start3A_150 = arith.constant 15 : i32
    %dma_start3A_151 = arith.constant 15 : i32
    %dma_start3A_152 = arith.constant 0 : i32
    %dma_start3A_153 = tpu.memref_slice %arg6[%dma_start3A_151, %dma_start3A_152] : memref<50x128xf32, #tpu.memory_space<vmem>> -> memref<1x128xf32, #tpu.memory_space<vmem>>
    %dma_start3A_154 = tpu.memref_squeeze %dma_start3A_153 : memref<1x128xf32, #tpu.memory_space<vmem>> -> memref<128xf32, #tpu.memory_space<vmem>>
    %dma_start3A_155 = arith.constant 0 : i32
    %dma_start3A_156 = tpu.memref_slice %arg5[%dma_start3A_150, %dma_start3A_155] : memref<50x128xi32, #tpu.memory_space<vmem>> -> memref<1x128xi32, #tpu.memory_space<vmem>>
    %dma_start3A_157 = tpu.memref_squeeze %dma_start3A_156 : memref<1x128xi32, #tpu.memory_space<vmem>> -> memref<128xi32, #tpu.memory_space<vmem>>
    %dma_start3A_158 = arith.constant 0 : i32
    %dma_start3A_159 = tpu.memref_slice %arg2[%dma_start3A_158] : memref<1000000xf32, #tpu.memory_space<hbm>> -> memref<1000000xf32, #tpu.memory_space<hbm>>
    tpu.enqueue_indirect_dma source(%dma_start3A_159 : memref<1000000xf32, #tpu.memory_space<hbm>>) target(%dma_start3A_154 : memref<128xf32, #tpu.memory_space<vmem>>) offsets(%dma_start3A_157 : memref<128xi32, #tpu.memory_space<vmem>>) semaphore(%arg8 : memref<!tpu.dma_semaphore, #tpu.memory_space<semaphore_mem>>)
    %dma_start3A_160 = arith.constant 16 : i32
    %dma_start3A_161 = arith.constant 16 : i32
    %dma_start3A_162 = arith.constant 0 : i32
    %dma_start3A_163 = tpu.memref_slice %arg6[%dma_start3A_161, %dma_start3A_162] : memref<50x128xf32, #tpu.memory_space<vmem>> -> memref<1x128xf32, #tpu.memory_space<vmem>>
    %dma_start3A_164 = tpu.memref_squeeze %dma_start3A_163 : memref<1x128xf32, #tpu.memory_space<vmem>> -> memref<128xf32, #tpu.memory_space<vmem>>
    %dma_start3A_165 = arith.constant 0 : i32
    %dma_start3A_166 = tpu.memref_slice %arg5[%dma_start3A_160, %dma_start3A_165] : memref<50x128xi32, #tpu.memory_space<vmem>> -> memref<1x128xi32, #tpu.memory_space<vmem>>
    %dma_start3A_167 = tpu.memref_squeeze %dma_start3A_166 : memref<1x128xi32, #tpu.memory_space<vmem>> -> memref<128xi32, #tpu.memory_space<vmem>>
    %dma_start3A_168 = arith.constant 0 : i32
    %dma_start3A_169 = tpu.memref_slice %arg2[%dma_start3A_168] : memref<1000000xf32, #tpu.memory_space<hbm>> -> memref<1000000xf32, #tpu.memory_space<hbm>>
    tpu.enqueue_indirect_dma source(%dma_start3A_169 : memref<1000000xf32, #tpu.memory_space<hbm>>) target(%dma_start3A_164 : memref<128xf32, #tpu.memory_space<vmem>>) offsets(%dma_start3A_167 : memref<128xi32, #tpu.memory_space<vmem>>) semaphore(%arg8 : memref<!tpu.dma_semaphore, #tpu.memory_space<semaphore_mem>>)
    %dma_start3A_170 = arith.constant 17 : i32
    %dma_start3A_171 = arith.constant 17 : i32
    %dma_start3A_172 = arith.constant 0 : i32
    %dma_start3A_173 = tpu.memref_slice %arg6[%dma_start3A_171, %dma_start3A_172] : memref<50x128xf32, #tpu.memory_space<vmem>> -> memref<1x128xf32, #tpu.memory_space<vmem>>
    %dma_start3A_174 = tpu.memref_squeeze %dma_start3A_173 : memref<1x128xf32, #tpu.memory_space<vmem>> -> memref<128xf32, #tpu.memory_space<vmem>>
    %dma_start3A_175 = arith.constant 0 : i32
    %dma_start3A_176 = tpu.memref_slice %arg5[%dma_start3A_170, %dma_start3A_175] : memref<50x128xi32, #tpu.memory_space<vmem>> -> memref<1x128xi32, #tpu.memory_space<vmem>>
    %dma_start3A_177 = tpu.memref_squeeze %dma_start3A_176 : memref<1x128xi32, #tpu.memory_space<vmem>> -> memref<128xi32, #tpu.memory_space<vmem>>
    %dma_start3A_178 = arith.constant 0 : i32
    %dma_start3A_179 = tpu.memref_slice %arg2[%dma_start3A_178] : memref<1000000xf32, #tpu.memory_space<hbm>> -> memref<1000000xf32, #tpu.memory_space<hbm>>
    tpu.enqueue_indirect_dma source(%dma_start3A_179 : memref<1000000xf32, #tpu.memory_space<hbm>>) target(%dma_start3A_174 : memref<128xf32, #tpu.memory_space<vmem>>) offsets(%dma_start3A_177 : memref<128xi32, #tpu.memory_space<vmem>>) semaphore(%arg8 : memref<!tpu.dma_semaphore, #tpu.memory_space<semaphore_mem>>)
    %dma_start3A_180 = arith.constant 18 : i32
    %dma_start3A_181 = arith.constant 18 : i32
    %dma_start3A_182 = arith.constant 0 : i32
    %dma_start3A_183 = tpu.memref_slice %arg6[%dma_start3A_181, %dma_start3A_182] : memref<50x128xf32, #tpu.memory_space<vmem>> -> memref<1x128xf32, #tpu.memory_space<vmem>>
    %dma_start3A_184 = tpu.memref_squeeze %dma_start3A_183 : memref<1x128xf32, #tpu.memory_space<vmem>> -> memref<128xf32, #tpu.memory_space<vmem>>
    %dma_start3A_185 = arith.constant 0 : i32
    %dma_start3A_186 = tpu.memref_slice %arg5[%dma_start3A_180, %dma_start3A_185] : memref<50x128xi32, #tpu.memory_space<vmem>> -> memref<1x128xi32, #tpu.memory_space<vmem>>
    %dma_start3A_187 = tpu.memref_squeeze %dma_start3A_186 : memref<1x128xi32, #tpu.memory_space<vmem>> -> memref<128xi32, #tpu.memory_space<vmem>>
    %dma_start3A_188 = arith.constant 0 : i32
    %dma_start3A_189 = tpu.memref_slice %arg2[%dma_start3A_188] : memref<1000000xf32, #tpu.memory_space<hbm>> -> memref<1000000xf32, #tpu.memory_space<hbm>>
    tpu.enqueue_indirect_dma source(%dma_start3A_189 : memref<1000000xf32, #tpu.memory_space<hbm>>) target(%dma_start3A_184 : memref<128xf32, #tpu.memory_space<vmem>>) offsets(%dma_start3A_187 : memref<128xi32, #tpu.memory_space<vmem>>) semaphore(%arg8 : memref<!tpu.dma_semaphore, #tpu.memory_space<semaphore_mem>>)
    %dma_start3A_190 = arith.constant 19 : i32
    %dma_start3A_191 = arith.constant 19 : i32
    %dma_start3A_192 = arith.constant 0 : i32
    %dma_start3A_193 = tpu.memref_slice %arg6[%dma_start3A_191, %dma_start3A_192] : memref<50x128xf32, #tpu.memory_space<vmem>> -> memref<1x128xf32, #tpu.memory_space<vmem>>
    %dma_start3A_194 = tpu.memref_squeeze %dma_start3A_193 : memref<1x128xf32, #tpu.memory_space<vmem>> -> memref<128xf32, #tpu.memory_space<vmem>>
    %dma_start3A_195 = arith.constant 0 : i32
    %dma_start3A_196 = tpu.memref_slice %arg5[%dma_start3A_190, %dma_start3A_195] : memref<50x128xi32, #tpu.memory_space<vmem>> -> memref<1x128xi32, #tpu.memory_space<vmem>>
    %dma_start3A_197 = tpu.memref_squeeze %dma_start3A_196 : memref<1x128xi32, #tpu.memory_space<vmem>> -> memref<128xi32, #tpu.memory_space<vmem>>
    %dma_start3A_198 = arith.constant 0 : i32
    %dma_start3A_199 = tpu.memref_slice %arg2[%dma_start3A_198] : memref<1000000xf32, #tpu.memory_space<hbm>> -> memref<1000000xf32, #tpu.memory_space<hbm>>
    tpu.enqueue_indirect_dma source(%dma_start3A_199 : memref<1000000xf32, #tpu.memory_space<hbm>>) target(%dma_start3A_194 : memref<128xf32, #tpu.memory_space<vmem>>) offsets(%dma_start3A_197 : memref<128xi32, #tpu.memory_space<vmem>>) semaphore(%arg8 : memref<!tpu.dma_semaphore, #tpu.memory_space<semaphore_mem>>)
    %dma_start3A_200 = arith.constant 20 : i32
    %dma_start3A_201 = arith.constant 20 : i32
    %dma_start3A_202 = arith.constant 0 : i32
    %dma_start3A_203 = tpu.memref_slice %arg6[%dma_start3A_201, %dma_start3A_202] : memref<50x128xf32, #tpu.memory_space<vmem>> -> memref<1x128xf32, #tpu.memory_space<vmem>>
    %dma_start3A_204 = tpu.memref_squeeze %dma_start3A_203 : memref<1x128xf32, #tpu.memory_space<vmem>> -> memref<128xf32, #tpu.memory_space<vmem>>
    %dma_start3A_205 = arith.constant 0 : i32
    %dma_start3A_206 = tpu.memref_slice %arg5[%dma_start3A_200, %dma_start3A_205] : memref<50x128xi32, #tpu.memory_space<vmem>> -> memref<1x128xi32, #tpu.memory_space<vmem>>
    %dma_start3A_207 = tpu.memref_squeeze %dma_start3A_206 : memref<1x128xi32, #tpu.memory_space<vmem>> -> memref<128xi32, #tpu.memory_space<vmem>>
    %dma_start3A_208 = arith.constant 0 : i32
    %dma_start3A_209 = tpu.memref_slice %arg2[%dma_start3A_208] : memref<1000000xf32, #tpu.memory_space<hbm>> -> memref<1000000xf32, #tpu.memory_space<hbm>>
    tpu.enqueue_indirect_dma source(%dma_start3A_209 : memref<1000000xf32, #tpu.memory_space<hbm>>) target(%dma_start3A_204 : memref<128xf32, #tpu.memory_space<vmem>>) offsets(%dma_start3A_207 : memref<128xi32, #tpu.memory_space<vmem>>) semaphore(%arg8 : memref<!tpu.dma_semaphore, #tpu.memory_space<semaphore_mem>>)
    %dma_start3A_210 = arith.constant 21 : i32
    %dma_start3A_211 = arith.constant 21 : i32
    %dma_start3A_212 = arith.constant 0 : i32
    %dma_start3A_213 = tpu.memref_slice %arg6[%dma_start3A_211, %dma_start3A_212] : memref<50x128xf32, #tpu.memory_space<vmem>> -> memref<1x128xf32, #tpu.memory_space<vmem>>
    %dma_start3A_214 = tpu.memref_squeeze %dma_start3A_213 : memref<1x128xf32, #tpu.memory_space<vmem>> -> memref<128xf32, #tpu.memory_space<vmem>>
    %dma_start3A_215 = arith.constant 0 : i32
    %dma_start3A_216 = tpu.memref_slice %arg5[%dma_start3A_210, %dma_start3A_215] : memref<50x128xi32, #tpu.memory_space<vmem>> -> memref<1x128xi32, #tpu.memory_space<vmem>>
    %dma_start3A_217 = tpu.memref_squeeze %dma_start3A_216 : memref<1x128xi32, #tpu.memory_space<vmem>> -> memref<128xi32, #tpu.memory_space<vmem>>
    %dma_start3A_218 = arith.constant 0 : i32
    %dma_start3A_219 = tpu.memref_slice %arg2[%dma_start3A_218] : memref<1000000xf32, #tpu.memory_space<hbm>> -> memref<1000000xf32, #tpu.memory_space<hbm>>
    tpu.enqueue_indirect_dma source(%dma_start3A_219 : memref<1000000xf32, #tpu.memory_space<hbm>>) target(%dma_start3A_214 : memref<128xf32, #tpu.memory_space<vmem>>) offsets(%dma_start3A_217 : memref<128xi32, #tpu.memory_space<vmem>>) semaphore(%arg8 : memref<!tpu.dma_semaphore, #tpu.memory_space<semaphore_mem>>)
    %dma_start3A_220 = arith.constant 22 : i32
    %dma_start3A_221 = arith.constant 22 : i32
    %dma_start3A_222 = arith.constant 0 : i32
    %dma_start3A_223 = tpu.memref_slice %arg6[%dma_start3A_221, %dma_start3A_222] : memref<50x128xf32, #tpu.memory_space<vmem>> -> memref<1x128xf32, #tpu.memory_space<vmem>>
    %dma_start3A_224 = tpu.memref_squeeze %dma_start3A_223 : memref<1x128xf32, #tpu.memory_space<vmem>> -> memref<128xf32, #tpu.memory_space<vmem>>
    %dma_start3A_225 = arith.constant 0 : i32
    %dma_start3A_226 = tpu.memref_slice %arg5[%dma_start3A_220, %dma_start3A_225] : memref<50x128xi32, #tpu.memory_space<vmem>> -> memref<1x128xi32, #tpu.memory_space<vmem>>
    %dma_start3A_227 = tpu.memref_squeeze %dma_start3A_226 : memref<1x128xi32, #tpu.memory_space<vmem>> -> memref<128xi32, #tpu.memory_space<vmem>>
    %dma_start3A_228 = arith.constant 0 : i32
    %dma_start3A_229 = tpu.memref_slice %arg2[%dma_start3A_228] : memref<1000000xf32, #tpu.memory_space<hbm>> -> memref<1000000xf32, #tpu.memory_space<hbm>>
    tpu.enqueue_indirect_dma source(%dma_start3A_229 : memref<1000000xf32, #tpu.memory_space<hbm>>) target(%dma_start3A_224 : memref<128xf32, #tpu.memory_space<vmem>>) offsets(%dma_start3A_227 : memref<128xi32, #tpu.memory_space<vmem>>) semaphore(%arg8 : memref<!tpu.dma_semaphore, #tpu.memory_space<semaphore_mem>>)
    %dma_start3A_230 = arith.constant 23 : i32
    %dma_start3A_231 = arith.constant 23 : i32
    %dma_start3A_232 = arith.constant 0 : i32
    %dma_start3A_233 = tpu.memref_slice %arg6[%dma_start3A_231, %dma_start3A_232] : memref<50x128xf32, #tpu.memory_space<vmem>> -> memref<1x128xf32, #tpu.memory_space<vmem>>
    %dma_start3A_234 = tpu.memref_squeeze %dma_start3A_233 : memref<1x128xf32, #tpu.memory_space<vmem>> -> memref<128xf32, #tpu.memory_space<vmem>>
    %dma_start3A_235 = arith.constant 0 : i32
    %dma_start3A_236 = tpu.memref_slice %arg5[%dma_start3A_230, %dma_start3A_235] : memref<50x128xi32, #tpu.memory_space<vmem>> -> memref<1x128xi32, #tpu.memory_space<vmem>>
    %dma_start3A_237 = tpu.memref_squeeze %dma_start3A_236 : memref<1x128xi32, #tpu.memory_space<vmem>> -> memref<128xi32, #tpu.memory_space<vmem>>
    %dma_start3A_238 = arith.constant 0 : i32
    %dma_start3A_239 = tpu.memref_slice %arg2[%dma_start3A_238] : memref<1000000xf32, #tpu.memory_space<hbm>> -> memref<1000000xf32, #tpu.memory_space<hbm>>
    tpu.enqueue_indirect_dma source(%dma_start3A_239 : memref<1000000xf32, #tpu.memory_space<hbm>>) target(%dma_start3A_234 : memref<128xf32, #tpu.memory_space<vmem>>) offsets(%dma_start3A_237 : memref<128xi32, #tpu.memory_space<vmem>>) semaphore(%arg8 : memref<!tpu.dma_semaphore, #tpu.memory_space<semaphore_mem>>)
    %dma_start3A_240 = arith.constant 24 : i32
    %dma_start3A_241 = arith.constant 24 : i32
    %dma_start3A_242 = arith.constant 0 : i32
    %dma_start3A_243 = tpu.memref_slice %arg6[%dma_start3A_241, %dma_start3A_242] : memref<50x128xf32, #tpu.memory_space<vmem>> -> memref<1x128xf32, #tpu.memory_space<vmem>>
    %dma_start3A_244 = tpu.memref_squeeze %dma_start3A_243 : memref<1x128xf32, #tpu.memory_space<vmem>> -> memref<128xf32, #tpu.memory_space<vmem>>
    %dma_start3A_245 = arith.constant 0 : i32
    %dma_start3A_246 = tpu.memref_slice %arg5[%dma_start3A_240, %dma_start3A_245] : memref<50x128xi32, #tpu.memory_space<vmem>> -> memref<1x128xi32, #tpu.memory_space<vmem>>
    %dma_start3A_247 = tpu.memref_squeeze %dma_start3A_246 : memref<1x128xi32, #tpu.memory_space<vmem>> -> memref<128xi32, #tpu.memory_space<vmem>>
    %dma_start3A_248 = arith.constant 0 : i32
    %dma_start3A_249 = tpu.memref_slice %arg2[%dma_start3A_248] : memref<1000000xf32, #tpu.memory_space<hbm>> -> memref<1000000xf32, #tpu.memory_space<hbm>>
    tpu.enqueue_indirect_dma source(%dma_start3A_249 : memref<1000000xf32, #tpu.memory_space<hbm>>) target(%dma_start3A_244 : memref<128xf32, #tpu.memory_space<vmem>>) offsets(%dma_start3A_247 : memref<128xi32, #tpu.memory_space<vmem>>) semaphore(%arg8 : memref<!tpu.dma_semaphore, #tpu.memory_space<semaphore_mem>>)
    %dma_start3A_250 = arith.constant 25 : i32
    %dma_start3A_251 = arith.constant 25 : i32
    %dma_start3A_252 = arith.constant 0 : i32
    %dma_start3A_253 = tpu.memref_slice %arg6[%dma_start3A_251, %dma_start3A_252] : memref<50x128xf32, #tpu.memory_space<vmem>> -> memref<1x128xf32, #tpu.memory_space<vmem>>
    %dma_start3A_254 = tpu.memref_squeeze %dma_start3A_253 : memref<1x128xf32, #tpu.memory_space<vmem>> -> memref<128xf32, #tpu.memory_space<vmem>>
    %dma_start3A_255 = arith.constant 0 : i32
    %dma_start3A_256 = tpu.memref_slice %arg5[%dma_start3A_250, %dma_start3A_255] : memref<50x128xi32, #tpu.memory_space<vmem>> -> memref<1x128xi32, #tpu.memory_space<vmem>>
    %dma_start3A_257 = tpu.memref_squeeze %dma_start3A_256 : memref<1x128xi32, #tpu.memory_space<vmem>> -> memref<128xi32, #tpu.memory_space<vmem>>
    %dma_start3A_258 = arith.constant 0 : i32
    %dma_start3A_259 = tpu.memref_slice %arg2[%dma_start3A_258] : memref<1000000xf32, #tpu.memory_space<hbm>> -> memref<1000000xf32, #tpu.memory_space<hbm>>
    tpu.enqueue_indirect_dma source(%dma_start3A_259 : memref<1000000xf32, #tpu.memory_space<hbm>>) target(%dma_start3A_254 : memref<128xf32, #tpu.memory_space<vmem>>) offsets(%dma_start3A_257 : memref<128xi32, #tpu.memory_space<vmem>>) semaphore(%arg8 : memref<!tpu.dma_semaphore, #tpu.memory_space<semaphore_mem>>)
    %dma_start3A_260 = arith.constant 26 : i32
    %dma_start3A_261 = arith.constant 26 : i32
    %dma_start3A_262 = arith.constant 0 : i32
    %dma_start3A_263 = tpu.memref_slice %arg6[%dma_start3A_261, %dma_start3A_262] : memref<50x128xf32, #tpu.memory_space<vmem>> -> memref<1x128xf32, #tpu.memory_space<vmem>>
    %dma_start3A_264 = tpu.memref_squeeze %dma_start3A_263 : memref<1x128xf32, #tpu.memory_space<vmem>> -> memref<128xf32, #tpu.memory_space<vmem>>
    %dma_start3A_265 = arith.constant 0 : i32
    %dma_start3A_266 = tpu.memref_slice %arg5[%dma_start3A_260, %dma_start3A_265] : memref<50x128xi32, #tpu.memory_space<vmem>> -> memref<1x128xi32, #tpu.memory_space<vmem>>
    %dma_start3A_267 = tpu.memref_squeeze %dma_start3A_266 : memref<1x128xi32, #tpu.memory_space<vmem>> -> memref<128xi32, #tpu.memory_space<vmem>>
    %dma_start3A_268 = arith.constant 0 : i32
    %dma_start3A_269 = tpu.memref_slice %arg2[%dma_start3A_268] : memref<1000000xf32, #tpu.memory_space<hbm>> -> memref<1000000xf32, #tpu.memory_space<hbm>>
    tpu.enqueue_indirect_dma source(%dma_start3A_269 : memref<1000000xf32, #tpu.memory_space<hbm>>) target(%dma_start3A_264 : memref<128xf32, #tpu.memory_space<vmem>>) offsets(%dma_start3A_267 : memref<128xi32, #tpu.memory_space<vmem>>) semaphore(%arg8 : memref<!tpu.dma_semaphore, #tpu.memory_space<semaphore_mem>>)
    %dma_start3A_270 = arith.constant 27 : i32
    %dma_start3A_271 = arith.constant 27 : i32
    %dma_start3A_272 = arith.constant 0 : i32
    %dma_start3A_273 = tpu.memref_slice %arg6[%dma_start3A_271, %dma_start3A_272] : memref<50x128xf32, #tpu.memory_space<vmem>> -> memref<1x128xf32, #tpu.memory_space<vmem>>
    %dma_start3A_274 = tpu.memref_squeeze %dma_start3A_273 : memref<1x128xf32, #tpu.memory_space<vmem>> -> memref<128xf32, #tpu.memory_space<vmem>>
    %dma_start3A_275 = arith.constant 0 : i32
    %dma_start3A_276 = tpu.memref_slice %arg5[%dma_start3A_270, %dma_start3A_275] : memref<50x128xi32, #tpu.memory_space<vmem>> -> memref<1x128xi32, #tpu.memory_space<vmem>>
    %dma_start3A_277 = tpu.memref_squeeze %dma_start3A_276 : memref<1x128xi32, #tpu.memory_space<vmem>> -> memref<128xi32, #tpu.memory_space<vmem>>
    %dma_start3A_278 = arith.constant 0 : i32
    %dma_start3A_279 = tpu.memref_slice %arg2[%dma_start3A_278] : memref<1000000xf32, #tpu.memory_space<hbm>> -> memref<1000000xf32, #tpu.memory_space<hbm>>
    tpu.enqueue_indirect_dma source(%dma_start3A_279 : memref<1000000xf32, #tpu.memory_space<hbm>>) target(%dma_start3A_274 : memref<128xf32, #tpu.memory_space<vmem>>) offsets(%dma_start3A_277 : memref<128xi32, #tpu.memory_space<vmem>>) semaphore(%arg8 : memref<!tpu.dma_semaphore, #tpu.memory_space<semaphore_mem>>)
    %dma_start3A_280 = arith.constant 28 : i32
    %dma_start3A_281 = arith.constant 28 : i32
    %dma_start3A_282 = arith.constant 0 : i32
    %dma_start3A_283 = tpu.memref_slice %arg6[%dma_start3A_281, %dma_start3A_282] : memref<50x128xf32, #tpu.memory_space<vmem>> -> memref<1x128xf32, #tpu.memory_space<vmem>>
    %dma_start3A_284 = tpu.memref_squeeze %dma_start3A_283 : memref<1x128xf32, #tpu.memory_space<vmem>> -> memref<128xf32, #tpu.memory_space<vmem>>
    %dma_start3A_285 = arith.constant 0 : i32
    %dma_start3A_286 = tpu.memref_slice %arg5[%dma_start3A_280, %dma_start3A_285] : memref<50x128xi32, #tpu.memory_space<vmem>> -> memref<1x128xi32, #tpu.memory_space<vmem>>
    %dma_start3A_287 = tpu.memref_squeeze %dma_start3A_286 : memref<1x128xi32, #tpu.memory_space<vmem>> -> memref<128xi32, #tpu.memory_space<vmem>>
    %dma_start3A_288 = arith.constant 0 : i32
    %dma_start3A_289 = tpu.memref_slice %arg2[%dma_start3A_288] : memref<1000000xf32, #tpu.memory_space<hbm>> -> memref<1000000xf32, #tpu.memory_space<hbm>>
    tpu.enqueue_indirect_dma source(%dma_start3A_289 : memref<1000000xf32, #tpu.memory_space<hbm>>) target(%dma_start3A_284 : memref<128xf32, #tpu.memory_space<vmem>>) offsets(%dma_start3A_287 : memref<128xi32, #tpu.memory_space<vmem>>) semaphore(%arg8 : memref<!tpu.dma_semaphore, #tpu.memory_space<semaphore_mem>>)
    %dma_start3A_290 = arith.constant 29 : i32
    %dma_start3A_291 = arith.constant 29 : i32
    %dma_start3A_292 = arith.constant 0 : i32
    %dma_start3A_293 = tpu.memref_slice %arg6[%dma_start3A_291, %dma_start3A_292] : memref<50x128xf32, #tpu.memory_space<vmem>> -> memref<1x128xf32, #tpu.memory_space<vmem>>
    %dma_start3A_294 = tpu.memref_squeeze %dma_start3A_293 : memref<1x128xf32, #tpu.memory_space<vmem>> -> memref<128xf32, #tpu.memory_space<vmem>>
    %dma_start3A_295 = arith.constant 0 : i32
    %dma_start3A_296 = tpu.memref_slice %arg5[%dma_start3A_290, %dma_start3A_295] : memref<50x128xi32, #tpu.memory_space<vmem>> -> memref<1x128xi32, #tpu.memory_space<vmem>>
    %dma_start3A_297 = tpu.memref_squeeze %dma_start3A_296 : memref<1x128xi32, #tpu.memory_space<vmem>> -> memref<128xi32, #tpu.memory_space<vmem>>
    %dma_start3A_298 = arith.constant 0 : i32
    %dma_start3A_299 = tpu.memref_slice %arg2[%dma_start3A_298] : memref<1000000xf32, #tpu.memory_space<hbm>> -> memref<1000000xf32, #tpu.memory_space<hbm>>
    tpu.enqueue_indirect_dma source(%dma_start3A_299 : memref<1000000xf32, #tpu.memory_space<hbm>>) target(%dma_start3A_294 : memref<128xf32, #tpu.memory_space<vmem>>) offsets(%dma_start3A_297 : memref<128xi32, #tpu.memory_space<vmem>>) semaphore(%arg8 : memref<!tpu.dma_semaphore, #tpu.memory_space<semaphore_mem>>)
    %dma_start3A_300 = arith.constant 30 : i32
    %dma_start3A_301 = arith.constant 30 : i32
    %dma_start3A_302 = arith.constant 0 : i32
    %dma_start3A_303 = tpu.memref_slice %arg6[%dma_start3A_301, %dma_start3A_302] : memref<50x128xf32, #tpu.memory_space<vmem>> -> memref<1x128xf32, #tpu.memory_space<vmem>>
    %dma_start3A_304 = tpu.memref_squeeze %dma_start3A_303 : memref<1x128xf32, #tpu.memory_space<vmem>> -> memref<128xf32, #tpu.memory_space<vmem>>
    %dma_start3A_305 = arith.constant 0 : i32
    %dma_start3A_306 = tpu.memref_slice %arg5[%dma_start3A_300, %dma_start3A_305] : memref<50x128xi32, #tpu.memory_space<vmem>> -> memref<1x128xi32, #tpu.memory_space<vmem>>
    %dma_start3A_307 = tpu.memref_squeeze %dma_start3A_306 : memref<1x128xi32, #tpu.memory_space<vmem>> -> memref<128xi32, #tpu.memory_space<vmem>>
    %dma_start3A_308 = arith.constant 0 : i32
    %dma_start3A_309 = tpu.memref_slice %arg2[%dma_start3A_308] : memref<1000000xf32, #tpu.memory_space<hbm>> -> memref<1000000xf32, #tpu.memory_space<hbm>>
    tpu.enqueue_indirect_dma source(%dma_start3A_309 : memref<1000000xf32, #tpu.memory_space<hbm>>) target(%dma_start3A_304 : memref<128xf32, #tpu.memory_space<vmem>>) offsets(%dma_start3A_307 : memref<128xi32, #tpu.memory_space<vmem>>) semaphore(%arg8 : memref<!tpu.dma_semaphore, #tpu.memory_space<semaphore_mem>>)
    %dma_start3A_310 = arith.constant 31 : i32
    %dma_start3A_311 = arith.constant 31 : i32
    %dma_start3A_312 = arith.constant 0 : i32
    %dma_start3A_313 = tpu.memref_slice %arg6[%dma_start3A_311, %dma_start3A_312] : memref<50x128xf32, #tpu.memory_space<vmem>> -> memref<1x128xf32, #tpu.memory_space<vmem>>
    %dma_start3A_314 = tpu.memref_squeeze %dma_start3A_313 : memref<1x128xf32, #tpu.memory_space<vmem>> -> memref<128xf32, #tpu.memory_space<vmem>>
    %dma_start3A_315 = arith.constant 0 : i32
    %dma_start3A_316 = tpu.memref_slice %arg5[%dma_start3A_310, %dma_start3A_315] : memref<50x128xi32, #tpu.memory_space<vmem>> -> memref<1x128xi32, #tpu.memory_space<vmem>>
    %dma_start3A_317 = tpu.memref_squeeze %dma_start3A_316 : memref<1x128xi32, #tpu.memory_space<vmem>> -> memref<128xi32, #tpu.memory_space<vmem>>
    %dma_start3A_318 = arith.constant 0 : i32
    %dma_start3A_319 = tpu.memref_slice %arg2[%dma_start3A_318] : memref<1000000xf32, #tpu.memory_space<hbm>> -> memref<1000000xf32, #tpu.memory_space<hbm>>
    tpu.enqueue_indirect_dma source(%dma_start3A_319 : memref<1000000xf32, #tpu.memory_space<hbm>>) target(%dma_start3A_314 : memref<128xf32, #tpu.memory_space<vmem>>) offsets(%dma_start3A_317 : memref<128xi32, #tpu.memory_space<vmem>>) semaphore(%arg8 : memref<!tpu.dma_semaphore, #tpu.memory_space<semaphore_mem>>)
    %dma_start3A_320 = arith.constant 32 : i32
    %dma_start3A_321 = arith.constant 32 : i32
    %dma_start3A_322 = arith.constant 0 : i32
    %dma_start3A_323 = tpu.memref_slice %arg6[%dma_start3A_321, %dma_start3A_322] : memref<50x128xf32, #tpu.memory_space<vmem>> -> memref<1x128xf32, #tpu.memory_space<vmem>>
    %dma_start3A_324 = tpu.memref_squeeze %dma_start3A_323 : memref<1x128xf32, #tpu.memory_space<vmem>> -> memref<128xf32, #tpu.memory_space<vmem>>
    %dma_start3A_325 = arith.constant 0 : i32
    %dma_start3A_326 = tpu.memref_slice %arg5[%dma_start3A_320, %dma_start3A_325] : memref<50x128xi32, #tpu.memory_space<vmem>> -> memref<1x128xi32, #tpu.memory_space<vmem>>
    %dma_start3A_327 = tpu.memref_squeeze %dma_start3A_326 : memref<1x128xi32, #tpu.memory_space<vmem>> -> memref<128xi32, #tpu.memory_space<vmem>>
    %dma_start3A_328 = arith.constant 0 : i32
    %dma_start3A_329 = tpu.memref_slice %arg2[%dma_start3A_328] : memref<1000000xf32, #tpu.memory_space<hbm>> -> memref<1000000xf32, #tpu.memory_space<hbm>>
    tpu.enqueue_indirect_dma source(%dma_start3A_329 : memref<1000000xf32, #tpu.memory_space<hbm>>) target(%dma_start3A_324 : memref<128xf32, #tpu.memory_space<vmem>>) offsets(%dma_start3A_327 : memref<128xi32, #tpu.memory_space<vmem>>) semaphore(%arg8 : memref<!tpu.dma_semaphore, #tpu.memory_space<semaphore_mem>>)
    %dma_start3A_330 = arith.constant 33 : i32
    %dma_start3A_331 = arith.constant 33 : i32
    %dma_start3A_332 = arith.constant 0 : i32
    %dma_start3A_333 = tpu.memref_slice %arg6[%dma_start3A_331, %dma_start3A_332] : memref<50x128xf32, #tpu.memory_space<vmem>> -> memref<1x128xf32, #tpu.memory_space<vmem>>
    %dma_start3A_334 = tpu.memref_squeeze %dma_start3A_333 : memref<1x128xf32, #tpu.memory_space<vmem>> -> memref<128xf32, #tpu.memory_space<vmem>>
    %dma_start3A_335 = arith.constant 0 : i32
    %dma_start3A_336 = tpu.memref_slice %arg5[%dma_start3A_330, %dma_start3A_335] : memref<50x128xi32, #tpu.memory_space<vmem>> -> memref<1x128xi32, #tpu.memory_space<vmem>>
    %dma_start3A_337 = tpu.memref_squeeze %dma_start3A_336 : memref<1x128xi32, #tpu.memory_space<vmem>> -> memref<128xi32, #tpu.memory_space<vmem>>
    %dma_start3A_338 = arith.constant 0 : i32
    %dma_start3A_339 = tpu.memref_slice %arg2[%dma_start3A_338] : memref<1000000xf32, #tpu.memory_space<hbm>> -> memref<1000000xf32, #tpu.memory_space<hbm>>
    tpu.enqueue_indirect_dma source(%dma_start3A_339 : memref<1000000xf32, #tpu.memory_space<hbm>>) target(%dma_start3A_334 : memref<128xf32, #tpu.memory_space<vmem>>) offsets(%dma_start3A_337 : memref<128xi32, #tpu.memory_space<vmem>>) semaphore(%arg8 : memref<!tpu.dma_semaphore, #tpu.memory_space<semaphore_mem>>)
    %dma_start3A_340 = arith.constant 34 : i32
    %dma_start3A_341 = arith.constant 34 : i32
    %dma_start3A_342 = arith.constant 0 : i32
    %dma_start3A_343 = tpu.memref_slice %arg6[%dma_start3A_341, %dma_start3A_342] : memref<50x128xf32, #tpu.memory_space<vmem>> -> memref<1x128xf32, #tpu.memory_space<vmem>>
    %dma_start3A_344 = tpu.memref_squeeze %dma_start3A_343 : memref<1x128xf32, #tpu.memory_space<vmem>> -> memref<128xf32, #tpu.memory_space<vmem>>
    %dma_start3A_345 = arith.constant 0 : i32
    %dma_start3A_346 = tpu.memref_slice %arg5[%dma_start3A_340, %dma_start3A_345] : memref<50x128xi32, #tpu.memory_space<vmem>> -> memref<1x128xi32, #tpu.memory_space<vmem>>
    %dma_start3A_347 = tpu.memref_squeeze %dma_start3A_346 : memref<1x128xi32, #tpu.memory_space<vmem>> -> memref<128xi32, #tpu.memory_space<vmem>>
    %dma_start3A_348 = arith.constant 0 : i32
    %dma_start3A_349 = tpu.memref_slice %arg2[%dma_start3A_348] : memref<1000000xf32, #tpu.memory_space<hbm>> -> memref<1000000xf32, #tpu.memory_space<hbm>>
    tpu.enqueue_indirect_dma source(%dma_start3A_349 : memref<1000000xf32, #tpu.memory_space<hbm>>) target(%dma_start3A_344 : memref<128xf32, #tpu.memory_space<vmem>>) offsets(%dma_start3A_347 : memref<128xi32, #tpu.memory_space<vmem>>) semaphore(%arg8 : memref<!tpu.dma_semaphore, #tpu.memory_space<semaphore_mem>>)
    %dma_start3A_350 = arith.constant 35 : i32
    %dma_start3A_351 = arith.constant 35 : i32
    %dma_start3A_352 = arith.constant 0 : i32
    %dma_start3A_353 = tpu.memref_slice %arg6[%dma_start3A_351, %dma_start3A_352] : memref<50x128xf32, #tpu.memory_space<vmem>> -> memref<1x128xf32, #tpu.memory_space<vmem>>
    %dma_start3A_354 = tpu.memref_squeeze %dma_start3A_353 : memref<1x128xf32, #tpu.memory_space<vmem>> -> memref<128xf32, #tpu.memory_space<vmem>>
    %dma_start3A_355 = arith.constant 0 : i32
    %dma_start3A_356 = tpu.memref_slice %arg5[%dma_start3A_350, %dma_start3A_355] : memref<50x128xi32, #tpu.memory_space<vmem>> -> memref<1x128xi32, #tpu.memory_space<vmem>>
    %dma_start3A_357 = tpu.memref_squeeze %dma_start3A_356 : memref<1x128xi32, #tpu.memory_space<vmem>> -> memref<128xi32, #tpu.memory_space<vmem>>
    %dma_start3A_358 = arith.constant 0 : i32
    %dma_start3A_359 = tpu.memref_slice %arg2[%dma_start3A_358] : memref<1000000xf32, #tpu.memory_space<hbm>> -> memref<1000000xf32, #tpu.memory_space<hbm>>
    tpu.enqueue_indirect_dma source(%dma_start3A_359 : memref<1000000xf32, #tpu.memory_space<hbm>>) target(%dma_start3A_354 : memref<128xf32, #tpu.memory_space<vmem>>) offsets(%dma_start3A_357 : memref<128xi32, #tpu.memory_space<vmem>>) semaphore(%arg8 : memref<!tpu.dma_semaphore, #tpu.memory_space<semaphore_mem>>)
    %dma_start3A_360 = arith.constant 36 : i32
    %dma_start3A_361 = arith.constant 36 : i32
    %dma_start3A_362 = arith.constant 0 : i32
    %dma_start3A_363 = tpu.memref_slice %arg6[%dma_start3A_361, %dma_start3A_362] : memref<50x128xf32, #tpu.memory_space<vmem>> -> memref<1x128xf32, #tpu.memory_space<vmem>>
    %dma_start3A_364 = tpu.memref_squeeze %dma_start3A_363 : memref<1x128xf32, #tpu.memory_space<vmem>> -> memref<128xf32, #tpu.memory_space<vmem>>
    %dma_start3A_365 = arith.constant 0 : i32
    %dma_start3A_366 = tpu.memref_slice %arg5[%dma_start3A_360, %dma_start3A_365] : memref<50x128xi32, #tpu.memory_space<vmem>> -> memref<1x128xi32, #tpu.memory_space<vmem>>
    %dma_start3A_367 = tpu.memref_squeeze %dma_start3A_366 : memref<1x128xi32, #tpu.memory_space<vmem>> -> memref<128xi32, #tpu.memory_space<vmem>>
    %dma_start3A_368 = arith.constant 0 : i32
    %dma_start3A_369 = tpu.memref_slice %arg2[%dma_start3A_368] : memref<1000000xf32, #tpu.memory_space<hbm>> -> memref<1000000xf32, #tpu.memory_space<hbm>>
    tpu.enqueue_indirect_dma source(%dma_start3A_369 : memref<1000000xf32, #tpu.memory_space<hbm>>) target(%dma_start3A_364 : memref<128xf32, #tpu.memory_space<vmem>>) offsets(%dma_start3A_367 : memref<128xi32, #tpu.memory_space<vmem>>) semaphore(%arg8 : memref<!tpu.dma_semaphore, #tpu.memory_space<semaphore_mem>>)
    %dma_start3A_370 = arith.constant 37 : i32
    %dma_start3A_371 = arith.constant 37 : i32
    %dma_start3A_372 = arith.constant 0 : i32
    %dma_start3A_373 = tpu.memref_slice %arg6[%dma_start3A_371, %dma_start3A_372] : memref<50x128xf32, #tpu.memory_space<vmem>> -> memref<1x128xf32, #tpu.memory_space<vmem>>
    %dma_start3A_374 = tpu.memref_squeeze %dma_start3A_373 : memref<1x128xf32, #tpu.memory_space<vmem>> -> memref<128xf32, #tpu.memory_space<vmem>>
    %dma_start3A_375 = arith.constant 0 : i32
    %dma_start3A_376 = tpu.memref_slice %arg5[%dma_start3A_370, %dma_start3A_375] : memref<50x128xi32, #tpu.memory_space<vmem>> -> memref<1x128xi32, #tpu.memory_space<vmem>>
    %dma_start3A_377 = tpu.memref_squeeze %dma_start3A_376 : memref<1x128xi32, #tpu.memory_space<vmem>> -> memref<128xi32, #tpu.memory_space<vmem>>
    %dma_start3A_378 = arith.constant 0 : i32
    %dma_start3A_379 = tpu.memref_slice %arg2[%dma_start3A_378] : memref<1000000xf32, #tpu.memory_space<hbm>> -> memref<1000000xf32, #tpu.memory_space<hbm>>
    tpu.enqueue_indirect_dma source(%dma_start3A_379 : memref<1000000xf32, #tpu.memory_space<hbm>>) target(%dma_start3A_374 : memref<128xf32, #tpu.memory_space<vmem>>) offsets(%dma_start3A_377 : memref<128xi32, #tpu.memory_space<vmem>>) semaphore(%arg8 : memref<!tpu.dma_semaphore, #tpu.memory_space<semaphore_mem>>)
    %dma_start3A_380 = arith.constant 38 : i32
    %dma_start3A_381 = arith.constant 38 : i32
    %dma_start3A_382 = arith.constant 0 : i32
    %dma_start3A_383 = tpu.memref_slice %arg6[%dma_start3A_381, %dma_start3A_382] : memref<50x128xf32, #tpu.memory_space<vmem>> -> memref<1x128xf32, #tpu.memory_space<vmem>>
    %dma_start3A_384 = tpu.memref_squeeze %dma_start3A_383 : memref<1x128xf32, #tpu.memory_space<vmem>> -> memref<128xf32, #tpu.memory_space<vmem>>
    %dma_start3A_385 = arith.constant 0 : i32
    %dma_start3A_386 = tpu.memref_slice %arg5[%dma_start3A_380, %dma_start3A_385] : memref<50x128xi32, #tpu.memory_space<vmem>> -> memref<1x128xi32, #tpu.memory_space<vmem>>
    %dma_start3A_387 = tpu.memref_squeeze %dma_start3A_386 : memref<1x128xi32, #tpu.memory_space<vmem>> -> memref<128xi32, #tpu.memory_space<vmem>>
    %dma_start3A_388 = arith.constant 0 : i32
    %dma_start3A_389 = tpu.memref_slice %arg2[%dma_start3A_388] : memref<1000000xf32, #tpu.memory_space<hbm>> -> memref<1000000xf32, #tpu.memory_space<hbm>>
    tpu.enqueue_indirect_dma source(%dma_start3A_389 : memref<1000000xf32, #tpu.memory_space<hbm>>) target(%dma_start3A_384 : memref<128xf32, #tpu.memory_space<vmem>>) offsets(%dma_start3A_387 : memref<128xi32, #tpu.memory_space<vmem>>) semaphore(%arg8 : memref<!tpu.dma_semaphore, #tpu.memory_space<semaphore_mem>>)
    %dma_start3A_390 = arith.constant 39 : i32
    %dma_start3A_391 = arith.constant 39 : i32
    %dma_start3A_392 = arith.constant 0 : i32
    %dma_start3A_393 = tpu.memref_slice %arg6[%dma_start3A_391, %dma_start3A_392] : memref<50x128xf32, #tpu.memory_space<vmem>> -> memref<1x128xf32, #tpu.memory_space<vmem>>
    %dma_start3A_394 = tpu.memref_squeeze %dma_start3A_393 : memref<1x128xf32, #tpu.memory_space<vmem>> -> memref<128xf32, #tpu.memory_space<vmem>>
    %dma_start3A_395 = arith.constant 0 : i32
    %dma_start3A_396 = tpu.memref_slice %arg5[%dma_start3A_390, %dma_start3A_395] : memref<50x128xi32, #tpu.memory_space<vmem>> -> memref<1x128xi32, #tpu.memory_space<vmem>>
    %dma_start3A_397 = tpu.memref_squeeze %dma_start3A_396 : memref<1x128xi32, #tpu.memory_space<vmem>> -> memref<128xi32, #tpu.memory_space<vmem>>
    %dma_start3A_398 = arith.constant 0 : i32
    %dma_start3A_399 = tpu.memref_slice %arg2[%dma_start3A_398] : memref<1000000xf32, #tpu.memory_space<hbm>> -> memref<1000000xf32, #tpu.memory_space<hbm>>
    tpu.enqueue_indirect_dma source(%dma_start3A_399 : memref<1000000xf32, #tpu.memory_space<hbm>>) target(%dma_start3A_394 : memref<128xf32, #tpu.memory_space<vmem>>) offsets(%dma_start3A_397 : memref<128xi32, #tpu.memory_space<vmem>>) semaphore(%arg8 : memref<!tpu.dma_semaphore, #tpu.memory_space<semaphore_mem>>)
    %dma_start3A_400 = arith.constant 40 : i32
    %dma_start3A_401 = arith.constant 40 : i32
    %dma_start3A_402 = arith.constant 0 : i32
    %dma_start3A_403 = tpu.memref_slice %arg6[%dma_start3A_401, %dma_start3A_402] : memref<50x128xf32, #tpu.memory_space<vmem>> -> memref<1x128xf32, #tpu.memory_space<vmem>>
    %dma_start3A_404 = tpu.memref_squeeze %dma_start3A_403 : memref<1x128xf32, #tpu.memory_space<vmem>> -> memref<128xf32, #tpu.memory_space<vmem>>
    %dma_start3A_405 = arith.constant 0 : i32
    %dma_start3A_406 = tpu.memref_slice %arg5[%dma_start3A_400, %dma_start3A_405] : memref<50x128xi32, #tpu.memory_space<vmem>> -> memref<1x128xi32, #tpu.memory_space<vmem>>
    %dma_start3A_407 = tpu.memref_squeeze %dma_start3A_406 : memref<1x128xi32, #tpu.memory_space<vmem>> -> memref<128xi32, #tpu.memory_space<vmem>>
    %dma_start3A_408 = arith.constant 0 : i32
    %dma_start3A_409 = tpu.memref_slice %arg2[%dma_start3A_408] : memref<1000000xf32, #tpu.memory_space<hbm>> -> memref<1000000xf32, #tpu.memory_space<hbm>>
    tpu.enqueue_indirect_dma source(%dma_start3A_409 : memref<1000000xf32, #tpu.memory_space<hbm>>) target(%dma_start3A_404 : memref<128xf32, #tpu.memory_space<vmem>>) offsets(%dma_start3A_407 : memref<128xi32, #tpu.memory_space<vmem>>) semaphore(%arg8 : memref<!tpu.dma_semaphore, #tpu.memory_space<semaphore_mem>>)
    %dma_start3A_410 = arith.constant 41 : i32
    %dma_start3A_411 = arith.constant 41 : i32
    %dma_start3A_412 = arith.constant 0 : i32
    %dma_start3A_413 = tpu.memref_slice %arg6[%dma_start3A_411, %dma_start3A_412] : memref<50x128xf32, #tpu.memory_space<vmem>> -> memref<1x128xf32, #tpu.memory_space<vmem>>
    %dma_start3A_414 = tpu.memref_squeeze %dma_start3A_413 : memref<1x128xf32, #tpu.memory_space<vmem>> -> memref<128xf32, #tpu.memory_space<vmem>>
    %dma_start3A_415 = arith.constant 0 : i32
    %dma_start3A_416 = tpu.memref_slice %arg5[%dma_start3A_410, %dma_start3A_415] : memref<50x128xi32, #tpu.memory_space<vmem>> -> memref<1x128xi32, #tpu.memory_space<vmem>>
    %dma_start3A_417 = tpu.memref_squeeze %dma_start3A_416 : memref<1x128xi32, #tpu.memory_space<vmem>> -> memref<128xi32, #tpu.memory_space<vmem>>
    %dma_start3A_418 = arith.constant 0 : i32
    %dma_start3A_419 = tpu.memref_slice %arg2[%dma_start3A_418] : memref<1000000xf32, #tpu.memory_space<hbm>> -> memref<1000000xf32, #tpu.memory_space<hbm>>
    tpu.enqueue_indirect_dma source(%dma_start3A_419 : memref<1000000xf32, #tpu.memory_space<hbm>>) target(%dma_start3A_414 : memref<128xf32, #tpu.memory_space<vmem>>) offsets(%dma_start3A_417 : memref<128xi32, #tpu.memory_space<vmem>>) semaphore(%arg8 : memref<!tpu.dma_semaphore, #tpu.memory_space<semaphore_mem>>)
    %dma_start3A_420 = arith.constant 42 : i32
    %dma_start3A_421 = arith.constant 42 : i32
    %dma_start3A_422 = arith.constant 0 : i32
    %dma_start3A_423 = tpu.memref_slice %arg6[%dma_start3A_421, %dma_start3A_422] : memref<50x128xf32, #tpu.memory_space<vmem>> -> memref<1x128xf32, #tpu.memory_space<vmem>>
    %dma_start3A_424 = tpu.memref_squeeze %dma_start3A_423 : memref<1x128xf32, #tpu.memory_space<vmem>> -> memref<128xf32, #tpu.memory_space<vmem>>
    %dma_start3A_425 = arith.constant 0 : i32
    %dma_start3A_426 = tpu.memref_slice %arg5[%dma_start3A_420, %dma_start3A_425] : memref<50x128xi32, #tpu.memory_space<vmem>> -> memref<1x128xi32, #tpu.memory_space<vmem>>
    %dma_start3A_427 = tpu.memref_squeeze %dma_start3A_426 : memref<1x128xi32, #tpu.memory_space<vmem>> -> memref<128xi32, #tpu.memory_space<vmem>>
    %dma_start3A_428 = arith.constant 0 : i32
    %dma_start3A_429 = tpu.memref_slice %arg2[%dma_start3A_428] : memref<1000000xf32, #tpu.memory_space<hbm>> -> memref<1000000xf32, #tpu.memory_space<hbm>>
    tpu.enqueue_indirect_dma source(%dma_start3A_429 : memref<1000000xf32, #tpu.memory_space<hbm>>) target(%dma_start3A_424 : memref<128xf32, #tpu.memory_space<vmem>>) offsets(%dma_start3A_427 : memref<128xi32, #tpu.memory_space<vmem>>) semaphore(%arg8 : memref<!tpu.dma_semaphore, #tpu.memory_space<semaphore_mem>>)
    %dma_start3A_430 = arith.constant 43 : i32
    %dma_start3A_431 = arith.constant 43 : i32
    %dma_start3A_432 = arith.constant 0 : i32
    %dma_start3A_433 = tpu.memref_slice %arg6[%dma_start3A_431, %dma_start3A_432] : memref<50x128xf32, #tpu.memory_space<vmem>> -> memref<1x128xf32, #tpu.memory_space<vmem>>
    %dma_start3A_434 = tpu.memref_squeeze %dma_start3A_433 : memref<1x128xf32, #tpu.memory_space<vmem>> -> memref<128xf32, #tpu.memory_space<vmem>>
    %dma_start3A_435 = arith.constant 0 : i32
    %dma_start3A_436 = tpu.memref_slice %arg5[%dma_start3A_430, %dma_start3A_435] : memref<50x128xi32, #tpu.memory_space<vmem>> -> memref<1x128xi32, #tpu.memory_space<vmem>>
    %dma_start3A_437 = tpu.memref_squeeze %dma_start3A_436 : memref<1x128xi32, #tpu.memory_space<vmem>> -> memref<128xi32, #tpu.memory_space<vmem>>
    %dma_start3A_438 = arith.constant 0 : i32
    %dma_start3A_439 = tpu.memref_slice %arg2[%dma_start3A_438] : memref<1000000xf32, #tpu.memory_space<hbm>> -> memref<1000000xf32, #tpu.memory_space<hbm>>
    tpu.enqueue_indirect_dma source(%dma_start3A_439 : memref<1000000xf32, #tpu.memory_space<hbm>>) target(%dma_start3A_434 : memref<128xf32, #tpu.memory_space<vmem>>) offsets(%dma_start3A_437 : memref<128xi32, #tpu.memory_space<vmem>>) semaphore(%arg8 : memref<!tpu.dma_semaphore, #tpu.memory_space<semaphore_mem>>)
    %dma_start3A_440 = arith.constant 44 : i32
    %dma_start3A_441 = arith.constant 44 : i32
    %dma_start3A_442 = arith.constant 0 : i32
    %dma_start3A_443 = tpu.memref_slice %arg6[%dma_start3A_441, %dma_start3A_442] : memref<50x128xf32, #tpu.memory_space<vmem>> -> memref<1x128xf32, #tpu.memory_space<vmem>>
    %dma_start3A_444 = tpu.memref_squeeze %dma_start3A_443 : memref<1x128xf32, #tpu.memory_space<vmem>> -> memref<128xf32, #tpu.memory_space<vmem>>
    %dma_start3A_445 = arith.constant 0 : i32
    %dma_start3A_446 = tpu.memref_slice %arg5[%dma_start3A_440, %dma_start3A_445] : memref<50x128xi32, #tpu.memory_space<vmem>> -> memref<1x128xi32, #tpu.memory_space<vmem>>
    %dma_start3A_447 = tpu.memref_squeeze %dma_start3A_446 : memref<1x128xi32, #tpu.memory_space<vmem>> -> memref<128xi32, #tpu.memory_space<vmem>>
    %dma_start3A_448 = arith.constant 0 : i32
    %dma_start3A_449 = tpu.memref_slice %arg2[%dma_start3A_448] : memref<1000000xf32, #tpu.memory_space<hbm>> -> memref<1000000xf32, #tpu.memory_space<hbm>>
    tpu.enqueue_indirect_dma source(%dma_start3A_449 : memref<1000000xf32, #tpu.memory_space<hbm>>) target(%dma_start3A_444 : memref<128xf32, #tpu.memory_space<vmem>>) offsets(%dma_start3A_447 : memref<128xi32, #tpu.memory_space<vmem>>) semaphore(%arg8 : memref<!tpu.dma_semaphore, #tpu.memory_space<semaphore_mem>>)
    %dma_start3A_450 = arith.constant 45 : i32
    %dma_start3A_451 = arith.constant 45 : i32
    %dma_start3A_452 = arith.constant 0 : i32
    %dma_start3A_453 = tpu.memref_slice %arg6[%dma_start3A_451, %dma_start3A_452] : memref<50x128xf32, #tpu.memory_space<vmem>> -> memref<1x128xf32, #tpu.memory_space<vmem>>
    %dma_start3A_454 = tpu.memref_squeeze %dma_start3A_453 : memref<1x128xf32, #tpu.memory_space<vmem>> -> memref<128xf32, #tpu.memory_space<vmem>>
    %dma_start3A_455 = arith.constant 0 : i32
    %dma_start3A_456 = tpu.memref_slice %arg5[%dma_start3A_450, %dma_start3A_455] : memref<50x128xi32, #tpu.memory_space<vmem>> -> memref<1x128xi32, #tpu.memory_space<vmem>>
    %dma_start3A_457 = tpu.memref_squeeze %dma_start3A_456 : memref<1x128xi32, #tpu.memory_space<vmem>> -> memref<128xi32, #tpu.memory_space<vmem>>
    %dma_start3A_458 = arith.constant 0 : i32
    %dma_start3A_459 = tpu.memref_slice %arg2[%dma_start3A_458] : memref<1000000xf32, #tpu.memory_space<hbm>> -> memref<1000000xf32, #tpu.memory_space<hbm>>
    tpu.enqueue_indirect_dma source(%dma_start3A_459 : memref<1000000xf32, #tpu.memory_space<hbm>>) target(%dma_start3A_454 : memref<128xf32, #tpu.memory_space<vmem>>) offsets(%dma_start3A_457 : memref<128xi32, #tpu.memory_space<vmem>>) semaphore(%arg8 : memref<!tpu.dma_semaphore, #tpu.memory_space<semaphore_mem>>)
    %dma_start3A_460 = arith.constant 46 : i32
    %dma_start3A_461 = arith.constant 46 : i32
    %dma_start3A_462 = arith.constant 0 : i32
    %dma_start3A_463 = tpu.memref_slice %arg6[%dma_start3A_461, %dma_start3A_462] : memref<50x128xf32, #tpu.memory_space<vmem>> -> memref<1x128xf32, #tpu.memory_space<vmem>>
    %dma_start3A_464 = tpu.memref_squeeze %dma_start3A_463 : memref<1x128xf32, #tpu.memory_space<vmem>> -> memref<128xf32, #tpu.memory_space<vmem>>
    %dma_start3A_465 = arith.constant 0 : i32
    %dma_start3A_466 = tpu.memref_slice %arg5[%dma_start3A_460, %dma_start3A_465] : memref<50x128xi32, #tpu.memory_space<vmem>> -> memref<1x128xi32, #tpu.memory_space<vmem>>
    %dma_start3A_467 = tpu.memref_squeeze %dma_start3A_466 : memref<1x128xi32, #tpu.memory_space<vmem>> -> memref<128xi32, #tpu.memory_space<vmem>>
    %dma_start3A_468 = arith.constant 0 : i32
    %dma_start3A_469 = tpu.memref_slice %arg2[%dma_start3A_468] : memref<1000000xf32, #tpu.memory_space<hbm>> -> memref<1000000xf32, #tpu.memory_space<hbm>>
    tpu.enqueue_indirect_dma source(%dma_start3A_469 : memref<1000000xf32, #tpu.memory_space<hbm>>) target(%dma_start3A_464 : memref<128xf32, #tpu.memory_space<vmem>>) offsets(%dma_start3A_467 : memref<128xi32, #tpu.memory_space<vmem>>) semaphore(%arg8 : memref<!tpu.dma_semaphore, #tpu.memory_space<semaphore_mem>>)
    %dma_start3A_470 = arith.constant 47 : i32
    %dma_start3A_471 = arith.constant 47 : i32
    %dma_start3A_472 = arith.constant 0 : i32
    %dma_start3A_473 = tpu.memref_slice %arg6[%dma_start3A_471, %dma_start3A_472] : memref<50x128xf32, #tpu.memory_space<vmem>> -> memref<1x128xf32, #tpu.memory_space<vmem>>
    %dma_start3A_474 = tpu.memref_squeeze %dma_start3A_473 : memref<1x128xf32, #tpu.memory_space<vmem>> -> memref<128xf32, #tpu.memory_space<vmem>>
    %dma_start3A_475 = arith.constant 0 : i32
    %dma_start3A_476 = tpu.memref_slice %arg5[%dma_start3A_470, %dma_start3A_475] : memref<50x128xi32, #tpu.memory_space<vmem>> -> memref<1x128xi32, #tpu.memory_space<vmem>>
    %dma_start3A_477 = tpu.memref_squeeze %dma_start3A_476 : memref<1x128xi32, #tpu.memory_space<vmem>> -> memref<128xi32, #tpu.memory_space<vmem>>
    %dma_start3A_478 = arith.constant 0 : i32
    %dma_start3A_479 = tpu.memref_slice %arg2[%dma_start3A_478] : memref<1000000xf32, #tpu.memory_space<hbm>> -> memref<1000000xf32, #tpu.memory_space<hbm>>
    tpu.enqueue_indirect_dma source(%dma_start3A_479 : memref<1000000xf32, #tpu.memory_space<hbm>>) target(%dma_start3A_474 : memref<128xf32, #tpu.memory_space<vmem>>) offsets(%dma_start3A_477 : memref<128xi32, #tpu.memory_space<vmem>>) semaphore(%arg8 : memref<!tpu.dma_semaphore, #tpu.memory_space<semaphore_mem>>)
    %dma_start3A_480 = arith.constant 48 : i32
    %dma_start3A_481 = arith.constant 48 : i32
    %dma_start3A_482 = arith.constant 0 : i32
    %dma_start3A_483 = tpu.memref_slice %arg6[%dma_start3A_481, %dma_start3A_482] : memref<50x128xf32, #tpu.memory_space<vmem>> -> memref<1x128xf32, #tpu.memory_space<vmem>>
    %dma_start3A_484 = tpu.memref_squeeze %dma_start3A_483 : memref<1x128xf32, #tpu.memory_space<vmem>> -> memref<128xf32, #tpu.memory_space<vmem>>
    %dma_start3A_485 = arith.constant 0 : i32
    %dma_start3A_486 = tpu.memref_slice %arg5[%dma_start3A_480, %dma_start3A_485] : memref<50x128xi32, #tpu.memory_space<vmem>> -> memref<1x128xi32, #tpu.memory_space<vmem>>
    %dma_start3A_487 = tpu.memref_squeeze %dma_start3A_486 : memref<1x128xi32, #tpu.memory_space<vmem>> -> memref<128xi32, #tpu.memory_space<vmem>>
    %dma_start3A_488 = arith.constant 0 : i32
    %dma_start3A_489 = tpu.memref_slice %arg2[%dma_start3A_488] : memref<1000000xf32, #tpu.memory_space<hbm>> -> memref<1000000xf32, #tpu.memory_space<hbm>>
    tpu.enqueue_indirect_dma source(%dma_start3A_489 : memref<1000000xf32, #tpu.memory_space<hbm>>) target(%dma_start3A_484 : memref<128xf32, #tpu.memory_space<vmem>>) offsets(%dma_start3A_487 : memref<128xi32, #tpu.memory_space<vmem>>) semaphore(%arg8 : memref<!tpu.dma_semaphore, #tpu.memory_space<semaphore_mem>>)
    %dma_start3A_490 = arith.constant 49 : i32
    %dma_start3A_491 = arith.constant 49 : i32
    %dma_start3A_492 = arith.constant 0 : i32
    %dma_start3A_493 = tpu.memref_slice %arg6[%dma_start3A_491, %dma_start3A_492] : memref<50x128xf32, #tpu.memory_space<vmem>> -> memref<1x128xf32, #tpu.memory_space<vmem>>
    %dma_start3A_494 = tpu.memref_squeeze %dma_start3A_493 : memref<1x128xf32, #tpu.memory_space<vmem>> -> memref<128xf32, #tpu.memory_space<vmem>>
    %dma_start3A_495 = arith.constant 0 : i32
    %dma_start3A_496 = tpu.memref_slice %arg5[%dma_start3A_490, %dma_start3A_495] : memref<50x128xi32, #tpu.memory_space<vmem>> -> memref<1x128xi32, #tpu.memory_space<vmem>>
    %dma_start3A_497 = tpu.memref_squeeze %dma_start3A_496 : memref<1x128xi32, #tpu.memory_space<vmem>> -> memref<128xi32, #tpu.memory_space<vmem>>
    %dma_start3A_498 = arith.constant 0 : i32
    %dma_start3A_499 = tpu.memref_slice %arg2[%dma_start3A_498] : memref<1000000xf32, #tpu.memory_space<hbm>> -> memref<1000000xf32, #tpu.memory_space<hbm>>
    tpu.enqueue_indirect_dma source(%dma_start3A_499 : memref<1000000xf32, #tpu.memory_space<hbm>>) target(%dma_start3A_494 : memref<128xf32, #tpu.memory_space<vmem>>) offsets(%dma_start3A_497 : memref<128xi32, #tpu.memory_space<vmem>>) semaphore(%arg8 : memref<!tpu.dma_semaphore, #tpu.memory_space<semaphore_mem>>)
    %dma_wait3A = arith.constant 0 : i32
    %dma_wait3A_500 = arith.constant 0 : i32
    %dma_wait3A_501 = arith.constant 0 : i32
    %dma_wait3A_502 = tpu.memref_slice %arg6[%dma_wait3A_500, %dma_wait3A_501] : memref<50x128xf32, #tpu.memory_space<vmem>> -> memref<1x128xf32, #tpu.memory_space<vmem>>
    %dma_wait3A_503 = tpu.memref_squeeze %dma_wait3A_502 : memref<1x128xf32, #tpu.memory_space<vmem>> -> memref<128xf32, #tpu.memory_space<vmem>>
    %dma_wait3A_504 = arith.constant 0 : i32
    %dma_wait3A_505 = tpu.memref_slice %arg5[%dma_wait3A, %dma_wait3A_504] : memref<50x128xi32, #tpu.memory_space<vmem>> -> memref<1x128xi32, #tpu.memory_space<vmem>>
    %dma_wait3A_506 = tpu.memref_squeeze %dma_wait3A_505 : memref<1x128xi32, #tpu.memory_space<vmem>> -> memref<128xi32, #tpu.memory_space<vmem>>
    %dma_wait3A_507 = arith.constant 0 : i32
    %dma_wait3A_508 = tpu.memref_slice %arg2[%dma_wait3A_507] : memref<1000000xf32, #tpu.memory_space<hbm>> -> memref<1000000xf32, #tpu.memory_space<hbm>>
    tpu.wait_indirect_dma semaphore(%arg8 : memref<!tpu.dma_semaphore, #tpu.memory_space<semaphore_mem>>) src(%dma_wait3A_508 : memref<1000000xf32, #tpu.memory_space<hbm>>) dst(%dma_wait3A_503 : memref<128xf32, #tpu.memory_space<vmem>>)
    %dma_wait3A_509 = arith.constant 1 : i32
    %dma_wait3A_510 = arith.constant 1 : i32
    %dma_wait3A_511 = arith.constant 0 : i32
    %dma_wait3A_512 = tpu.memref_slice %arg6[%dma_wait3A_510, %dma_wait3A_511] : memref<50x128xf32, #tpu.memory_space<vmem>> -> memref<1x128xf32, #tpu.memory_space<vmem>>
    %dma_wait3A_513 = tpu.memref_squeeze %dma_wait3A_512 : memref<1x128xf32, #tpu.memory_space<vmem>> -> memref<128xf32, #tpu.memory_space<vmem>>
    %dma_wait3A_514 = arith.constant 0 : i32
    %dma_wait3A_515 = tpu.memref_slice %arg5[%dma_wait3A_509, %dma_wait3A_514] : memref<50x128xi32, #tpu.memory_space<vmem>> -> memref<1x128xi32, #tpu.memory_space<vmem>>
    %dma_wait3A_516 = tpu.memref_squeeze %dma_wait3A_515 : memref<1x128xi32, #tpu.memory_space<vmem>> -> memref<128xi32, #tpu.memory_space<vmem>>
    %dma_wait3A_517 = arith.constant 0 : i32
    %dma_wait3A_518 = tpu.memref_slice %arg2[%dma_wait3A_517] : memref<1000000xf32, #tpu.memory_space<hbm>> -> memref<1000000xf32, #tpu.memory_space<hbm>>
    tpu.wait_indirect_dma semaphore(%arg8 : memref<!tpu.dma_semaphore, #tpu.memory_space<semaphore_mem>>) src(%dma_wait3A_518 : memref<1000000xf32, #tpu.memory_space<hbm>>) dst(%dma_wait3A_513 : memref<128xf32, #tpu.memory_space<vmem>>)
    %dma_wait3A_519 = arith.constant 2 : i32
    %dma_wait3A_520 = arith.constant 2 : i32
    %dma_wait3A_521 = arith.constant 0 : i32
    %dma_wait3A_522 = tpu.memref_slice %arg6[%dma_wait3A_520, %dma_wait3A_521] : memref<50x128xf32, #tpu.memory_space<vmem>> -> memref<1x128xf32, #tpu.memory_space<vmem>>
    %dma_wait3A_523 = tpu.memref_squeeze %dma_wait3A_522 : memref<1x128xf32, #tpu.memory_space<vmem>> -> memref<128xf32, #tpu.memory_space<vmem>>
    %dma_wait3A_524 = arith.constant 0 : i32
    %dma_wait3A_525 = tpu.memref_slice %arg5[%dma_wait3A_519, %dma_wait3A_524] : memref<50x128xi32, #tpu.memory_space<vmem>> -> memref<1x128xi32, #tpu.memory_space<vmem>>
    %dma_wait3A_526 = tpu.memref_squeeze %dma_wait3A_525 : memref<1x128xi32, #tpu.memory_space<vmem>> -> memref<128xi32, #tpu.memory_space<vmem>>
    %dma_wait3A_527 = arith.constant 0 : i32
    %dma_wait3A_528 = tpu.memref_slice %arg2[%dma_wait3A_527] : memref<1000000xf32, #tpu.memory_space<hbm>> -> memref<1000000xf32, #tpu.memory_space<hbm>>
    tpu.wait_indirect_dma semaphore(%arg8 : memref<!tpu.dma_semaphore, #tpu.memory_space<semaphore_mem>>) src(%dma_wait3A_528 : memref<1000000xf32, #tpu.memory_space<hbm>>) dst(%dma_wait3A_523 : memref<128xf32, #tpu.memory_space<vmem>>)
    %dma_wait3A_529 = arith.constant 3 : i32
    %dma_wait3A_530 = arith.constant 3 : i32
    %dma_wait3A_531 = arith.constant 0 : i32
    %dma_wait3A_532 = tpu.memref_slice %arg6[%dma_wait3A_530, %dma_wait3A_531] : memref<50x128xf32, #tpu.memory_space<vmem>> -> memref<1x128xf32, #tpu.memory_space<vmem>>
    %dma_wait3A_533 = tpu.memref_squeeze %dma_wait3A_532 : memref<1x128xf32, #tpu.memory_space<vmem>> -> memref<128xf32, #tpu.memory_space<vmem>>
    %dma_wait3A_534 = arith.constant 0 : i32
    %dma_wait3A_535 = tpu.memref_slice %arg5[%dma_wait3A_529, %dma_wait3A_534] : memref<50x128xi32, #tpu.memory_space<vmem>> -> memref<1x128xi32, #tpu.memory_space<vmem>>
    %dma_wait3A_536 = tpu.memref_squeeze %dma_wait3A_535 : memref<1x128xi32, #tpu.memory_space<vmem>> -> memref<128xi32, #tpu.memory_space<vmem>>
    %dma_wait3A_537 = arith.constant 0 : i32
    %dma_wait3A_538 = tpu.memref_slice %arg2[%dma_wait3A_537] : memref<1000000xf32, #tpu.memory_space<hbm>> -> memref<1000000xf32, #tpu.memory_space<hbm>>
    tpu.wait_indirect_dma semaphore(%arg8 : memref<!tpu.dma_semaphore, #tpu.memory_space<semaphore_mem>>) src(%dma_wait3A_538 : memref<1000000xf32, #tpu.memory_space<hbm>>) dst(%dma_wait3A_533 : memref<128xf32, #tpu.memory_space<vmem>>)
    %dma_wait3A_539 = arith.constant 4 : i32
    %dma_wait3A_540 = arith.constant 4 : i32
    %dma_wait3A_541 = arith.constant 0 : i32
    %dma_wait3A_542 = tpu.memref_slice %arg6[%dma_wait3A_540, %dma_wait3A_541] : memref<50x128xf32, #tpu.memory_space<vmem>> -> memref<1x128xf32, #tpu.memory_space<vmem>>
    %dma_wait3A_543 = tpu.memref_squeeze %dma_wait3A_542 : memref<1x128xf32, #tpu.memory_space<vmem>> -> memref<128xf32, #tpu.memory_space<vmem>>
    %dma_wait3A_544 = arith.constant 0 : i32
    %dma_wait3A_545 = tpu.memref_slice %arg5[%dma_wait3A_539, %dma_wait3A_544] : memref<50x128xi32, #tpu.memory_space<vmem>> -> memref<1x128xi32, #tpu.memory_space<vmem>>
    %dma_wait3A_546 = tpu.memref_squeeze %dma_wait3A_545 : memref<1x128xi32, #tpu.memory_space<vmem>> -> memref<128xi32, #tpu.memory_space<vmem>>
    %dma_wait3A_547 = arith.constant 0 : i32
    %dma_wait3A_548 = tpu.memref_slice %arg2[%dma_wait3A_547] : memref<1000000xf32, #tpu.memory_space<hbm>> -> memref<1000000xf32, #tpu.memory_space<hbm>>
    tpu.wait_indirect_dma semaphore(%arg8 : memref<!tpu.dma_semaphore, #tpu.memory_space<semaphore_mem>>) src(%dma_wait3A_548 : memref<1000000xf32, #tpu.memory_space<hbm>>) dst(%dma_wait3A_543 : memref<128xf32, #tpu.memory_space<vmem>>)
    %dma_wait3A_549 = arith.constant 5 : i32
    %dma_wait3A_550 = arith.constant 5 : i32
    %dma_wait3A_551 = arith.constant 0 : i32
    %dma_wait3A_552 = tpu.memref_slice %arg6[%dma_wait3A_550, %dma_wait3A_551] : memref<50x128xf32, #tpu.memory_space<vmem>> -> memref<1x128xf32, #tpu.memory_space<vmem>>
    %dma_wait3A_553 = tpu.memref_squeeze %dma_wait3A_552 : memref<1x128xf32, #tpu.memory_space<vmem>> -> memref<128xf32, #tpu.memory_space<vmem>>
    %dma_wait3A_554 = arith.constant 0 : i32
    %dma_wait3A_555 = tpu.memref_slice %arg5[%dma_wait3A_549, %dma_wait3A_554] : memref<50x128xi32, #tpu.memory_space<vmem>> -> memref<1x128xi32, #tpu.memory_space<vmem>>
    %dma_wait3A_556 = tpu.memref_squeeze %dma_wait3A_555 : memref<1x128xi32, #tpu.memory_space<vmem>> -> memref<128xi32, #tpu.memory_space<vmem>>
    %dma_wait3A_557 = arith.constant 0 : i32
    %dma_wait3A_558 = tpu.memref_slice %arg2[%dma_wait3A_557] : memref<1000000xf32, #tpu.memory_space<hbm>> -> memref<1000000xf32, #tpu.memory_space<hbm>>
    tpu.wait_indirect_dma semaphore(%arg8 : memref<!tpu.dma_semaphore, #tpu.memory_space<semaphore_mem>>) src(%dma_wait3A_558 : memref<1000000xf32, #tpu.memory_space<hbm>>) dst(%dma_wait3A_553 : memref<128xf32, #tpu.memory_space<vmem>>)
    %dma_wait3A_559 = arith.constant 6 : i32
    %dma_wait3A_560 = arith.constant 6 : i32
    %dma_wait3A_561 = arith.constant 0 : i32
    %dma_wait3A_562 = tpu.memref_slice %arg6[%dma_wait3A_560, %dma_wait3A_561] : memref<50x128xf32, #tpu.memory_space<vmem>> -> memref<1x128xf32, #tpu.memory_space<vmem>>
    %dma_wait3A_563 = tpu.memref_squeeze %dma_wait3A_562 : memref<1x128xf32, #tpu.memory_space<vmem>> -> memref<128xf32, #tpu.memory_space<vmem>>
    %dma_wait3A_564 = arith.constant 0 : i32
    %dma_wait3A_565 = tpu.memref_slice %arg5[%dma_wait3A_559, %dma_wait3A_564] : memref<50x128xi32, #tpu.memory_space<vmem>> -> memref<1x128xi32, #tpu.memory_space<vmem>>
    %dma_wait3A_566 = tpu.memref_squeeze %dma_wait3A_565 : memref<1x128xi32, #tpu.memory_space<vmem>> -> memref<128xi32, #tpu.memory_space<vmem>>
    %dma_wait3A_567 = arith.constant 0 : i32
    %dma_wait3A_568 = tpu.memref_slice %arg2[%dma_wait3A_567] : memref<1000000xf32, #tpu.memory_space<hbm>> -> memref<1000000xf32, #tpu.memory_space<hbm>>
    tpu.wait_indirect_dma semaphore(%arg8 : memref<!tpu.dma_semaphore, #tpu.memory_space<semaphore_mem>>) src(%dma_wait3A_568 : memref<1000000xf32, #tpu.memory_space<hbm>>) dst(%dma_wait3A_563 : memref<128xf32, #tpu.memory_space<vmem>>)
    %dma_wait3A_569 = arith.constant 7 : i32
    %dma_wait3A_570 = arith.constant 7 : i32
    %dma_wait3A_571 = arith.constant 0 : i32
    %dma_wait3A_572 = tpu.memref_slice %arg6[%dma_wait3A_570, %dma_wait3A_571] : memref<50x128xf32, #tpu.memory_space<vmem>> -> memref<1x128xf32, #tpu.memory_space<vmem>>
    %dma_wait3A_573 = tpu.memref_squeeze %dma_wait3A_572 : memref<1x128xf32, #tpu.memory_space<vmem>> -> memref<128xf32, #tpu.memory_space<vmem>>
    %dma_wait3A_574 = arith.constant 0 : i32
    %dma_wait3A_575 = tpu.memref_slice %arg5[%dma_wait3A_569, %dma_wait3A_574] : memref<50x128xi32, #tpu.memory_space<vmem>> -> memref<1x128xi32, #tpu.memory_space<vmem>>
    %dma_wait3A_576 = tpu.memref_squeeze %dma_wait3A_575 : memref<1x128xi32, #tpu.memory_space<vmem>> -> memref<128xi32, #tpu.memory_space<vmem>>
    %dma_wait3A_577 = arith.constant 0 : i32
    %dma_wait3A_578 = tpu.memref_slice %arg2[%dma_wait3A_577] : memref<1000000xf32, #tpu.memory_space<hbm>> -> memref<1000000xf32, #tpu.memory_space<hbm>>
    tpu.wait_indirect_dma semaphore(%arg8 : memref<!tpu.dma_semaphore, #tpu.memory_space<semaphore_mem>>) src(%dma_wait3A_578 : memref<1000000xf32, #tpu.memory_space<hbm>>) dst(%dma_wait3A_573 : memref<128xf32, #tpu.memory_space<vmem>>)
    %dma_wait3A_579 = arith.constant 8 : i32
    %dma_wait3A_580 = arith.constant 8 : i32
    %dma_wait3A_581 = arith.constant 0 : i32
    %dma_wait3A_582 = tpu.memref_slice %arg6[%dma_wait3A_580, %dma_wait3A_581] : memref<50x128xf32, #tpu.memory_space<vmem>> -> memref<1x128xf32, #tpu.memory_space<vmem>>
    %dma_wait3A_583 = tpu.memref_squeeze %dma_wait3A_582 : memref<1x128xf32, #tpu.memory_space<vmem>> -> memref<128xf32, #tpu.memory_space<vmem>>
    %dma_wait3A_584 = arith.constant 0 : i32
    %dma_wait3A_585 = tpu.memref_slice %arg5[%dma_wait3A_579, %dma_wait3A_584] : memref<50x128xi32, #tpu.memory_space<vmem>> -> memref<1x128xi32, #tpu.memory_space<vmem>>
    %dma_wait3A_586 = tpu.memref_squeeze %dma_wait3A_585 : memref<1x128xi32, #tpu.memory_space<vmem>> -> memref<128xi32, #tpu.memory_space<vmem>>
    %dma_wait3A_587 = arith.constant 0 : i32
    %dma_wait3A_588 = tpu.memref_slice %arg2[%dma_wait3A_587] : memref<1000000xf32, #tpu.memory_space<hbm>> -> memref<1000000xf32, #tpu.memory_space<hbm>>
    tpu.wait_indirect_dma semaphore(%arg8 : memref<!tpu.dma_semaphore, #tpu.memory_space<semaphore_mem>>) src(%dma_wait3A_588 : memref<1000000xf32, #tpu.memory_space<hbm>>) dst(%dma_wait3A_583 : memref<128xf32, #tpu.memory_space<vmem>>)
    %dma_wait3A_589 = arith.constant 9 : i32
    %dma_wait3A_590 = arith.constant 9 : i32
    %dma_wait3A_591 = arith.constant 0 : i32
    %dma_wait3A_592 = tpu.memref_slice %arg6[%dma_wait3A_590, %dma_wait3A_591] : memref<50x128xf32, #tpu.memory_space<vmem>> -> memref<1x128xf32, #tpu.memory_space<vmem>>
    %dma_wait3A_593 = tpu.memref_squeeze %dma_wait3A_592 : memref<1x128xf32, #tpu.memory_space<vmem>> -> memref<128xf32, #tpu.memory_space<vmem>>
    %dma_wait3A_594 = arith.constant 0 : i32
    %dma_wait3A_595 = tpu.memref_slice %arg5[%dma_wait3A_589, %dma_wait3A_594] : memref<50x128xi32, #tpu.memory_space<vmem>> -> memref<1x128xi32, #tpu.memory_space<vmem>>
    %dma_wait3A_596 = tpu.memref_squeeze %dma_wait3A_595 : memref<1x128xi32, #tpu.memory_space<vmem>> -> memref<128xi32, #tpu.memory_space<vmem>>
    %dma_wait3A_597 = arith.constant 0 : i32
    %dma_wait3A_598 = tpu.memref_slice %arg2[%dma_wait3A_597] : memref<1000000xf32, #tpu.memory_space<hbm>> -> memref<1000000xf32, #tpu.memory_space<hbm>>
    tpu.wait_indirect_dma semaphore(%arg8 : memref<!tpu.dma_semaphore, #tpu.memory_space<semaphore_mem>>) src(%dma_wait3A_598 : memref<1000000xf32, #tpu.memory_space<hbm>>) dst(%dma_wait3A_593 : memref<128xf32, #tpu.memory_space<vmem>>)
    %dma_wait3A_599 = arith.constant 10 : i32
    %dma_wait3A_600 = arith.constant 10 : i32
    %dma_wait3A_601 = arith.constant 0 : i32
    %dma_wait3A_602 = tpu.memref_slice %arg6[%dma_wait3A_600, %dma_wait3A_601] : memref<50x128xf32, #tpu.memory_space<vmem>> -> memref<1x128xf32, #tpu.memory_space<vmem>>
    %dma_wait3A_603 = tpu.memref_squeeze %dma_wait3A_602 : memref<1x128xf32, #tpu.memory_space<vmem>> -> memref<128xf32, #tpu.memory_space<vmem>>
    %dma_wait3A_604 = arith.constant 0 : i32
    %dma_wait3A_605 = tpu.memref_slice %arg5[%dma_wait3A_599, %dma_wait3A_604] : memref<50x128xi32, #tpu.memory_space<vmem>> -> memref<1x128xi32, #tpu.memory_space<vmem>>
    %dma_wait3A_606 = tpu.memref_squeeze %dma_wait3A_605 : memref<1x128xi32, #tpu.memory_space<vmem>> -> memref<128xi32, #tpu.memory_space<vmem>>
    %dma_wait3A_607 = arith.constant 0 : i32
    %dma_wait3A_608 = tpu.memref_slice %arg2[%dma_wait3A_607] : memref<1000000xf32, #tpu.memory_space<hbm>> -> memref<1000000xf32, #tpu.memory_space<hbm>>
    tpu.wait_indirect_dma semaphore(%arg8 : memref<!tpu.dma_semaphore, #tpu.memory_space<semaphore_mem>>) src(%dma_wait3A_608 : memref<1000000xf32, #tpu.memory_space<hbm>>) dst(%dma_wait3A_603 : memref<128xf32, #tpu.memory_space<vmem>>)
    %dma_wait3A_609 = arith.constant 11 : i32
    %dma_wait3A_610 = arith.constant 11 : i32
    %dma_wait3A_611 = arith.constant 0 : i32
    %dma_wait3A_612 = tpu.memref_slice %arg6[%dma_wait3A_610, %dma_wait3A_611] : memref<50x128xf32, #tpu.memory_space<vmem>> -> memref<1x128xf32, #tpu.memory_space<vmem>>
    %dma_wait3A_613 = tpu.memref_squeeze %dma_wait3A_612 : memref<1x128xf32, #tpu.memory_space<vmem>> -> memref<128xf32, #tpu.memory_space<vmem>>
    %dma_wait3A_614 = arith.constant 0 : i32
    %dma_wait3A_615 = tpu.memref_slice %arg5[%dma_wait3A_609, %dma_wait3A_614] : memref<50x128xi32, #tpu.memory_space<vmem>> -> memref<1x128xi32, #tpu.memory_space<vmem>>
    %dma_wait3A_616 = tpu.memref_squeeze %dma_wait3A_615 : memref<1x128xi32, #tpu.memory_space<vmem>> -> memref<128xi32, #tpu.memory_space<vmem>>
    %dma_wait3A_617 = arith.constant 0 : i32
    %dma_wait3A_618 = tpu.memref_slice %arg2[%dma_wait3A_617] : memref<1000000xf32, #tpu.memory_space<hbm>> -> memref<1000000xf32, #tpu.memory_space<hbm>>
    tpu.wait_indirect_dma semaphore(%arg8 : memref<!tpu.dma_semaphore, #tpu.memory_space<semaphore_mem>>) src(%dma_wait3A_618 : memref<1000000xf32, #tpu.memory_space<hbm>>) dst(%dma_wait3A_613 : memref<128xf32, #tpu.memory_space<vmem>>)
    %dma_wait3A_619 = arith.constant 12 : i32
    %dma_wait3A_620 = arith.constant 12 : i32
    %dma_wait3A_621 = arith.constant 0 : i32
    %dma_wait3A_622 = tpu.memref_slice %arg6[%dma_wait3A_620, %dma_wait3A_621] : memref<50x128xf32, #tpu.memory_space<vmem>> -> memref<1x128xf32, #tpu.memory_space<vmem>>
    %dma_wait3A_623 = tpu.memref_squeeze %dma_wait3A_622 : memref<1x128xf32, #tpu.memory_space<vmem>> -> memref<128xf32, #tpu.memory_space<vmem>>
    %dma_wait3A_624 = arith.constant 0 : i32
    %dma_wait3A_625 = tpu.memref_slice %arg5[%dma_wait3A_619, %dma_wait3A_624] : memref<50x128xi32, #tpu.memory_space<vmem>> -> memref<1x128xi32, #tpu.memory_space<vmem>>
    %dma_wait3A_626 = tpu.memref_squeeze %dma_wait3A_625 : memref<1x128xi32, #tpu.memory_space<vmem>> -> memref<128xi32, #tpu.memory_space<vmem>>
    %dma_wait3A_627 = arith.constant 0 : i32
    %dma_wait3A_628 = tpu.memref_slice %arg2[%dma_wait3A_627] : memref<1000000xf32, #tpu.memory_space<hbm>> -> memref<1000000xf32, #tpu.memory_space<hbm>>
    tpu.wait_indirect_dma semaphore(%arg8 : memref<!tpu.dma_semaphore, #tpu.memory_space<semaphore_mem>>) src(%dma_wait3A_628 : memref<1000000xf32, #tpu.memory_space<hbm>>) dst(%dma_wait3A_623 : memref<128xf32, #tpu.memory_space<vmem>>)
    %dma_wait3A_629 = arith.constant 13 : i32
    %dma_wait3A_630 = arith.constant 13 : i32
    %dma_wait3A_631 = arith.constant 0 : i32
    %dma_wait3A_632 = tpu.memref_slice %arg6[%dma_wait3A_630, %dma_wait3A_631] : memref<50x128xf32, #tpu.memory_space<vmem>> -> memref<1x128xf32, #tpu.memory_space<vmem>>
    %dma_wait3A_633 = tpu.memref_squeeze %dma_wait3A_632 : memref<1x128xf32, #tpu.memory_space<vmem>> -> memref<128xf32, #tpu.memory_space<vmem>>
    %dma_wait3A_634 = arith.constant 0 : i32
    %dma_wait3A_635 = tpu.memref_slice %arg5[%dma_wait3A_629, %dma_wait3A_634] : memref<50x128xi32, #tpu.memory_space<vmem>> -> memref<1x128xi32, #tpu.memory_space<vmem>>
    %dma_wait3A_636 = tpu.memref_squeeze %dma_wait3A_635 : memref<1x128xi32, #tpu.memory_space<vmem>> -> memref<128xi32, #tpu.memory_space<vmem>>
    %dma_wait3A_637 = arith.constant 0 : i32
    %dma_wait3A_638 = tpu.memref_slice %arg2[%dma_wait3A_637] : memref<1000000xf32, #tpu.memory_space<hbm>> -> memref<1000000xf32, #tpu.memory_space<hbm>>
    tpu.wait_indirect_dma semaphore(%arg8 : memref<!tpu.dma_semaphore, #tpu.memory_space<semaphore_mem>>) src(%dma_wait3A_638 : memref<1000000xf32, #tpu.memory_space<hbm>>) dst(%dma_wait3A_633 : memref<128xf32, #tpu.memory_space<vmem>>)
    %dma_wait3A_639 = arith.constant 14 : i32
    %dma_wait3A_640 = arith.constant 14 : i32
    %dma_wait3A_641 = arith.constant 0 : i32
    %dma_wait3A_642 = tpu.memref_slice %arg6[%dma_wait3A_640, %dma_wait3A_641] : memref<50x128xf32, #tpu.memory_space<vmem>> -> memref<1x128xf32, #tpu.memory_space<vmem>>
    %dma_wait3A_643 = tpu.memref_squeeze %dma_wait3A_642 : memref<1x128xf32, #tpu.memory_space<vmem>> -> memref<128xf32, #tpu.memory_space<vmem>>
    %dma_wait3A_644 = arith.constant 0 : i32
    %dma_wait3A_645 = tpu.memref_slice %arg5[%dma_wait3A_639, %dma_wait3A_644] : memref<50x128xi32, #tpu.memory_space<vmem>> -> memref<1x128xi32, #tpu.memory_space<vmem>>
    %dma_wait3A_646 = tpu.memref_squeeze %dma_wait3A_645 : memref<1x128xi32, #tpu.memory_space<vmem>> -> memref<128xi32, #tpu.memory_space<vmem>>
    %dma_wait3A_647 = arith.constant 0 : i32
    %dma_wait3A_648 = tpu.memref_slice %arg2[%dma_wait3A_647] : memref<1000000xf32, #tpu.memory_space<hbm>> -> memref<1000000xf32, #tpu.memory_space<hbm>>
    tpu.wait_indirect_dma semaphore(%arg8 : memref<!tpu.dma_semaphore, #tpu.memory_space<semaphore_mem>>) src(%dma_wait3A_648 : memref<1000000xf32, #tpu.memory_space<hbm>>) dst(%dma_wait3A_643 : memref<128xf32, #tpu.memory_space<vmem>>)
    %dma_wait3A_649 = arith.constant 15 : i32
    %dma_wait3A_650 = arith.constant 15 : i32
    %dma_wait3A_651 = arith.constant 0 : i32
    %dma_wait3A_652 = tpu.memref_slice %arg6[%dma_wait3A_650, %dma_wait3A_651] : memref<50x128xf32, #tpu.memory_space<vmem>> -> memref<1x128xf32, #tpu.memory_space<vmem>>
    %dma_wait3A_653 = tpu.memref_squeeze %dma_wait3A_652 : memref<1x128xf32, #tpu.memory_space<vmem>> -> memref<128xf32, #tpu.memory_space<vmem>>
    %dma_wait3A_654 = arith.constant 0 : i32
    %dma_wait3A_655 = tpu.memref_slice %arg5[%dma_wait3A_649, %dma_wait3A_654] : memref<50x128xi32, #tpu.memory_space<vmem>> -> memref<1x128xi32, #tpu.memory_space<vmem>>
    %dma_wait3A_656 = tpu.memref_squeeze %dma_wait3A_655 : memref<1x128xi32, #tpu.memory_space<vmem>> -> memref<128xi32, #tpu.memory_space<vmem>>
    %dma_wait3A_657 = arith.constant 0 : i32
    %dma_wait3A_658 = tpu.memref_slice %arg2[%dma_wait3A_657] : memref<1000000xf32, #tpu.memory_space<hbm>> -> memref<1000000xf32, #tpu.memory_space<hbm>>
    tpu.wait_indirect_dma semaphore(%arg8 : memref<!tpu.dma_semaphore, #tpu.memory_space<semaphore_mem>>) src(%dma_wait3A_658 : memref<1000000xf32, #tpu.memory_space<hbm>>) dst(%dma_wait3A_653 : memref<128xf32, #tpu.memory_space<vmem>>)
    %dma_wait3A_659 = arith.constant 16 : i32
    %dma_wait3A_660 = arith.constant 16 : i32
    %dma_wait3A_661 = arith.constant 0 : i32
    %dma_wait3A_662 = tpu.memref_slice %arg6[%dma_wait3A_660, %dma_wait3A_661] : memref<50x128xf32, #tpu.memory_space<vmem>> -> memref<1x128xf32, #tpu.memory_space<vmem>>
    %dma_wait3A_663 = tpu.memref_squeeze %dma_wait3A_662 : memref<1x128xf32, #tpu.memory_space<vmem>> -> memref<128xf32, #tpu.memory_space<vmem>>
    %dma_wait3A_664 = arith.constant 0 : i32
    %dma_wait3A_665 = tpu.memref_slice %arg5[%dma_wait3A_659, %dma_wait3A_664] : memref<50x128xi32, #tpu.memory_space<vmem>> -> memref<1x128xi32, #tpu.memory_space<vmem>>
    %dma_wait3A_666 = tpu.memref_squeeze %dma_wait3A_665 : memref<1x128xi32, #tpu.memory_space<vmem>> -> memref<128xi32, #tpu.memory_space<vmem>>
    %dma_wait3A_667 = arith.constant 0 : i32
    %dma_wait3A_668 = tpu.memref_slice %arg2[%dma_wait3A_667] : memref<1000000xf32, #tpu.memory_space<hbm>> -> memref<1000000xf32, #tpu.memory_space<hbm>>
    tpu.wait_indirect_dma semaphore(%arg8 : memref<!tpu.dma_semaphore, #tpu.memory_space<semaphore_mem>>) src(%dma_wait3A_668 : memref<1000000xf32, #tpu.memory_space<hbm>>) dst(%dma_wait3A_663 : memref<128xf32, #tpu.memory_space<vmem>>)
    %dma_wait3A_669 = arith.constant 17 : i32
    %dma_wait3A_670 = arith.constant 17 : i32
    %dma_wait3A_671 = arith.constant 0 : i32
    %dma_wait3A_672 = tpu.memref_slice %arg6[%dma_wait3A_670, %dma_wait3A_671] : memref<50x128xf32, #tpu.memory_space<vmem>> -> memref<1x128xf32, #tpu.memory_space<vmem>>
    %dma_wait3A_673 = tpu.memref_squeeze %dma_wait3A_672 : memref<1x128xf32, #tpu.memory_space<vmem>> -> memref<128xf32, #tpu.memory_space<vmem>>
    %dma_wait3A_674 = arith.constant 0 : i32
    %dma_wait3A_675 = tpu.memref_slice %arg5[%dma_wait3A_669, %dma_wait3A_674] : memref<50x128xi32, #tpu.memory_space<vmem>> -> memref<1x128xi32, #tpu.memory_space<vmem>>
    %dma_wait3A_676 = tpu.memref_squeeze %dma_wait3A_675 : memref<1x128xi32, #tpu.memory_space<vmem>> -> memref<128xi32, #tpu.memory_space<vmem>>
    %dma_wait3A_677 = arith.constant 0 : i32
    %dma_wait3A_678 = tpu.memref_slice %arg2[%dma_wait3A_677] : memref<1000000xf32, #tpu.memory_space<hbm>> -> memref<1000000xf32, #tpu.memory_space<hbm>>
    tpu.wait_indirect_dma semaphore(%arg8 : memref<!tpu.dma_semaphore, #tpu.memory_space<semaphore_mem>>) src(%dma_wait3A_678 : memref<1000000xf32, #tpu.memory_space<hbm>>) dst(%dma_wait3A_673 : memref<128xf32, #tpu.memory_space<vmem>>)
    %dma_wait3A_679 = arith.constant 18 : i32
    %dma_wait3A_680 = arith.constant 18 : i32
    %dma_wait3A_681 = arith.constant 0 : i32
    %dma_wait3A_682 = tpu.memref_slice %arg6[%dma_wait3A_680, %dma_wait3A_681] : memref<50x128xf32, #tpu.memory_space<vmem>> -> memref<1x128xf32, #tpu.memory_space<vmem>>
    %dma_wait3A_683 = tpu.memref_squeeze %dma_wait3A_682 : memref<1x128xf32, #tpu.memory_space<vmem>> -> memref<128xf32, #tpu.memory_space<vmem>>
    %dma_wait3A_684 = arith.constant 0 : i32
    %dma_wait3A_685 = tpu.memref_slice %arg5[%dma_wait3A_679, %dma_wait3A_684] : memref<50x128xi32, #tpu.memory_space<vmem>> -> memref<1x128xi32, #tpu.memory_space<vmem>>
    %dma_wait3A_686 = tpu.memref_squeeze %dma_wait3A_685 : memref<1x128xi32, #tpu.memory_space<vmem>> -> memref<128xi32, #tpu.memory_space<vmem>>
    %dma_wait3A_687 = arith.constant 0 : i32
    %dma_wait3A_688 = tpu.memref_slice %arg2[%dma_wait3A_687] : memref<1000000xf32, #tpu.memory_space<hbm>> -> memref<1000000xf32, #tpu.memory_space<hbm>>
    tpu.wait_indirect_dma semaphore(%arg8 : memref<!tpu.dma_semaphore, #tpu.memory_space<semaphore_mem>>) src(%dma_wait3A_688 : memref<1000000xf32, #tpu.memory_space<hbm>>) dst(%dma_wait3A_683 : memref<128xf32, #tpu.memory_space<vmem>>)
    %dma_wait3A_689 = arith.constant 19 : i32
    %dma_wait3A_690 = arith.constant 19 : i32
    %dma_wait3A_691 = arith.constant 0 : i32
    %dma_wait3A_692 = tpu.memref_slice %arg6[%dma_wait3A_690, %dma_wait3A_691] : memref<50x128xf32, #tpu.memory_space<vmem>> -> memref<1x128xf32, #tpu.memory_space<vmem>>
    %dma_wait3A_693 = tpu.memref_squeeze %dma_wait3A_692 : memref<1x128xf32, #tpu.memory_space<vmem>> -> memref<128xf32, #tpu.memory_space<vmem>>
    %dma_wait3A_694 = arith.constant 0 : i32
    %dma_wait3A_695 = tpu.memref_slice %arg5[%dma_wait3A_689, %dma_wait3A_694] : memref<50x128xi32, #tpu.memory_space<vmem>> -> memref<1x128xi32, #tpu.memory_space<vmem>>
    %dma_wait3A_696 = tpu.memref_squeeze %dma_wait3A_695 : memref<1x128xi32, #tpu.memory_space<vmem>> -> memref<128xi32, #tpu.memory_space<vmem>>
    %dma_wait3A_697 = arith.constant 0 : i32
    %dma_wait3A_698 = tpu.memref_slice %arg2[%dma_wait3A_697] : memref<1000000xf32, #tpu.memory_space<hbm>> -> memref<1000000xf32, #tpu.memory_space<hbm>>
    tpu.wait_indirect_dma semaphore(%arg8 : memref<!tpu.dma_semaphore, #tpu.memory_space<semaphore_mem>>) src(%dma_wait3A_698 : memref<1000000xf32, #tpu.memory_space<hbm>>) dst(%dma_wait3A_693 : memref<128xf32, #tpu.memory_space<vmem>>)
    %dma_wait3A_699 = arith.constant 20 : i32
    %dma_wait3A_700 = arith.constant 20 : i32
    %dma_wait3A_701 = arith.constant 0 : i32
    %dma_wait3A_702 = tpu.memref_slice %arg6[%dma_wait3A_700, %dma_wait3A_701] : memref<50x128xf32, #tpu.memory_space<vmem>> -> memref<1x128xf32, #tpu.memory_space<vmem>>
    %dma_wait3A_703 = tpu.memref_squeeze %dma_wait3A_702 : memref<1x128xf32, #tpu.memory_space<vmem>> -> memref<128xf32, #tpu.memory_space<vmem>>
    %dma_wait3A_704 = arith.constant 0 : i32
    %dma_wait3A_705 = tpu.memref_slice %arg5[%dma_wait3A_699, %dma_wait3A_704] : memref<50x128xi32, #tpu.memory_space<vmem>> -> memref<1x128xi32, #tpu.memory_space<vmem>>
    %dma_wait3A_706 = tpu.memref_squeeze %dma_wait3A_705 : memref<1x128xi32, #tpu.memory_space<vmem>> -> memref<128xi32, #tpu.memory_space<vmem>>
    %dma_wait3A_707 = arith.constant 0 : i32
    %dma_wait3A_708 = tpu.memref_slice %arg2[%dma_wait3A_707] : memref<1000000xf32, #tpu.memory_space<hbm>> -> memref<1000000xf32, #tpu.memory_space<hbm>>
    tpu.wait_indirect_dma semaphore(%arg8 : memref<!tpu.dma_semaphore, #tpu.memory_space<semaphore_mem>>) src(%dma_wait3A_708 : memref<1000000xf32, #tpu.memory_space<hbm>>) dst(%dma_wait3A_703 : memref<128xf32, #tpu.memory_space<vmem>>)
    %dma_wait3A_709 = arith.constant 21 : i32
    %dma_wait3A_710 = arith.constant 21 : i32
    %dma_wait3A_711 = arith.constant 0 : i32
    %dma_wait3A_712 = tpu.memref_slice %arg6[%dma_wait3A_710, %dma_wait3A_711] : memref<50x128xf32, #tpu.memory_space<vmem>> -> memref<1x128xf32, #tpu.memory_space<vmem>>
    %dma_wait3A_713 = tpu.memref_squeeze %dma_wait3A_712 : memref<1x128xf32, #tpu.memory_space<vmem>> -> memref<128xf32, #tpu.memory_space<vmem>>
    %dma_wait3A_714 = arith.constant 0 : i32
    %dma_wait3A_715 = tpu.memref_slice %arg5[%dma_wait3A_709, %dma_wait3A_714] : memref<50x128xi32, #tpu.memory_space<vmem>> -> memref<1x128xi32, #tpu.memory_space<vmem>>
    %dma_wait3A_716 = tpu.memref_squeeze %dma_wait3A_715 : memref<1x128xi32, #tpu.memory_space<vmem>> -> memref<128xi32, #tpu.memory_space<vmem>>
    %dma_wait3A_717 = arith.constant 0 : i32
    %dma_wait3A_718 = tpu.memref_slice %arg2[%dma_wait3A_717] : memref<1000000xf32, #tpu.memory_space<hbm>> -> memref<1000000xf32, #tpu.memory_space<hbm>>
    tpu.wait_indirect_dma semaphore(%arg8 : memref<!tpu.dma_semaphore, #tpu.memory_space<semaphore_mem>>) src(%dma_wait3A_718 : memref<1000000xf32, #tpu.memory_space<hbm>>) dst(%dma_wait3A_713 : memref<128xf32, #tpu.memory_space<vmem>>)
    %dma_wait3A_719 = arith.constant 22 : i32
    %dma_wait3A_720 = arith.constant 22 : i32
    %dma_wait3A_721 = arith.constant 0 : i32
    %dma_wait3A_722 = tpu.memref_slice %arg6[%dma_wait3A_720, %dma_wait3A_721] : memref<50x128xf32, #tpu.memory_space<vmem>> -> memref<1x128xf32, #tpu.memory_space<vmem>>
    %dma_wait3A_723 = tpu.memref_squeeze %dma_wait3A_722 : memref<1x128xf32, #tpu.memory_space<vmem>> -> memref<128xf32, #tpu.memory_space<vmem>>
    %dma_wait3A_724 = arith.constant 0 : i32
    %dma_wait3A_725 = tpu.memref_slice %arg5[%dma_wait3A_719, %dma_wait3A_724] : memref<50x128xi32, #tpu.memory_space<vmem>> -> memref<1x128xi32, #tpu.memory_space<vmem>>
    %dma_wait3A_726 = tpu.memref_squeeze %dma_wait3A_725 : memref<1x128xi32, #tpu.memory_space<vmem>> -> memref<128xi32, #tpu.memory_space<vmem>>
    %dma_wait3A_727 = arith.constant 0 : i32
    %dma_wait3A_728 = tpu.memref_slice %arg2[%dma_wait3A_727] : memref<1000000xf32, #tpu.memory_space<hbm>> -> memref<1000000xf32, #tpu.memory_space<hbm>>
    tpu.wait_indirect_dma semaphore(%arg8 : memref<!tpu.dma_semaphore, #tpu.memory_space<semaphore_mem>>) src(%dma_wait3A_728 : memref<1000000xf32, #tpu.memory_space<hbm>>) dst(%dma_wait3A_723 : memref<128xf32, #tpu.memory_space<vmem>>)
    %dma_wait3A_729 = arith.constant 23 : i32
    %dma_wait3A_730 = arith.constant 23 : i32
    %dma_wait3A_731 = arith.constant 0 : i32
    %dma_wait3A_732 = tpu.memref_slice %arg6[%dma_wait3A_730, %dma_wait3A_731] : memref<50x128xf32, #tpu.memory_space<vmem>> -> memref<1x128xf32, #tpu.memory_space<vmem>>
    %dma_wait3A_733 = tpu.memref_squeeze %dma_wait3A_732 : memref<1x128xf32, #tpu.memory_space<vmem>> -> memref<128xf32, #tpu.memory_space<vmem>>
    %dma_wait3A_734 = arith.constant 0 : i32
    %dma_wait3A_735 = tpu.memref_slice %arg5[%dma_wait3A_729, %dma_wait3A_734] : memref<50x128xi32, #tpu.memory_space<vmem>> -> memref<1x128xi32, #tpu.memory_space<vmem>>
    %dma_wait3A_736 = tpu.memref_squeeze %dma_wait3A_735 : memref<1x128xi32, #tpu.memory_space<vmem>> -> memref<128xi32, #tpu.memory_space<vmem>>
    %dma_wait3A_737 = arith.constant 0 : i32
    %dma_wait3A_738 = tpu.memref_slice %arg2[%dma_wait3A_737] : memref<1000000xf32, #tpu.memory_space<hbm>> -> memref<1000000xf32, #tpu.memory_space<hbm>>
    tpu.wait_indirect_dma semaphore(%arg8 : memref<!tpu.dma_semaphore, #tpu.memory_space<semaphore_mem>>) src(%dma_wait3A_738 : memref<1000000xf32, #tpu.memory_space<hbm>>) dst(%dma_wait3A_733 : memref<128xf32, #tpu.memory_space<vmem>>)
    %dma_wait3A_739 = arith.constant 24 : i32
    %dma_wait3A_740 = arith.constant 24 : i32
    %dma_wait3A_741 = arith.constant 0 : i32
    %dma_wait3A_742 = tpu.memref_slice %arg6[%dma_wait3A_740, %dma_wait3A_741] : memref<50x128xf32, #tpu.memory_space<vmem>> -> memref<1x128xf32, #tpu.memory_space<vmem>>
    %dma_wait3A_743 = tpu.memref_squeeze %dma_wait3A_742 : memref<1x128xf32, #tpu.memory_space<vmem>> -> memref<128xf32, #tpu.memory_space<vmem>>
    %dma_wait3A_744 = arith.constant 0 : i32
    %dma_wait3A_745 = tpu.memref_slice %arg5[%dma_wait3A_739, %dma_wait3A_744] : memref<50x128xi32, #tpu.memory_space<vmem>> -> memref<1x128xi32, #tpu.memory_space<vmem>>
    %dma_wait3A_746 = tpu.memref_squeeze %dma_wait3A_745 : memref<1x128xi32, #tpu.memory_space<vmem>> -> memref<128xi32, #tpu.memory_space<vmem>>
    %dma_wait3A_747 = arith.constant 0 : i32
    %dma_wait3A_748 = tpu.memref_slice %arg2[%dma_wait3A_747] : memref<1000000xf32, #tpu.memory_space<hbm>> -> memref<1000000xf32, #tpu.memory_space<hbm>>
    tpu.wait_indirect_dma semaphore(%arg8 : memref<!tpu.dma_semaphore, #tpu.memory_space<semaphore_mem>>) src(%dma_wait3A_748 : memref<1000000xf32, #tpu.memory_space<hbm>>) dst(%dma_wait3A_743 : memref<128xf32, #tpu.memory_space<vmem>>)
    %dma_wait3A_749 = arith.constant 25 : i32
    %dma_wait3A_750 = arith.constant 25 : i32
    %dma_wait3A_751 = arith.constant 0 : i32
    %dma_wait3A_752 = tpu.memref_slice %arg6[%dma_wait3A_750, %dma_wait3A_751] : memref<50x128xf32, #tpu.memory_space<vmem>> -> memref<1x128xf32, #tpu.memory_space<vmem>>
    %dma_wait3A_753 = tpu.memref_squeeze %dma_wait3A_752 : memref<1x128xf32, #tpu.memory_space<vmem>> -> memref<128xf32, #tpu.memory_space<vmem>>
    %dma_wait3A_754 = arith.constant 0 : i32
    %dma_wait3A_755 = tpu.memref_slice %arg5[%dma_wait3A_749, %dma_wait3A_754] : memref<50x128xi32, #tpu.memory_space<vmem>> -> memref<1x128xi32, #tpu.memory_space<vmem>>
    %dma_wait3A_756 = tpu.memref_squeeze %dma_wait3A_755 : memref<1x128xi32, #tpu.memory_space<vmem>> -> memref<128xi32, #tpu.memory_space<vmem>>
    %dma_wait3A_757 = arith.constant 0 : i32
    %dma_wait3A_758 = tpu.memref_slice %arg2[%dma_wait3A_757] : memref<1000000xf32, #tpu.memory_space<hbm>> -> memref<1000000xf32, #tpu.memory_space<hbm>>
    tpu.wait_indirect_dma semaphore(%arg8 : memref<!tpu.dma_semaphore, #tpu.memory_space<semaphore_mem>>) src(%dma_wait3A_758 : memref<1000000xf32, #tpu.memory_space<hbm>>) dst(%dma_wait3A_753 : memref<128xf32, #tpu.memory_space<vmem>>)
    %dma_wait3A_759 = arith.constant 26 : i32
    %dma_wait3A_760 = arith.constant 26 : i32
    %dma_wait3A_761 = arith.constant 0 : i32
    %dma_wait3A_762 = tpu.memref_slice %arg6[%dma_wait3A_760, %dma_wait3A_761] : memref<50x128xf32, #tpu.memory_space<vmem>> -> memref<1x128xf32, #tpu.memory_space<vmem>>
    %dma_wait3A_763 = tpu.memref_squeeze %dma_wait3A_762 : memref<1x128xf32, #tpu.memory_space<vmem>> -> memref<128xf32, #tpu.memory_space<vmem>>
    %dma_wait3A_764 = arith.constant 0 : i32
    %dma_wait3A_765 = tpu.memref_slice %arg5[%dma_wait3A_759, %dma_wait3A_764] : memref<50x128xi32, #tpu.memory_space<vmem>> -> memref<1x128xi32, #tpu.memory_space<vmem>>
    %dma_wait3A_766 = tpu.memref_squeeze %dma_wait3A_765 : memref<1x128xi32, #tpu.memory_space<vmem>> -> memref<128xi32, #tpu.memory_space<vmem>>
    %dma_wait3A_767 = arith.constant 0 : i32
    %dma_wait3A_768 = tpu.memref_slice %arg2[%dma_wait3A_767] : memref<1000000xf32, #tpu.memory_space<hbm>> -> memref<1000000xf32, #tpu.memory_space<hbm>>
    tpu.wait_indirect_dma semaphore(%arg8 : memref<!tpu.dma_semaphore, #tpu.memory_space<semaphore_mem>>) src(%dma_wait3A_768 : memref<1000000xf32, #tpu.memory_space<hbm>>) dst(%dma_wait3A_763 : memref<128xf32, #tpu.memory_space<vmem>>)
    %dma_wait3A_769 = arith.constant 27 : i32
    %dma_wait3A_770 = arith.constant 27 : i32
    %dma_wait3A_771 = arith.constant 0 : i32
    %dma_wait3A_772 = tpu.memref_slice %arg6[%dma_wait3A_770, %dma_wait3A_771] : memref<50x128xf32, #tpu.memory_space<vmem>> -> memref<1x128xf32, #tpu.memory_space<vmem>>
    %dma_wait3A_773 = tpu.memref_squeeze %dma_wait3A_772 : memref<1x128xf32, #tpu.memory_space<vmem>> -> memref<128xf32, #tpu.memory_space<vmem>>
    %dma_wait3A_774 = arith.constant 0 : i32
    %dma_wait3A_775 = tpu.memref_slice %arg5[%dma_wait3A_769, %dma_wait3A_774] : memref<50x128xi32, #tpu.memory_space<vmem>> -> memref<1x128xi32, #tpu.memory_space<vmem>>
    %dma_wait3A_776 = tpu.memref_squeeze %dma_wait3A_775 : memref<1x128xi32, #tpu.memory_space<vmem>> -> memref<128xi32, #tpu.memory_space<vmem>>
    %dma_wait3A_777 = arith.constant 0 : i32
    %dma_wait3A_778 = tpu.memref_slice %arg2[%dma_wait3A_777] : memref<1000000xf32, #tpu.memory_space<hbm>> -> memref<1000000xf32, #tpu.memory_space<hbm>>
    tpu.wait_indirect_dma semaphore(%arg8 : memref<!tpu.dma_semaphore, #tpu.memory_space<semaphore_mem>>) src(%dma_wait3A_778 : memref<1000000xf32, #tpu.memory_space<hbm>>) dst(%dma_wait3A_773 : memref<128xf32, #tpu.memory_space<vmem>>)
    %dma_wait3A_779 = arith.constant 28 : i32
    %dma_wait3A_780 = arith.constant 28 : i32
    %dma_wait3A_781 = arith.constant 0 : i32
    %dma_wait3A_782 = tpu.memref_slice %arg6[%dma_wait3A_780, %dma_wait3A_781] : memref<50x128xf32, #tpu.memory_space<vmem>> -> memref<1x128xf32, #tpu.memory_space<vmem>>
    %dma_wait3A_783 = tpu.memref_squeeze %dma_wait3A_782 : memref<1x128xf32, #tpu.memory_space<vmem>> -> memref<128xf32, #tpu.memory_space<vmem>>
    %dma_wait3A_784 = arith.constant 0 : i32
    %dma_wait3A_785 = tpu.memref_slice %arg5[%dma_wait3A_779, %dma_wait3A_784] : memref<50x128xi32, #tpu.memory_space<vmem>> -> memref<1x128xi32, #tpu.memory_space<vmem>>
    %dma_wait3A_786 = tpu.memref_squeeze %dma_wait3A_785 : memref<1x128xi32, #tpu.memory_space<vmem>> -> memref<128xi32, #tpu.memory_space<vmem>>
    %dma_wait3A_787 = arith.constant 0 : i32
    %dma_wait3A_788 = tpu.memref_slice %arg2[%dma_wait3A_787] : memref<1000000xf32, #tpu.memory_space<hbm>> -> memref<1000000xf32, #tpu.memory_space<hbm>>
    tpu.wait_indirect_dma semaphore(%arg8 : memref<!tpu.dma_semaphore, #tpu.memory_space<semaphore_mem>>) src(%dma_wait3A_788 : memref<1000000xf32, #tpu.memory_space<hbm>>) dst(%dma_wait3A_783 : memref<128xf32, #tpu.memory_space<vmem>>)
    %dma_wait3A_789 = arith.constant 29 : i32
    %dma_wait3A_790 = arith.constant 29 : i32
    %dma_wait3A_791 = arith.constant 0 : i32
    %dma_wait3A_792 = tpu.memref_slice %arg6[%dma_wait3A_790, %dma_wait3A_791] : memref<50x128xf32, #tpu.memory_space<vmem>> -> memref<1x128xf32, #tpu.memory_space<vmem>>
    %dma_wait3A_793 = tpu.memref_squeeze %dma_wait3A_792 : memref<1x128xf32, #tpu.memory_space<vmem>> -> memref<128xf32, #tpu.memory_space<vmem>>
    %dma_wait3A_794 = arith.constant 0 : i32
    %dma_wait3A_795 = tpu.memref_slice %arg5[%dma_wait3A_789, %dma_wait3A_794] : memref<50x128xi32, #tpu.memory_space<vmem>> -> memref<1x128xi32, #tpu.memory_space<vmem>>
    %dma_wait3A_796 = tpu.memref_squeeze %dma_wait3A_795 : memref<1x128xi32, #tpu.memory_space<vmem>> -> memref<128xi32, #tpu.memory_space<vmem>>
    %dma_wait3A_797 = arith.constant 0 : i32
    %dma_wait3A_798 = tpu.memref_slice %arg2[%dma_wait3A_797] : memref<1000000xf32, #tpu.memory_space<hbm>> -> memref<1000000xf32, #tpu.memory_space<hbm>>
    tpu.wait_indirect_dma semaphore(%arg8 : memref<!tpu.dma_semaphore, #tpu.memory_space<semaphore_mem>>) src(%dma_wait3A_798 : memref<1000000xf32, #tpu.memory_space<hbm>>) dst(%dma_wait3A_793 : memref<128xf32, #tpu.memory_space<vmem>>)
    %dma_wait3A_799 = arith.constant 30 : i32
    %dma_wait3A_800 = arith.constant 30 : i32
    %dma_wait3A_801 = arith.constant 0 : i32
    %dma_wait3A_802 = tpu.memref_slice %arg6[%dma_wait3A_800, %dma_wait3A_801] : memref<50x128xf32, #tpu.memory_space<vmem>> -> memref<1x128xf32, #tpu.memory_space<vmem>>
    %dma_wait3A_803 = tpu.memref_squeeze %dma_wait3A_802 : memref<1x128xf32, #tpu.memory_space<vmem>> -> memref<128xf32, #tpu.memory_space<vmem>>
    %dma_wait3A_804 = arith.constant 0 : i32
    %dma_wait3A_805 = tpu.memref_slice %arg5[%dma_wait3A_799, %dma_wait3A_804] : memref<50x128xi32, #tpu.memory_space<vmem>> -> memref<1x128xi32, #tpu.memory_space<vmem>>
    %dma_wait3A_806 = tpu.memref_squeeze %dma_wait3A_805 : memref<1x128xi32, #tpu.memory_space<vmem>> -> memref<128xi32, #tpu.memory_space<vmem>>
    %dma_wait3A_807 = arith.constant 0 : i32
    %dma_wait3A_808 = tpu.memref_slice %arg2[%dma_wait3A_807] : memref<1000000xf32, #tpu.memory_space<hbm>> -> memref<1000000xf32, #tpu.memory_space<hbm>>
    tpu.wait_indirect_dma semaphore(%arg8 : memref<!tpu.dma_semaphore, #tpu.memory_space<semaphore_mem>>) src(%dma_wait3A_808 : memref<1000000xf32, #tpu.memory_space<hbm>>) dst(%dma_wait3A_803 : memref<128xf32, #tpu.memory_space<vmem>>)
    %dma_wait3A_809 = arith.constant 31 : i32
    %dma_wait3A_810 = arith.constant 31 : i32
    %dma_wait3A_811 = arith.constant 0 : i32
    %dma_wait3A_812 = tpu.memref_slice %arg6[%dma_wait3A_810, %dma_wait3A_811] : memref<50x128xf32, #tpu.memory_space<vmem>> -> memref<1x128xf32, #tpu.memory_space<vmem>>
    %dma_wait3A_813 = tpu.memref_squeeze %dma_wait3A_812 : memref<1x128xf32, #tpu.memory_space<vmem>> -> memref<128xf32, #tpu.memory_space<vmem>>
    %dma_wait3A_814 = arith.constant 0 : i32
    %dma_wait3A_815 = tpu.memref_slice %arg5[%dma_wait3A_809, %dma_wait3A_814] : memref<50x128xi32, #tpu.memory_space<vmem>> -> memref<1x128xi32, #tpu.memory_space<vmem>>
    %dma_wait3A_816 = tpu.memref_squeeze %dma_wait3A_815 : memref<1x128xi32, #tpu.memory_space<vmem>> -> memref<128xi32, #tpu.memory_space<vmem>>
    %dma_wait3A_817 = arith.constant 0 : i32
    %dma_wait3A_818 = tpu.memref_slice %arg2[%dma_wait3A_817] : memref<1000000xf32, #tpu.memory_space<hbm>> -> memref<1000000xf32, #tpu.memory_space<hbm>>
    tpu.wait_indirect_dma semaphore(%arg8 : memref<!tpu.dma_semaphore, #tpu.memory_space<semaphore_mem>>) src(%dma_wait3A_818 : memref<1000000xf32, #tpu.memory_space<hbm>>) dst(%dma_wait3A_813 : memref<128xf32, #tpu.memory_space<vmem>>)
    %dma_wait3A_819 = arith.constant 32 : i32
    %dma_wait3A_820 = arith.constant 32 : i32
    %dma_wait3A_821 = arith.constant 0 : i32
    %dma_wait3A_822 = tpu.memref_slice %arg6[%dma_wait3A_820, %dma_wait3A_821] : memref<50x128xf32, #tpu.memory_space<vmem>> -> memref<1x128xf32, #tpu.memory_space<vmem>>
    %dma_wait3A_823 = tpu.memref_squeeze %dma_wait3A_822 : memref<1x128xf32, #tpu.memory_space<vmem>> -> memref<128xf32, #tpu.memory_space<vmem>>
    %dma_wait3A_824 = arith.constant 0 : i32
    %dma_wait3A_825 = tpu.memref_slice %arg5[%dma_wait3A_819, %dma_wait3A_824] : memref<50x128xi32, #tpu.memory_space<vmem>> -> memref<1x128xi32, #tpu.memory_space<vmem>>
    %dma_wait3A_826 = tpu.memref_squeeze %dma_wait3A_825 : memref<1x128xi32, #tpu.memory_space<vmem>> -> memref<128xi32, #tpu.memory_space<vmem>>
    %dma_wait3A_827 = arith.constant 0 : i32
    %dma_wait3A_828 = tpu.memref_slice %arg2[%dma_wait3A_827] : memref<1000000xf32, #tpu.memory_space<hbm>> -> memref<1000000xf32, #tpu.memory_space<hbm>>
    tpu.wait_indirect_dma semaphore(%arg8 : memref<!tpu.dma_semaphore, #tpu.memory_space<semaphore_mem>>) src(%dma_wait3A_828 : memref<1000000xf32, #tpu.memory_space<hbm>>) dst(%dma_wait3A_823 : memref<128xf32, #tpu.memory_space<vmem>>)
    %dma_wait3A_829 = arith.constant 33 : i32
    %dma_wait3A_830 = arith.constant 33 : i32
    %dma_wait3A_831 = arith.constant 0 : i32
    %dma_wait3A_832 = tpu.memref_slice %arg6[%dma_wait3A_830, %dma_wait3A_831] : memref<50x128xf32, #tpu.memory_space<vmem>> -> memref<1x128xf32, #tpu.memory_space<vmem>>
    %dma_wait3A_833 = tpu.memref_squeeze %dma_wait3A_832 : memref<1x128xf32, #tpu.memory_space<vmem>> -> memref<128xf32, #tpu.memory_space<vmem>>
    %dma_wait3A_834 = arith.constant 0 : i32
    %dma_wait3A_835 = tpu.memref_slice %arg5[%dma_wait3A_829, %dma_wait3A_834] : memref<50x128xi32, #tpu.memory_space<vmem>> -> memref<1x128xi32, #tpu.memory_space<vmem>>
    %dma_wait3A_836 = tpu.memref_squeeze %dma_wait3A_835 : memref<1x128xi32, #tpu.memory_space<vmem>> -> memref<128xi32, #tpu.memory_space<vmem>>
    %dma_wait3A_837 = arith.constant 0 : i32
    %dma_wait3A_838 = tpu.memref_slice %arg2[%dma_wait3A_837] : memref<1000000xf32, #tpu.memory_space<hbm>> -> memref<1000000xf32, #tpu.memory_space<hbm>>
    tpu.wait_indirect_dma semaphore(%arg8 : memref<!tpu.dma_semaphore, #tpu.memory_space<semaphore_mem>>) src(%dma_wait3A_838 : memref<1000000xf32, #tpu.memory_space<hbm>>) dst(%dma_wait3A_833 : memref<128xf32, #tpu.memory_space<vmem>>)
    %dma_wait3A_839 = arith.constant 34 : i32
    %dma_wait3A_840 = arith.constant 34 : i32
    %dma_wait3A_841 = arith.constant 0 : i32
    %dma_wait3A_842 = tpu.memref_slice %arg6[%dma_wait3A_840, %dma_wait3A_841] : memref<50x128xf32, #tpu.memory_space<vmem>> -> memref<1x128xf32, #tpu.memory_space<vmem>>
    %dma_wait3A_843 = tpu.memref_squeeze %dma_wait3A_842 : memref<1x128xf32, #tpu.memory_space<vmem>> -> memref<128xf32, #tpu.memory_space<vmem>>
    %dma_wait3A_844 = arith.constant 0 : i32
    %dma_wait3A_845 = tpu.memref_slice %arg5[%dma_wait3A_839, %dma_wait3A_844] : memref<50x128xi32, #tpu.memory_space<vmem>> -> memref<1x128xi32, #tpu.memory_space<vmem>>
    %dma_wait3A_846 = tpu.memref_squeeze %dma_wait3A_845 : memref<1x128xi32, #tpu.memory_space<vmem>> -> memref<128xi32, #tpu.memory_space<vmem>>
    %dma_wait3A_847 = arith.constant 0 : i32
    %dma_wait3A_848 = tpu.memref_slice %arg2[%dma_wait3A_847] : memref<1000000xf32, #tpu.memory_space<hbm>> -> memref<1000000xf32, #tpu.memory_space<hbm>>
    tpu.wait_indirect_dma semaphore(%arg8 : memref<!tpu.dma_semaphore, #tpu.memory_space<semaphore_mem>>) src(%dma_wait3A_848 : memref<1000000xf32, #tpu.memory_space<hbm>>) dst(%dma_wait3A_843 : memref<128xf32, #tpu.memory_space<vmem>>)
    %dma_wait3A_849 = arith.constant 35 : i32
    %dma_wait3A_850 = arith.constant 35 : i32
    %dma_wait3A_851 = arith.constant 0 : i32
    %dma_wait3A_852 = tpu.memref_slice %arg6[%dma_wait3A_850, %dma_wait3A_851] : memref<50x128xf32, #tpu.memory_space<vmem>> -> memref<1x128xf32, #tpu.memory_space<vmem>>
    %dma_wait3A_853 = tpu.memref_squeeze %dma_wait3A_852 : memref<1x128xf32, #tpu.memory_space<vmem>> -> memref<128xf32, #tpu.memory_space<vmem>>
    %dma_wait3A_854 = arith.constant 0 : i32
    %dma_wait3A_855 = tpu.memref_slice %arg5[%dma_wait3A_849, %dma_wait3A_854] : memref<50x128xi32, #tpu.memory_space<vmem>> -> memref<1x128xi32, #tpu.memory_space<vmem>>
    %dma_wait3A_856 = tpu.memref_squeeze %dma_wait3A_855 : memref<1x128xi32, #tpu.memory_space<vmem>> -> memref<128xi32, #tpu.memory_space<vmem>>
    %dma_wait3A_857 = arith.constant 0 : i32
    %dma_wait3A_858 = tpu.memref_slice %arg2[%dma_wait3A_857] : memref<1000000xf32, #tpu.memory_space<hbm>> -> memref<1000000xf32, #tpu.memory_space<hbm>>
    tpu.wait_indirect_dma semaphore(%arg8 : memref<!tpu.dma_semaphore, #tpu.memory_space<semaphore_mem>>) src(%dma_wait3A_858 : memref<1000000xf32, #tpu.memory_space<hbm>>) dst(%dma_wait3A_853 : memref<128xf32, #tpu.memory_space<vmem>>)
    %dma_wait3A_859 = arith.constant 36 : i32
    %dma_wait3A_860 = arith.constant 36 : i32
    %dma_wait3A_861 = arith.constant 0 : i32
    %dma_wait3A_862 = tpu.memref_slice %arg6[%dma_wait3A_860, %dma_wait3A_861] : memref<50x128xf32, #tpu.memory_space<vmem>> -> memref<1x128xf32, #tpu.memory_space<vmem>>
    %dma_wait3A_863 = tpu.memref_squeeze %dma_wait3A_862 : memref<1x128xf32, #tpu.memory_space<vmem>> -> memref<128xf32, #tpu.memory_space<vmem>>
    %dma_wait3A_864 = arith.constant 0 : i32
    %dma_wait3A_865 = tpu.memref_slice %arg5[%dma_wait3A_859, %dma_wait3A_864] : memref<50x128xi32, #tpu.memory_space<vmem>> -> memref<1x128xi32, #tpu.memory_space<vmem>>
    %dma_wait3A_866 = tpu.memref_squeeze %dma_wait3A_865 : memref<1x128xi32, #tpu.memory_space<vmem>> -> memref<128xi32, #tpu.memory_space<vmem>>
    %dma_wait3A_867 = arith.constant 0 : i32
    %dma_wait3A_868 = tpu.memref_slice %arg2[%dma_wait3A_867] : memref<1000000xf32, #tpu.memory_space<hbm>> -> memref<1000000xf32, #tpu.memory_space<hbm>>
    tpu.wait_indirect_dma semaphore(%arg8 : memref<!tpu.dma_semaphore, #tpu.memory_space<semaphore_mem>>) src(%dma_wait3A_868 : memref<1000000xf32, #tpu.memory_space<hbm>>) dst(%dma_wait3A_863 : memref<128xf32, #tpu.memory_space<vmem>>)
    %dma_wait3A_869 = arith.constant 37 : i32
    %dma_wait3A_870 = arith.constant 37 : i32
    %dma_wait3A_871 = arith.constant 0 : i32
    %dma_wait3A_872 = tpu.memref_slice %arg6[%dma_wait3A_870, %dma_wait3A_871] : memref<50x128xf32, #tpu.memory_space<vmem>> -> memref<1x128xf32, #tpu.memory_space<vmem>>
    %dma_wait3A_873 = tpu.memref_squeeze %dma_wait3A_872 : memref<1x128xf32, #tpu.memory_space<vmem>> -> memref<128xf32, #tpu.memory_space<vmem>>
    %dma_wait3A_874 = arith.constant 0 : i32
    %dma_wait3A_875 = tpu.memref_slice %arg5[%dma_wait3A_869, %dma_wait3A_874] : memref<50x128xi32, #tpu.memory_space<vmem>> -> memref<1x128xi32, #tpu.memory_space<vmem>>
    %dma_wait3A_876 = tpu.memref_squeeze %dma_wait3A_875 : memref<1x128xi32, #tpu.memory_space<vmem>> -> memref<128xi32, #tpu.memory_space<vmem>>
    %dma_wait3A_877 = arith.constant 0 : i32
    %dma_wait3A_878 = tpu.memref_slice %arg2[%dma_wait3A_877] : memref<1000000xf32, #tpu.memory_space<hbm>> -> memref<1000000xf32, #tpu.memory_space<hbm>>
    tpu.wait_indirect_dma semaphore(%arg8 : memref<!tpu.dma_semaphore, #tpu.memory_space<semaphore_mem>>) src(%dma_wait3A_878 : memref<1000000xf32, #tpu.memory_space<hbm>>) dst(%dma_wait3A_873 : memref<128xf32, #tpu.memory_space<vmem>>)
    %dma_wait3A_879 = arith.constant 38 : i32
    %dma_wait3A_880 = arith.constant 38 : i32
    %dma_wait3A_881 = arith.constant 0 : i32
    %dma_wait3A_882 = tpu.memref_slice %arg6[%dma_wait3A_880, %dma_wait3A_881] : memref<50x128xf32, #tpu.memory_space<vmem>> -> memref<1x128xf32, #tpu.memory_space<vmem>>
    %dma_wait3A_883 = tpu.memref_squeeze %dma_wait3A_882 : memref<1x128xf32, #tpu.memory_space<vmem>> -> memref<128xf32, #tpu.memory_space<vmem>>
    %dma_wait3A_884 = arith.constant 0 : i32
    %dma_wait3A_885 = tpu.memref_slice %arg5[%dma_wait3A_879, %dma_wait3A_884] : memref<50x128xi32, #tpu.memory_space<vmem>> -> memref<1x128xi32, #tpu.memory_space<vmem>>
    %dma_wait3A_886 = tpu.memref_squeeze %dma_wait3A_885 : memref<1x128xi32, #tpu.memory_space<vmem>> -> memref<128xi32, #tpu.memory_space<vmem>>
    %dma_wait3A_887 = arith.constant 0 : i32
    %dma_wait3A_888 = tpu.memref_slice %arg2[%dma_wait3A_887] : memref<1000000xf32, #tpu.memory_space<hbm>> -> memref<1000000xf32, #tpu.memory_space<hbm>>
    tpu.wait_indirect_dma semaphore(%arg8 : memref<!tpu.dma_semaphore, #tpu.memory_space<semaphore_mem>>) src(%dma_wait3A_888 : memref<1000000xf32, #tpu.memory_space<hbm>>) dst(%dma_wait3A_883 : memref<128xf32, #tpu.memory_space<vmem>>)
    %dma_wait3A_889 = arith.constant 39 : i32
    %dma_wait3A_890 = arith.constant 39 : i32
    %dma_wait3A_891 = arith.constant 0 : i32
    %dma_wait3A_892 = tpu.memref_slice %arg6[%dma_wait3A_890, %dma_wait3A_891] : memref<50x128xf32, #tpu.memory_space<vmem>> -> memref<1x128xf32, #tpu.memory_space<vmem>>
    %dma_wait3A_893 = tpu.memref_squeeze %dma_wait3A_892 : memref<1x128xf32, #tpu.memory_space<vmem>> -> memref<128xf32, #tpu.memory_space<vmem>>
    %dma_wait3A_894 = arith.constant 0 : i32
    %dma_wait3A_895 = tpu.memref_slice %arg5[%dma_wait3A_889, %dma_wait3A_894] : memref<50x128xi32, #tpu.memory_space<vmem>> -> memref<1x128xi32, #tpu.memory_space<vmem>>
    %dma_wait3A_896 = tpu.memref_squeeze %dma_wait3A_895 : memref<1x128xi32, #tpu.memory_space<vmem>> -> memref<128xi32, #tpu.memory_space<vmem>>
    %dma_wait3A_897 = arith.constant 0 : i32
    %dma_wait3A_898 = tpu.memref_slice %arg2[%dma_wait3A_897] : memref<1000000xf32, #tpu.memory_space<hbm>> -> memref<1000000xf32, #tpu.memory_space<hbm>>
    tpu.wait_indirect_dma semaphore(%arg8 : memref<!tpu.dma_semaphore, #tpu.memory_space<semaphore_mem>>) src(%dma_wait3A_898 : memref<1000000xf32, #tpu.memory_space<hbm>>) dst(%dma_wait3A_893 : memref<128xf32, #tpu.memory_space<vmem>>)
    %dma_wait3A_899 = arith.constant 40 : i32
    %dma_wait3A_900 = arith.constant 40 : i32
    %dma_wait3A_901 = arith.constant 0 : i32
    %dma_wait3A_902 = tpu.memref_slice %arg6[%dma_wait3A_900, %dma_wait3A_901] : memref<50x128xf32, #tpu.memory_space<vmem>> -> memref<1x128xf32, #tpu.memory_space<vmem>>
    %dma_wait3A_903 = tpu.memref_squeeze %dma_wait3A_902 : memref<1x128xf32, #tpu.memory_space<vmem>> -> memref<128xf32, #tpu.memory_space<vmem>>
    %dma_wait3A_904 = arith.constant 0 : i32
    %dma_wait3A_905 = tpu.memref_slice %arg5[%dma_wait3A_899, %dma_wait3A_904] : memref<50x128xi32, #tpu.memory_space<vmem>> -> memref<1x128xi32, #tpu.memory_space<vmem>>
    %dma_wait3A_906 = tpu.memref_squeeze %dma_wait3A_905 : memref<1x128xi32, #tpu.memory_space<vmem>> -> memref<128xi32, #tpu.memory_space<vmem>>
    %dma_wait3A_907 = arith.constant 0 : i32
    %dma_wait3A_908 = tpu.memref_slice %arg2[%dma_wait3A_907] : memref<1000000xf32, #tpu.memory_space<hbm>> -> memref<1000000xf32, #tpu.memory_space<hbm>>
    tpu.wait_indirect_dma semaphore(%arg8 : memref<!tpu.dma_semaphore, #tpu.memory_space<semaphore_mem>>) src(%dma_wait3A_908 : memref<1000000xf32, #tpu.memory_space<hbm>>) dst(%dma_wait3A_903 : memref<128xf32, #tpu.memory_space<vmem>>)
    %dma_wait3A_909 = arith.constant 41 : i32
    %dma_wait3A_910 = arith.constant 41 : i32
    %dma_wait3A_911 = arith.constant 0 : i32
    %dma_wait3A_912 = tpu.memref_slice %arg6[%dma_wait3A_910, %dma_wait3A_911] : memref<50x128xf32, #tpu.memory_space<vmem>> -> memref<1x128xf32, #tpu.memory_space<vmem>>
    %dma_wait3A_913 = tpu.memref_squeeze %dma_wait3A_912 : memref<1x128xf32, #tpu.memory_space<vmem>> -> memref<128xf32, #tpu.memory_space<vmem>>
    %dma_wait3A_914 = arith.constant 0 : i32
    %dma_wait3A_915 = tpu.memref_slice %arg5[%dma_wait3A_909, %dma_wait3A_914] : memref<50x128xi32, #tpu.memory_space<vmem>> -> memref<1x128xi32, #tpu.memory_space<vmem>>
    %dma_wait3A_916 = tpu.memref_squeeze %dma_wait3A_915 : memref<1x128xi32, #tpu.memory_space<vmem>> -> memref<128xi32, #tpu.memory_space<vmem>>
    %dma_wait3A_917 = arith.constant 0 : i32
    %dma_wait3A_918 = tpu.memref_slice %arg2[%dma_wait3A_917] : memref<1000000xf32, #tpu.memory_space<hbm>> -> memref<1000000xf32, #tpu.memory_space<hbm>>
    tpu.wait_indirect_dma semaphore(%arg8 : memref<!tpu.dma_semaphore, #tpu.memory_space<semaphore_mem>>) src(%dma_wait3A_918 : memref<1000000xf32, #tpu.memory_space<hbm>>) dst(%dma_wait3A_913 : memref<128xf32, #tpu.memory_space<vmem>>)
    %dma_wait3A_919 = arith.constant 42 : i32
    %dma_wait3A_920 = arith.constant 42 : i32
    %dma_wait3A_921 = arith.constant 0 : i32
    %dma_wait3A_922 = tpu.memref_slice %arg6[%dma_wait3A_920, %dma_wait3A_921] : memref<50x128xf32, #tpu.memory_space<vmem>> -> memref<1x128xf32, #tpu.memory_space<vmem>>
    %dma_wait3A_923 = tpu.memref_squeeze %dma_wait3A_922 : memref<1x128xf32, #tpu.memory_space<vmem>> -> memref<128xf32, #tpu.memory_space<vmem>>
    %dma_wait3A_924 = arith.constant 0 : i32
    %dma_wait3A_925 = tpu.memref_slice %arg5[%dma_wait3A_919, %dma_wait3A_924] : memref<50x128xi32, #tpu.memory_space<vmem>> -> memref<1x128xi32, #tpu.memory_space<vmem>>
    %dma_wait3A_926 = tpu.memref_squeeze %dma_wait3A_925 : memref<1x128xi32, #tpu.memory_space<vmem>> -> memref<128xi32, #tpu.memory_space<vmem>>
    %dma_wait3A_927 = arith.constant 0 : i32
    %dma_wait3A_928 = tpu.memref_slice %arg2[%dma_wait3A_927] : memref<1000000xf32, #tpu.memory_space<hbm>> -> memref<1000000xf32, #tpu.memory_space<hbm>>
    tpu.wait_indirect_dma semaphore(%arg8 : memref<!tpu.dma_semaphore, #tpu.memory_space<semaphore_mem>>) src(%dma_wait3A_928 : memref<1000000xf32, #tpu.memory_space<hbm>>) dst(%dma_wait3A_923 : memref<128xf32, #tpu.memory_space<vmem>>)
    %dma_wait3A_929 = arith.constant 43 : i32
    %dma_wait3A_930 = arith.constant 43 : i32
    %dma_wait3A_931 = arith.constant 0 : i32
    %dma_wait3A_932 = tpu.memref_slice %arg6[%dma_wait3A_930, %dma_wait3A_931] : memref<50x128xf32, #tpu.memory_space<vmem>> -> memref<1x128xf32, #tpu.memory_space<vmem>>
    %dma_wait3A_933 = tpu.memref_squeeze %dma_wait3A_932 : memref<1x128xf32, #tpu.memory_space<vmem>> -> memref<128xf32, #tpu.memory_space<vmem>>
    %dma_wait3A_934 = arith.constant 0 : i32
    %dma_wait3A_935 = tpu.memref_slice %arg5[%dma_wait3A_929, %dma_wait3A_934] : memref<50x128xi32, #tpu.memory_space<vmem>> -> memref<1x128xi32, #tpu.memory_space<vmem>>
    %dma_wait3A_936 = tpu.memref_squeeze %dma_wait3A_935 : memref<1x128xi32, #tpu.memory_space<vmem>> -> memref<128xi32, #tpu.memory_space<vmem>>
    %dma_wait3A_937 = arith.constant 0 : i32
    %dma_wait3A_938 = tpu.memref_slice %arg2[%dma_wait3A_937] : memref<1000000xf32, #tpu.memory_space<hbm>> -> memref<1000000xf32, #tpu.memory_space<hbm>>
    tpu.wait_indirect_dma semaphore(%arg8 : memref<!tpu.dma_semaphore, #tpu.memory_space<semaphore_mem>>) src(%dma_wait3A_938 : memref<1000000xf32, #tpu.memory_space<hbm>>) dst(%dma_wait3A_933 : memref<128xf32, #tpu.memory_space<vmem>>)
    %dma_wait3A_939 = arith.constant 44 : i32
    %dma_wait3A_940 = arith.constant 44 : i32
    %dma_wait3A_941 = arith.constant 0 : i32
    %dma_wait3A_942 = tpu.memref_slice %arg6[%dma_wait3A_940, %dma_wait3A_941] : memref<50x128xf32, #tpu.memory_space<vmem>> -> memref<1x128xf32, #tpu.memory_space<vmem>>
    %dma_wait3A_943 = tpu.memref_squeeze %dma_wait3A_942 : memref<1x128xf32, #tpu.memory_space<vmem>> -> memref<128xf32, #tpu.memory_space<vmem>>
    %dma_wait3A_944 = arith.constant 0 : i32
    %dma_wait3A_945 = tpu.memref_slice %arg5[%dma_wait3A_939, %dma_wait3A_944] : memref<50x128xi32, #tpu.memory_space<vmem>> -> memref<1x128xi32, #tpu.memory_space<vmem>>
    %dma_wait3A_946 = tpu.memref_squeeze %dma_wait3A_945 : memref<1x128xi32, #tpu.memory_space<vmem>> -> memref<128xi32, #tpu.memory_space<vmem>>
    %dma_wait3A_947 = arith.constant 0 : i32
    %dma_wait3A_948 = tpu.memref_slice %arg2[%dma_wait3A_947] : memref<1000000xf32, #tpu.memory_space<hbm>> -> memref<1000000xf32, #tpu.memory_space<hbm>>
    tpu.wait_indirect_dma semaphore(%arg8 : memref<!tpu.dma_semaphore, #tpu.memory_space<semaphore_mem>>) src(%dma_wait3A_948 : memref<1000000xf32, #tpu.memory_space<hbm>>) dst(%dma_wait3A_943 : memref<128xf32, #tpu.memory_space<vmem>>)
    %dma_wait3A_949 = arith.constant 45 : i32
    %dma_wait3A_950 = arith.constant 45 : i32
    %dma_wait3A_951 = arith.constant 0 : i32
    %dma_wait3A_952 = tpu.memref_slice %arg6[%dma_wait3A_950, %dma_wait3A_951] : memref<50x128xf32, #tpu.memory_space<vmem>> -> memref<1x128xf32, #tpu.memory_space<vmem>>
    %dma_wait3A_953 = tpu.memref_squeeze %dma_wait3A_952 : memref<1x128xf32, #tpu.memory_space<vmem>> -> memref<128xf32, #tpu.memory_space<vmem>>
    %dma_wait3A_954 = arith.constant 0 : i32
    %dma_wait3A_955 = tpu.memref_slice %arg5[%dma_wait3A_949, %dma_wait3A_954] : memref<50x128xi32, #tpu.memory_space<vmem>> -> memref<1x128xi32, #tpu.memory_space<vmem>>
    %dma_wait3A_956 = tpu.memref_squeeze %dma_wait3A_955 : memref<1x128xi32, #tpu.memory_space<vmem>> -> memref<128xi32, #tpu.memory_space<vmem>>
    %dma_wait3A_957 = arith.constant 0 : i32
    %dma_wait3A_958 = tpu.memref_slice %arg2[%dma_wait3A_957] : memref<1000000xf32, #tpu.memory_space<hbm>> -> memref<1000000xf32, #tpu.memory_space<hbm>>
    tpu.wait_indirect_dma semaphore(%arg8 : memref<!tpu.dma_semaphore, #tpu.memory_space<semaphore_mem>>) src(%dma_wait3A_958 : memref<1000000xf32, #tpu.memory_space<hbm>>) dst(%dma_wait3A_953 : memref<128xf32, #tpu.memory_space<vmem>>)
    %dma_wait3A_959 = arith.constant 46 : i32
    %dma_wait3A_960 = arith.constant 46 : i32
    %dma_wait3A_961 = arith.constant 0 : i32
    %dma_wait3A_962 = tpu.memref_slice %arg6[%dma_wait3A_960, %dma_wait3A_961] : memref<50x128xf32, #tpu.memory_space<vmem>> -> memref<1x128xf32, #tpu.memory_space<vmem>>
    %dma_wait3A_963 = tpu.memref_squeeze %dma_wait3A_962 : memref<1x128xf32, #tpu.memory_space<vmem>> -> memref<128xf32, #tpu.memory_space<vmem>>
    %dma_wait3A_964 = arith.constant 0 : i32
    %dma_wait3A_965 = tpu.memref_slice %arg5[%dma_wait3A_959, %dma_wait3A_964] : memref<50x128xi32, #tpu.memory_space<vmem>> -> memref<1x128xi32, #tpu.memory_space<vmem>>
    %dma_wait3A_966 = tpu.memref_squeeze %dma_wait3A_965 : memref<1x128xi32, #tpu.memory_space<vmem>> -> memref<128xi32, #tpu.memory_space<vmem>>
    %dma_wait3A_967 = arith.constant 0 : i32
    %dma_wait3A_968 = tpu.memref_slice %arg2[%dma_wait3A_967] : memref<1000000xf32, #tpu.memory_space<hbm>> -> memref<1000000xf32, #tpu.memory_space<hbm>>
    tpu.wait_indirect_dma semaphore(%arg8 : memref<!tpu.dma_semaphore, #tpu.memory_space<semaphore_mem>>) src(%dma_wait3A_968 : memref<1000000xf32, #tpu.memory_space<hbm>>) dst(%dma_wait3A_963 : memref<128xf32, #tpu.memory_space<vmem>>)
    %dma_wait3A_969 = arith.constant 47 : i32
    %dma_wait3A_970 = arith.constant 47 : i32
    %dma_wait3A_971 = arith.constant 0 : i32
    %dma_wait3A_972 = tpu.memref_slice %arg6[%dma_wait3A_970, %dma_wait3A_971] : memref<50x128xf32, #tpu.memory_space<vmem>> -> memref<1x128xf32, #tpu.memory_space<vmem>>
    %dma_wait3A_973 = tpu.memref_squeeze %dma_wait3A_972 : memref<1x128xf32, #tpu.memory_space<vmem>> -> memref<128xf32, #tpu.memory_space<vmem>>
    %dma_wait3A_974 = arith.constant 0 : i32
    %dma_wait3A_975 = tpu.memref_slice %arg5[%dma_wait3A_969, %dma_wait3A_974] : memref<50x128xi32, #tpu.memory_space<vmem>> -> memref<1x128xi32, #tpu.memory_space<vmem>>
    %dma_wait3A_976 = tpu.memref_squeeze %dma_wait3A_975 : memref<1x128xi32, #tpu.memory_space<vmem>> -> memref<128xi32, #tpu.memory_space<vmem>>
    %dma_wait3A_977 = arith.constant 0 : i32
    %dma_wait3A_978 = tpu.memref_slice %arg2[%dma_wait3A_977] : memref<1000000xf32, #tpu.memory_space<hbm>> -> memref<1000000xf32, #tpu.memory_space<hbm>>
    tpu.wait_indirect_dma semaphore(%arg8 : memref<!tpu.dma_semaphore, #tpu.memory_space<semaphore_mem>>) src(%dma_wait3A_978 : memref<1000000xf32, #tpu.memory_space<hbm>>) dst(%dma_wait3A_973 : memref<128xf32, #tpu.memory_space<vmem>>)
    %dma_wait3A_979 = arith.constant 48 : i32
    %dma_wait3A_980 = arith.constant 48 : i32
    %dma_wait3A_981 = arith.constant 0 : i32
    %dma_wait3A_982 = tpu.memref_slice %arg6[%dma_wait3A_980, %dma_wait3A_981] : memref<50x128xf32, #tpu.memory_space<vmem>> -> memref<1x128xf32, #tpu.memory_space<vmem>>
    %dma_wait3A_983 = tpu.memref_squeeze %dma_wait3A_982 : memref<1x128xf32, #tpu.memory_space<vmem>> -> memref<128xf32, #tpu.memory_space<vmem>>
    %dma_wait3A_984 = arith.constant 0 : i32
    %dma_wait3A_985 = tpu.memref_slice %arg5[%dma_wait3A_979, %dma_wait3A_984] : memref<50x128xi32, #tpu.memory_space<vmem>> -> memref<1x128xi32, #tpu.memory_space<vmem>>
    %dma_wait3A_986 = tpu.memref_squeeze %dma_wait3A_985 : memref<1x128xi32, #tpu.memory_space<vmem>> -> memref<128xi32, #tpu.memory_space<vmem>>
    %dma_wait3A_987 = arith.constant 0 : i32
    %dma_wait3A_988 = tpu.memref_slice %arg2[%dma_wait3A_987] : memref<1000000xf32, #tpu.memory_space<hbm>> -> memref<1000000xf32, #tpu.memory_space<hbm>>
    tpu.wait_indirect_dma semaphore(%arg8 : memref<!tpu.dma_semaphore, #tpu.memory_space<semaphore_mem>>) src(%dma_wait3A_988 : memref<1000000xf32, #tpu.memory_space<hbm>>) dst(%dma_wait3A_983 : memref<128xf32, #tpu.memory_space<vmem>>)
    %dma_wait3A_989 = arith.constant 49 : i32
    %dma_wait3A_990 = arith.constant 49 : i32
    %dma_wait3A_991 = arith.constant 0 : i32
    %dma_wait3A_992 = tpu.memref_slice %arg6[%dma_wait3A_990, %dma_wait3A_991] : memref<50x128xf32, #tpu.memory_space<vmem>> -> memref<1x128xf32, #tpu.memory_space<vmem>>
    %dma_wait3A_993 = tpu.memref_squeeze %dma_wait3A_992 : memref<1x128xf32, #tpu.memory_space<vmem>> -> memref<128xf32, #tpu.memory_space<vmem>>
    %dma_wait3A_994 = arith.constant 0 : i32
    %dma_wait3A_995 = tpu.memref_slice %arg5[%dma_wait3A_989, %dma_wait3A_994] : memref<50x128xi32, #tpu.memory_space<vmem>> -> memref<1x128xi32, #tpu.memory_space<vmem>>
    %dma_wait3A_996 = tpu.memref_squeeze %dma_wait3A_995 : memref<1x128xi32, #tpu.memory_space<vmem>> -> memref<128xi32, #tpu.memory_space<vmem>>
    %dma_wait3A_997 = arith.constant 0 : i32
    %dma_wait3A_998 = tpu.memref_slice %arg2[%dma_wait3A_997] : memref<1000000xf32, #tpu.memory_space<hbm>> -> memref<1000000xf32, #tpu.memory_space<hbm>>
    tpu.wait_indirect_dma semaphore(%arg8 : memref<!tpu.dma_semaphore, #tpu.memory_space<semaphore_mem>>) src(%dma_wait3A_998 : memref<1000000xf32, #tpu.memory_space<hbm>>) dst(%dma_wait3A_993 : memref<128xf32, #tpu.memory_space<vmem>>)
    %iota3A = tpu.iota {dimensions = array<i32: 0>} : vector<16xi32>
    %broadcast_in_dim3A = arith.constant 0.000000e+00 : f32
    %broadcast_in_dim3A_999 = vector.broadcast %broadcast_in_dim3A : f32 to vector<16xf32>
    %mul3A_1000 = arith.constant 50 : i32
    %mul3A_1001 = vector.broadcast %mul3A_1000 : i32 to vector<16xi32>
    %mul3A_1002 = arith.muli %iota3A, %mul3A_1001 : vector<16xi32>
    %add3A_1003 = arith.constant 0 : i32
    %add3A_1004 = vector.broadcast %add3A_1003 : i32 to vector<16xi32>
    %add3A_1005 = arith.addi %add3A_1004, %mul3A_1002 : vector<16xi32>
    %scan3A = arith.constant 0 : i32
    %scan3A_1006 = arith.constant 50 : i32
    %scan3A_1007 = arith.addi %scan3A, %scan3A_1006 : i32
    %scan3A_1008 = arith.constant 1 : i32
    %scan3A_1009 = scf.for %scan3A_1136 = %scan3A to %scan3A_1007 step %scan3A_1008 iter_args(%scan3A_1137 = %broadcast_in_dim3A_999) -> (vector<16xf32>)  : i32 {
      %add3A_1138 = vector.broadcast %scan3A_1136 : i32 to vector<16xi32>
      %add3A_1139 = arith.addi %add3A_1005, %add3A_1138 : vector<16xi32>
      %shift_right_arithmetic3A = arith.constant 7 : i32
      %shift_right_arithmetic3A_1140 = vector.broadcast %shift_right_arithmetic3A : i32 to vector<16xi32>
      %shift_right_arithmetic3A_1141 = arith.shrsi %add3A_1139, %shift_right_arithmetic3A_1140 : vector<16xi32>
      %and3A = arith.constant 127 : i32
      %and3A_1142 = vector.broadcast %and3A : i32 to vector<16xi32>
      %and3A_1143 = arith.andi %add3A_1139, %and3A_1142 : vector<16xi32>
      %gather3A = tpu.vector_load_idx %arg6[%shift_right_arithmetic3A_1141, %and3A_1143] : memref<50x128xf32, #tpu.memory_space<vmem>>[vector<16xi32>, vector<16xi32>], vector<16xf32>,
      %add3A_1144 = arith.addf %scan3A_1137, %gather3A : vector<16xf32>
      scf.yield %add3A_1144 : vector<16xf32>
    }
    %scan3A_1010 = arith.constant 50 : i32
    %mul3A_1011 = arith.constant 2.000000e-02 : f32
    %mul3A_1012 = vector.broadcast %mul3A_1011 : f32 to vector<16xf32>
    %mul3A_1013 = arith.mulf %scan3A_1009, %mul3A_1012 : vector<16xf32>
    %swap3A = arith.constant 0 : index
    %swap3A_1014 = tpu.vector_load %arg7[%swap3A] {strides = array<i32>} : memref<128xf32, #tpu.memory_space<vmem>>, vector<16xf32>,
    tpu.vector_store %arg7[%swap3A], %mul3A_1013 {strides = array<i32>} : memref<128xf32, #tpu.memory_space<vmem>>, vector<16xf32>,
    %mul3A_1015 = arith.constant 50 : i32
    %mul3A_1016 = vector.broadcast %mul3A_1015 : i32 to vector<16xi32>
    %mul3A_1017 = arith.muli %iota3A, %mul3A_1016 : vector<16xi32>
    %add3A_1018 = arith.constant 800 : i32
    %add3A_1019 = vector.broadcast %add3A_1018 : i32 to vector<16xi32>
    %add3A_1020 = arith.addi %add3A_1019, %mul3A_1017 : vector<16xi32>
    %scan3A_1021 = arith.constant 0 : i32
    %scan3A_1022 = arith.constant 50 : i32
    %scan3A_1023 = arith.addi %scan3A_1021, %scan3A_1022 : i32
    %scan3A_1024 = arith.constant 1 : i32
    %scan3A_1025 = scf.for %scan3A_1136 = %scan3A_1021 to %scan3A_1023 step %scan3A_1024 iter_args(%scan3A_1137 = %broadcast_in_dim3A_999) -> (vector<16xf32>)  : i32 {
      %add3A_1138 = vector.broadcast %scan3A_1136 : i32 to vector<16xi32>
      %add3A_1139 = arith.addi %add3A_1020, %add3A_1138 : vector<16xi32>
      %shift_right_arithmetic3A = arith.constant 7 : i32
      %shift_right_arithmetic3A_1140 = vector.broadcast %shift_right_arithmetic3A : i32 to vector<16xi32>
      %shift_right_arithmetic3A_1141 = arith.shrsi %add3A_1139, %shift_right_arithmetic3A_1140 : vector<16xi32>
      %and3A = arith.constant 127 : i32
      %and3A_1142 = vector.broadcast %and3A : i32 to vector<16xi32>
      %and3A_1143 = arith.andi %add3A_1139, %and3A_1142 : vector<16xi32>
      %gather3A = tpu.vector_load_idx %arg6[%shift_right_arithmetic3A_1141, %and3A_1143] : memref<50x128xf32, #tpu.memory_space<vmem>>[vector<16xi32>, vector<16xi32>], vector<16xf32>,
      %add3A_1144 = arith.addf %scan3A_1137, %gather3A : vector<16xf32>
      scf.yield %add3A_1144 : vector<16xf32>
    }
    %scan3A_1026 = arith.constant 50 : i32
    %mul3A_1027 = arith.constant 2.000000e-02 : f32
    %mul3A_1028 = vector.broadcast %mul3A_1027 : f32 to vector<16xf32>
    %mul3A_1029 = arith.mulf %scan3A_1025, %mul3A_1028 : vector<16xf32>
    %swap3A_1030 = arith.constant 16 : index
    %swap3A_1031 = tpu.vector_load %arg7[%swap3A_1030] {strides = array<i32>} : memref<128xf32, #tpu.memory_space<vmem>>, vector<16xf32>,
    tpu.vector_store %arg7[%swap3A_1030], %mul3A_1029 {strides = array<i32>} : memref<128xf32, #tpu.memory_space<vmem>>, vector<16xf32>,
    %mul3A_1032 = arith.constant 50 : i32
    %mul3A_1033 = vector.broadcast %mul3A_1032 : i32 to vector<16xi32>
    %mul3A_1034 = arith.muli %iota3A, %mul3A_1033 : vector<16xi32>
    %add3A_1035 = arith.constant 1600 : i32
    %add3A_1036 = vector.broadcast %add3A_1035 : i32 to vector<16xi32>
    %add3A_1037 = arith.addi %add3A_1036, %mul3A_1034 : vector<16xi32>
    %scan3A_1038 = arith.constant 0 : i32
    %scan3A_1039 = arith.constant 50 : i32
    %scan3A_1040 = arith.addi %scan3A_1038, %scan3A_1039 : i32
    %scan3A_1041 = arith.constant 1 : i32
    %scan3A_1042 = scf.for %scan3A_1136 = %scan3A_1038 to %scan3A_1040 step %scan3A_1041 iter_args(%scan3A_1137 = %broadcast_in_dim3A_999) -> (vector<16xf32>)  : i32 {
      %add3A_1138 = vector.broadcast %scan3A_1136 : i32 to vector<16xi32>
      %add3A_1139 = arith.addi %add3A_1037, %add3A_1138 : vector<16xi32>
      %shift_right_arithmetic3A = arith.constant 7 : i32
      %shift_right_arithmetic3A_1140 = vector.broadcast %shift_right_arithmetic3A : i32 to vector<16xi32>
      %shift_right_arithmetic3A_1141 = arith.shrsi %add3A_1139, %shift_right_arithmetic3A_1140 : vector<16xi32>
      %and3A = arith.constant 127 : i32
      %and3A_1142 = vector.broadcast %and3A : i32 to vector<16xi32>
      %and3A_1143 = arith.andi %add3A_1139, %and3A_1142 : vector<16xi32>
      %gather3A = tpu.vector_load_idx %arg6[%shift_right_arithmetic3A_1141, %and3A_1143] : memref<50x128xf32, #tpu.memory_space<vmem>>[vector<16xi32>, vector<16xi32>], vector<16xf32>,
      %add3A_1144 = arith.addf %scan3A_1137, %gather3A : vector<16xf32>
      scf.yield %add3A_1144 : vector<16xf32>
    }
    %scan3A_1043 = arith.constant 50 : i32
    %mul3A_1044 = arith.constant 2.000000e-02 : f32
    %mul3A_1045 = vector.broadcast %mul3A_1044 : f32 to vector<16xf32>
    %mul3A_1046 = arith.mulf %scan3A_1042, %mul3A_1045 : vector<16xf32>
    %swap3A_1047 = arith.constant 32 : index
    %swap3A_1048 = tpu.vector_load %arg7[%swap3A_1047] {strides = array<i32>} : memref<128xf32, #tpu.memory_space<vmem>>, vector<16xf32>,
    tpu.vector_store %arg7[%swap3A_1047], %mul3A_1046 {strides = array<i32>} : memref<128xf32, #tpu.memory_space<vmem>>, vector<16xf32>,
    %mul3A_1049 = arith.constant 50 : i32
    %mul3A_1050 = vector.broadcast %mul3A_1049 : i32 to vector<16xi32>
    %mul3A_1051 = arith.muli %iota3A, %mul3A_1050 : vector<16xi32>
    %add3A_1052 = arith.constant 2400 : i32
    %add3A_1053 = vector.broadcast %add3A_1052 : i32 to vector<16xi32>
    %add3A_1054 = arith.addi %add3A_1053, %mul3A_1051 : vector<16xi32>
    %scan3A_1055 = arith.constant 0 : i32
    %scan3A_1056 = arith.constant 50 : i32
    %scan3A_1057 = arith.addi %scan3A_1055, %scan3A_1056 : i32
    %scan3A_1058 = arith.constant 1 : i32
    %scan3A_1059 = scf.for %scan3A_1136 = %scan3A_1055 to %scan3A_1057 step %scan3A_1058 iter_args(%scan3A_1137 = %broadcast_in_dim3A_999) -> (vector<16xf32>)  : i32 {
      %add3A_1138 = vector.broadcast %scan3A_1136 : i32 to vector<16xi32>
      %add3A_1139 = arith.addi %add3A_1054, %add3A_1138 : vector<16xi32>
      %shift_right_arithmetic3A = arith.constant 7 : i32
      %shift_right_arithmetic3A_1140 = vector.broadcast %shift_right_arithmetic3A : i32 to vector<16xi32>
      %shift_right_arithmetic3A_1141 = arith.shrsi %add3A_1139, %shift_right_arithmetic3A_1140 : vector<16xi32>
      %and3A = arith.constant 127 : i32
      %and3A_1142 = vector.broadcast %and3A : i32 to vector<16xi32>
      %and3A_1143 = arith.andi %add3A_1139, %and3A_1142 : vector<16xi32>
      %gather3A = tpu.vector_load_idx %arg6[%shift_right_arithmetic3A_1141, %and3A_1143] : memref<50x128xf32, #tpu.memory_space<vmem>>[vector<16xi32>, vector<16xi32>], vector<16xf32>,
      %add3A_1144 = arith.addf %scan3A_1137, %gather3A : vector<16xf32>
      scf.yield %add3A_1144 : vector<16xf32>
    }
    %scan3A_1060 = arith.constant 50 : i32
    %mul3A_1061 = arith.constant 2.000000e-02 : f32
    %mul3A_1062 = vector.broadcast %mul3A_1061 : f32 to vector<16xf32>
    %mul3A_1063 = arith.mulf %scan3A_1059, %mul3A_1062 : vector<16xf32>
    %swap3A_1064 = arith.constant 48 : index
    %swap3A_1065 = tpu.vector_load %arg7[%swap3A_1064] {strides = array<i32>} : memref<128xf32, #tpu.memory_space<vmem>>, vector<16xf32>,
    tpu.vector_store %arg7[%swap3A_1064], %mul3A_1063 {strides = array<i32>} : memref<128xf32, #tpu.memory_space<vmem>>, vector<16xf32>,
    %mul3A_1066 = arith.constant 50 : i32
    %mul3A_1067 = vector.broadcast %mul3A_1066 : i32 to vector<16xi32>
    %mul3A_1068 = arith.muli %iota3A, %mul3A_1067 : vector<16xi32>
    %add3A_1069 = arith.constant 3200 : i32
    %add3A_1070 = vector.broadcast %add3A_1069 : i32 to vector<16xi32>
    %add3A_1071 = arith.addi %add3A_1070, %mul3A_1068 : vector<16xi32>
    %scan3A_1072 = arith.constant 0 : i32
    %scan3A_1073 = arith.constant 50 : i32
    %scan3A_1074 = arith.addi %scan3A_1072, %scan3A_1073 : i32
    %scan3A_1075 = arith.constant 1 : i32
    %scan3A_1076 = scf.for %scan3A_1136 = %scan3A_1072 to %scan3A_1074 step %scan3A_1075 iter_args(%scan3A_1137 = %broadcast_in_dim3A_999) -> (vector<16xf32>)  : i32 {
      %add3A_1138 = vector.broadcast %scan3A_1136 : i32 to vector<16xi32>
      %add3A_1139 = arith.addi %add3A_1071, %add3A_1138 : vector<16xi32>
      %shift_right_arithmetic3A = arith.constant 7 : i32
      %shift_right_arithmetic3A_1140 = vector.broadcast %shift_right_arithmetic3A : i32 to vector<16xi32>
      %shift_right_arithmetic3A_1141 = arith.shrsi %add3A_1139, %shift_right_arithmetic3A_1140 : vector<16xi32>
      %and3A = arith.constant 127 : i32
      %and3A_1142 = vector.broadcast %and3A : i32 to vector<16xi32>
      %and3A_1143 = arith.andi %add3A_1139, %and3A_1142 : vector<16xi32>
      %gather3A = tpu.vector_load_idx %arg6[%shift_right_arithmetic3A_1141, %and3A_1143] : memref<50x128xf32, #tpu.memory_space<vmem>>[vector<16xi32>, vector<16xi32>], vector<16xf32>,
      %add3A_1144 = arith.addf %scan3A_1137, %gather3A : vector<16xf32>
      scf.yield %add3A_1144 : vector<16xf32>
    }
    %scan3A_1077 = arith.constant 50 : i32
    %mul3A_1078 = arith.constant 2.000000e-02 : f32
    %mul3A_1079 = vector.broadcast %mul3A_1078 : f32 to vector<16xf32>
    %mul3A_1080 = arith.mulf %scan3A_1076, %mul3A_1079 : vector<16xf32>
    %swap3A_1081 = arith.constant 64 : index
    %swap3A_1082 = tpu.vector_load %arg7[%swap3A_1081] {strides = array<i32>} : memref<128xf32, #tpu.memory_space<vmem>>, vector<16xf32>,
    tpu.vector_store %arg7[%swap3A_1081], %mul3A_1080 {strides = array<i32>} : memref<128xf32, #tpu.memory_space<vmem>>, vector<16xf32>,
    %mul3A_1083 = arith.constant 50 : i32
    %mul3A_1084 = vector.broadcast %mul3A_1083 : i32 to vector<16xi32>
    %mul3A_1085 = arith.muli %iota3A, %mul3A_1084 : vector<16xi32>
    %add3A_1086 = arith.constant 4000 : i32
    %add3A_1087 = vector.broadcast %add3A_1086 : i32 to vector<16xi32>
    %add3A_1088 = arith.addi %add3A_1087, %mul3A_1085 : vector<16xi32>
    %scan3A_1089 = arith.constant 0 : i32
    %scan3A_1090 = arith.constant 50 : i32
    %scan3A_1091 = arith.addi %scan3A_1089, %scan3A_1090 : i32
    %scan3A_1092 = arith.constant 1 : i32
    %scan3A_1093 = scf.for %scan3A_1136 = %scan3A_1089 to %scan3A_1091 step %scan3A_1092 iter_args(%scan3A_1137 = %broadcast_in_dim3A_999) -> (vector<16xf32>)  : i32 {
      %add3A_1138 = vector.broadcast %scan3A_1136 : i32 to vector<16xi32>
      %add3A_1139 = arith.addi %add3A_1088, %add3A_1138 : vector<16xi32>
      %shift_right_arithmetic3A = arith.constant 7 : i32
      %shift_right_arithmetic3A_1140 = vector.broadcast %shift_right_arithmetic3A : i32 to vector<16xi32>
      %shift_right_arithmetic3A_1141 = arith.shrsi %add3A_1139, %shift_right_arithmetic3A_1140 : vector<16xi32>
      %and3A = arith.constant 127 : i32
      %and3A_1142 = vector.broadcast %and3A : i32 to vector<16xi32>
      %and3A_1143 = arith.andi %add3A_1139, %and3A_1142 : vector<16xi32>
      %gather3A = tpu.vector_load_idx %arg6[%shift_right_arithmetic3A_1141, %and3A_1143] : memref<50x128xf32, #tpu.memory_space<vmem>>[vector<16xi32>, vector<16xi32>], vector<16xf32>,
      %add3A_1144 = arith.addf %scan3A_1137, %gather3A : vector<16xf32>
      scf.yield %add3A_1144 : vector<16xf32>
    }
    %scan3A_1094 = arith.constant 50 : i32
    %mul3A_1095 = arith.constant 2.000000e-02 : f32
    %mul3A_1096 = vector.broadcast %mul3A_1095 : f32 to vector<16xf32>
    %mul3A_1097 = arith.mulf %scan3A_1093, %mul3A_1096 : vector<16xf32>
    %swap3A_1098 = arith.constant 80 : index
    %swap3A_1099 = tpu.vector_load %arg7[%swap3A_1098] {strides = array<i32>} : memref<128xf32, #tpu.memory_space<vmem>>, vector<16xf32>,
    tpu.vector_store %arg7[%swap3A_1098], %mul3A_1097 {strides = array<i32>} : memref<128xf32, #tpu.memory_space<vmem>>, vector<16xf32>,
    %mul3A_1100 = arith.constant 50 : i32
    %mul3A_1101 = vector.broadcast %mul3A_1100 : i32 to vector<16xi32>
    %mul3A_1102 = arith.muli %iota3A, %mul3A_1101 : vector<16xi32>
    %add3A_1103 = arith.constant 4800 : i32
    %add3A_1104 = vector.broadcast %add3A_1103 : i32 to vector<16xi32>
    %add3A_1105 = arith.addi %add3A_1104, %mul3A_1102 : vector<16xi32>
    %scan3A_1106 = arith.constant 0 : i32
    %scan3A_1107 = arith.constant 50 : i32
    %scan3A_1108 = arith.addi %scan3A_1106, %scan3A_1107 : i32
    %scan3A_1109 = arith.constant 1 : i32
    %scan3A_1110 = scf.for %scan3A_1136 = %scan3A_1106 to %scan3A_1108 step %scan3A_1109 iter_args(%scan3A_1137 = %broadcast_in_dim3A_999) -> (vector<16xf32>)  : i32 {
      %add3A_1138 = vector.broadcast %scan3A_1136 : i32 to vector<16xi32>
      %add3A_1139 = arith.addi %add3A_1105, %add3A_1138 : vector<16xi32>
      %shift_right_arithmetic3A = arith.constant 7 : i32
      %shift_right_arithmetic3A_1140 = vector.broadcast %shift_right_arithmetic3A : i32 to vector<16xi32>
      %shift_right_arithmetic3A_1141 = arith.shrsi %add3A_1139, %shift_right_arithmetic3A_1140 : vector<16xi32>
      %and3A = arith.constant 127 : i32
      %and3A_1142 = vector.broadcast %and3A : i32 to vector<16xi32>
      %and3A_1143 = arith.andi %add3A_1139, %and3A_1142 : vector<16xi32>
      %gather3A = tpu.vector_load_idx %arg6[%shift_right_arithmetic3A_1141, %and3A_1143] : memref<50x128xf32, #tpu.memory_space<vmem>>[vector<16xi32>, vector<16xi32>], vector<16xf32>,
      %add3A_1144 = arith.addf %scan3A_1137, %gather3A : vector<16xf32>
      scf.yield %add3A_1144 : vector<16xf32>
    }
    %scan3A_1111 = arith.constant 50 : i32
    %mul3A_1112 = arith.constant 2.000000e-02 : f32
    %mul3A_1113 = vector.broadcast %mul3A_1112 : f32 to vector<16xf32>
    %mul3A_1114 = arith.mulf %scan3A_1110, %mul3A_1113 : vector<16xf32>
    %swap3A_1115 = arith.constant 96 : index
    %swap3A_1116 = tpu.vector_load %arg7[%swap3A_1115] {strides = array<i32>} : memref<128xf32, #tpu.memory_space<vmem>>, vector<16xf32>,
    tpu.vector_store %arg7[%swap3A_1115], %mul3A_1114 {strides = array<i32>} : memref<128xf32, #tpu.memory_space<vmem>>, vector<16xf32>,
    %mul3A_1117 = arith.constant 50 : i32
    %mul3A_1118 = vector.broadcast %mul3A_1117 : i32 to vector<16xi32>
    %mul3A_1119 = arith.muli %iota3A, %mul3A_1118 : vector<16xi32>
    %add3A_1120 = arith.constant 5600 : i32
    %add3A_1121 = vector.broadcast %add3A_1120 : i32 to vector<16xi32>
    %add3A_1122 = arith.addi %add3A_1121, %mul3A_1119 : vector<16xi32>
    %scan3A_1123 = arith.constant 0 : i32
    %scan3A_1124 = arith.constant 50 : i32
    %scan3A_1125 = arith.addi %scan3A_1123, %scan3A_1124 : i32
    %scan3A_1126 = arith.constant 1 : i32
    %scan3A_1127 = scf.for %scan3A_1136 = %scan3A_1123 to %scan3A_1125 step %scan3A_1126 iter_args(%scan3A_1137 = %broadcast_in_dim3A_999) -> (vector<16xf32>)  : i32 {
      %add3A_1138 = vector.broadcast %scan3A_1136 : i32 to vector<16xi32>
      %add3A_1139 = arith.addi %add3A_1122, %add3A_1138 : vector<16xi32>
      %shift_right_arithmetic3A = arith.constant 7 : i32
      %shift_right_arithmetic3A_1140 = vector.broadcast %shift_right_arithmetic3A : i32 to vector<16xi32>
      %shift_right_arithmetic3A_1141 = arith.shrsi %add3A_1139, %shift_right_arithmetic3A_1140 : vector<16xi32>
      %and3A = arith.constant 127 : i32
      %and3A_1142 = vector.broadcast %and3A : i32 to vector<16xi32>
      %and3A_1143 = arith.andi %add3A_1139, %and3A_1142 : vector<16xi32>
      %gather3A = tpu.vector_load_idx %arg6[%shift_right_arithmetic3A_1141, %and3A_1143] : memref<50x128xf32, #tpu.memory_space<vmem>>[vector<16xi32>, vector<16xi32>], vector<16xf32>,
      %add3A_1144 = arith.addf %scan3A_1137, %gather3A : vector<16xf32>
      scf.yield %add3A_1144 : vector<16xf32>
    }
    %scan3A_1128 = arith.constant 50 : i32
    %mul3A_1129 = arith.constant 2.000000e-02 : f32
    %mul3A_1130 = vector.broadcast %mul3A_1129 : f32 to vector<16xf32>
    %mul3A_1131 = arith.mulf %scan3A_1127, %mul3A_1130 : vector<16xf32>
    %swap3A_1132 = arith.constant 112 : index
    %swap3A_1133 = tpu.vector_load %arg7[%swap3A_1132] {strides = array<i32>} : memref<128xf32, #tpu.memory_space<vmem>>, vector<16xf32>,
    tpu.vector_store %arg7[%swap3A_1132], %mul3A_1131 {strides = array<i32>} : memref<128xf32, #tpu.memory_space<vmem>>, vector<16xf32>,
    %mul3A_1134 = arith.constant 128 : i32
    %mul3A_1135 = arith.muli %add3A, %mul3A_1134 : i32
    "tpu.region"() ({
      %run_scoped3A = tpu.sem_alloc : memref<!tpu.dma_semaphore, #tpu.memory_space<semaphore_mem>>
      %dma_start3A_1136 = tpu.memref_slice %arg4[%mul3A_1135] : memref<4096xf32, #tpu.memory_space<hbm>> -> memref<128xf32, #tpu.memory_space<hbm>>
      %dma_start3A_1137 = tpu.memref_slice %arg4[%mul3A_1135] : memref<4096xf32, #tpu.memory_space<hbm>> -> memref<128xf32, #tpu.memory_space<hbm>>
      tpu.enqueue_dma source(%arg7 : memref<128xf32, #tpu.memory_space<vmem>>) target(%dma_start3A_1137 : memref<128xf32, #tpu.memory_space<hbm>>) target_semaphore(%run_scoped3A : memref<!tpu.dma_semaphore, #tpu.memory_space<semaphore_mem>>)
      %dma_wait3A_1138 = tpu.memref_slice %arg4[%mul3A_1135] : memref<4096xf32, #tpu.memory_space<hbm>> -> memref<128xf32, #tpu.memory_space<hbm>>
      %dma_wait3A_1139 = tpu.memref_slice %arg4[%mul3A_1135] : memref<4096xf32, #tpu.memory_space<hbm>> -> memref<128xf32, #tpu.memory_space<hbm>>
      tpu.wait_dma2 semaphore(%run_scoped3A : memref<!tpu.dma_semaphore, #tpu.memory_space<semaphore_mem>>) src(%arg7 : memref<128xf32, #tpu.memory_space<vmem>>) dst(%dma_wait3A_1139 : memref<128xf32, #tpu.memory_space<hbm>>)
      tpu.yield
    }) : () -> ()
    return
  }
}

module attributes {stable_mosaic.version = 14 : i64} {
  func.func @_matvec_body(%arg0: memref<200xi32, #tpu.memory_space<smem>>, %arg1: memref<1000000x64xf32, #tpu.memory_space<hbm>>, %arg2: memref<160x6250xf32, #tpu.memory_space<vmem>>, %arg3: memref<160x6250xf32, #tpu.memory_space<vmem>>, %arg4: memref<200x64xf32, #tpu.memory_space<vmem>>, %arg5: memref<!tpu.dma_semaphore, #tpu.memory_space<semaphore_mem>>, %arg6: memref<10x6250x64xf32, #tpu.memory_space<vmem>>, %arg7: memref<10x!tpu.dma_semaphore, #tpu.memory_space<semaphore_mem>>) attributes {dimension_semantics = [], scalar_prefetch = 0 : i64, scratch_operands = 4 : i64, tpu.core_type = #tpu.core_type<tc>} {
    %scan3A = arith.constant 0 : i32
    %scan3A_0 = arith.constant 200 : i32
    %scan3A_1 = arith.addi %scan3A, %scan3A_0 : i32
    %scan3A_2 = arith.constant 1 : i32
    scf.for %scan3A_125 = %scan3A to %scan3A_1 step %scan3A_2  : i32 {
      %get3A_126 = arith.index_cast %scan3A_125 : i32 to index
      %get3A_127 = memref.load %arg0[%get3A_126] : memref<200xi32, #tpu.memory_space<smem>>
      %dma_start3A_128 = arith.constant 0 : i32
      %dma_start3A_129 = tpu.memref_slice %arg4[%scan3A_125, %dma_start3A_128] : memref<200x64xf32, #tpu.memory_space<vmem>> -> memref<1x64xf32, #tpu.memory_space<vmem>>
      %dma_start3A_130 = arith.constant 0 : i32
      %dma_start3A_131 = tpu.memref_slice %arg1[%get3A_127, %dma_start3A_130] : memref<1000000x64xf32, #tpu.memory_space<hbm>> -> memref<1x64xf32, #tpu.memory_space<hbm>>
      tpu.enqueue_dma source(%dma_start3A_131 : memref<1x64xf32, #tpu.memory_space<hbm>>) target(%dma_start3A_129 : memref<1x64xf32, #tpu.memory_space<vmem>>) target_semaphore(%arg5 : memref<!tpu.dma_semaphore, #tpu.memory_space<semaphore_mem>>)
    }
    %scan3A_3 = arith.constant 200 : i32
    %dma_start3A = arith.constant 0 : i32
    %dma_start3A_4 = arith.constant 0 : i32
    %dma_start3A_5 = tpu.memref_slice %arg7[%dma_start3A_4] : memref<10x!tpu.dma_semaphore, #tpu.memory_space<semaphore_mem>> -> memref<1x!tpu.dma_semaphore, #tpu.memory_space<semaphore_mem>>
    %dma_start3A_6 = tpu.memref_squeeze %dma_start3A_5 : memref<1x!tpu.dma_semaphore, #tpu.memory_space<semaphore_mem>> -> memref<!tpu.dma_semaphore, #tpu.memory_space<semaphore_mem>>
    %dma_start3A_7 = arith.constant 0 : i32
    %dma_start3A_8 = arith.constant 0 : i32
    %dma_start3A_9 = tpu.memref_slice %arg6[%dma_start3A, %dma_start3A_7, %dma_start3A_8] : memref<10x6250x64xf32, #tpu.memory_space<vmem>> -> memref<1x6250x64xf32, #tpu.memory_space<vmem>>
    %dma_start3A_10 = tpu.memref_squeeze %dma_start3A_9 : memref<1x6250x64xf32, #tpu.memory_space<vmem>> -> memref<6250x64xf32, #tpu.memory_space<vmem>>
    %dma_start3A_11 = arith.constant 0 : i32
    %dma_start3A_12 = arith.constant 0 : i32
    %dma_start3A_13 = tpu.memref_slice %arg1[%dma_start3A_11, %dma_start3A_12] : memref<1000000x64xf32, #tpu.memory_space<hbm>> -> memref<6250x64xf32, #tpu.memory_space<hbm>>
    tpu.enqueue_dma source(%dma_start3A_13 : memref<6250x64xf32, #tpu.memory_space<hbm>>) target(%dma_start3A_10 : memref<6250x64xf32, #tpu.memory_space<vmem>>) target_semaphore(%dma_start3A_6 : memref<!tpu.dma_semaphore, #tpu.memory_space<semaphore_mem>>)
    %dma_start3A_14 = arith.constant 1 : i32
    %dma_start3A_15 = arith.constant 1 : i32
    %dma_start3A_16 = tpu.memref_slice %arg7[%dma_start3A_15] : memref<10x!tpu.dma_semaphore, #tpu.memory_space<semaphore_mem>> -> memref<1x!tpu.dma_semaphore, #tpu.memory_space<semaphore_mem>>
    %dma_start3A_17 = tpu.memref_squeeze %dma_start3A_16 : memref<1x!tpu.dma_semaphore, #tpu.memory_space<semaphore_mem>> -> memref<!tpu.dma_semaphore, #tpu.memory_space<semaphore_mem>>
    %dma_start3A_18 = arith.constant 0 : i32
    %dma_start3A_19 = arith.constant 0 : i32
    %dma_start3A_20 = tpu.memref_slice %arg6[%dma_start3A_14, %dma_start3A_18, %dma_start3A_19] : memref<10x6250x64xf32, #tpu.memory_space<vmem>> -> memref<1x6250x64xf32, #tpu.memory_space<vmem>>
    %dma_start3A_21 = tpu.memref_squeeze %dma_start3A_20 : memref<1x6250x64xf32, #tpu.memory_space<vmem>> -> memref<6250x64xf32, #tpu.memory_space<vmem>>
    %dma_start3A_22 = arith.constant 6250 : i32
    %dma_start3A_23 = arith.constant 0 : i32
    %dma_start3A_24 = tpu.memref_slice %arg1[%dma_start3A_22, %dma_start3A_23] : memref<1000000x64xf32, #tpu.memory_space<hbm>> -> memref<6250x64xf32, #tpu.memory_space<hbm>>
    tpu.enqueue_dma source(%dma_start3A_24 : memref<6250x64xf32, #tpu.memory_space<hbm>>) target(%dma_start3A_21 : memref<6250x64xf32, #tpu.memory_space<vmem>>) target_semaphore(%dma_start3A_17 : memref<!tpu.dma_semaphore, #tpu.memory_space<semaphore_mem>>)
    %dma_start3A_25 = arith.constant 2 : i32
    %dma_start3A_26 = arith.constant 2 : i32
    %dma_start3A_27 = tpu.memref_slice %arg7[%dma_start3A_26] : memref<10x!tpu.dma_semaphore, #tpu.memory_space<semaphore_mem>> -> memref<1x!tpu.dma_semaphore, #tpu.memory_space<semaphore_mem>>
    %dma_start3A_28 = tpu.memref_squeeze %dma_start3A_27 : memref<1x!tpu.dma_semaphore, #tpu.memory_space<semaphore_mem>> -> memref<!tpu.dma_semaphore, #tpu.memory_space<semaphore_mem>>
    %dma_start3A_29 = arith.constant 0 : i32
    %dma_start3A_30 = arith.constant 0 : i32
    %dma_start3A_31 = tpu.memref_slice %arg6[%dma_start3A_25, %dma_start3A_29, %dma_start3A_30] : memref<10x6250x64xf32, #tpu.memory_space<vmem>> -> memref<1x6250x64xf32, #tpu.memory_space<vmem>>
    %dma_start3A_32 = tpu.memref_squeeze %dma_start3A_31 : memref<1x6250x64xf32, #tpu.memory_space<vmem>> -> memref<6250x64xf32, #tpu.memory_space<vmem>>
    %dma_start3A_33 = arith.constant 12500 : i32
    %dma_start3A_34 = arith.constant 0 : i32
    %dma_start3A_35 = tpu.memref_slice %arg1[%dma_start3A_33, %dma_start3A_34] : memref<1000000x64xf32, #tpu.memory_space<hbm>> -> memref<6250x64xf32, #tpu.memory_space<hbm>>
    tpu.enqueue_dma source(%dma_start3A_35 : memref<6250x64xf32, #tpu.memory_space<hbm>>) target(%dma_start3A_32 : memref<6250x64xf32, #tpu.memory_space<vmem>>) target_semaphore(%dma_start3A_28 : memref<!tpu.dma_semaphore, #tpu.memory_space<semaphore_mem>>)
    %dma_start3A_36 = arith.constant 3 : i32
    %dma_start3A_37 = arith.constant 3 : i32
    %dma_start3A_38 = tpu.memref_slice %arg7[%dma_start3A_37] : memref<10x!tpu.dma_semaphore, #tpu.memory_space<semaphore_mem>> -> memref<1x!tpu.dma_semaphore, #tpu.memory_space<semaphore_mem>>
    %dma_start3A_39 = tpu.memref_squeeze %dma_start3A_38 : memref<1x!tpu.dma_semaphore, #tpu.memory_space<semaphore_mem>> -> memref<!tpu.dma_semaphore, #tpu.memory_space<semaphore_mem>>
    %dma_start3A_40 = arith.constant 0 : i32
    %dma_start3A_41 = arith.constant 0 : i32
    %dma_start3A_42 = tpu.memref_slice %arg6[%dma_start3A_36, %dma_start3A_40, %dma_start3A_41] : memref<10x6250x64xf32, #tpu.memory_space<vmem>> -> memref<1x6250x64xf32, #tpu.memory_space<vmem>>
    %dma_start3A_43 = tpu.memref_squeeze %dma_start3A_42 : memref<1x6250x64xf32, #tpu.memory_space<vmem>> -> memref<6250x64xf32, #tpu.memory_space<vmem>>
    %dma_start3A_44 = arith.constant 18750 : i32
    %dma_start3A_45 = arith.constant 0 : i32
    %dma_start3A_46 = tpu.memref_slice %arg1[%dma_start3A_44, %dma_start3A_45] : memref<1000000x64xf32, #tpu.memory_space<hbm>> -> memref<6250x64xf32, #tpu.memory_space<hbm>>
    tpu.enqueue_dma source(%dma_start3A_46 : memref<6250x64xf32, #tpu.memory_space<hbm>>) target(%dma_start3A_43 : memref<6250x64xf32, #tpu.memory_space<vmem>>) target_semaphore(%dma_start3A_39 : memref<!tpu.dma_semaphore, #tpu.memory_space<semaphore_mem>>)
    %dma_start3A_47 = arith.constant 4 : i32
    %dma_start3A_48 = arith.constant 4 : i32
    %dma_start3A_49 = tpu.memref_slice %arg7[%dma_start3A_48] : memref<10x!tpu.dma_semaphore, #tpu.memory_space<semaphore_mem>> -> memref<1x!tpu.dma_semaphore, #tpu.memory_space<semaphore_mem>>
    %dma_start3A_50 = tpu.memref_squeeze %dma_start3A_49 : memref<1x!tpu.dma_semaphore, #tpu.memory_space<semaphore_mem>> -> memref<!tpu.dma_semaphore, #tpu.memory_space<semaphore_mem>>
    %dma_start3A_51 = arith.constant 0 : i32
    %dma_start3A_52 = arith.constant 0 : i32
    %dma_start3A_53 = tpu.memref_slice %arg6[%dma_start3A_47, %dma_start3A_51, %dma_start3A_52] : memref<10x6250x64xf32, #tpu.memory_space<vmem>> -> memref<1x6250x64xf32, #tpu.memory_space<vmem>>
    %dma_start3A_54 = tpu.memref_squeeze %dma_start3A_53 : memref<1x6250x64xf32, #tpu.memory_space<vmem>> -> memref<6250x64xf32, #tpu.memory_space<vmem>>
    %dma_start3A_55 = arith.constant 25000 : i32
    %dma_start3A_56 = arith.constant 0 : i32
    %dma_start3A_57 = tpu.memref_slice %arg1[%dma_start3A_55, %dma_start3A_56] : memref<1000000x64xf32, #tpu.memory_space<hbm>> -> memref<6250x64xf32, #tpu.memory_space<hbm>>
    tpu.enqueue_dma source(%dma_start3A_57 : memref<6250x64xf32, #tpu.memory_space<hbm>>) target(%dma_start3A_54 : memref<6250x64xf32, #tpu.memory_space<vmem>>) target_semaphore(%dma_start3A_50 : memref<!tpu.dma_semaphore, #tpu.memory_space<semaphore_mem>>)
    %dma_start3A_58 = arith.constant 5 : i32
    %dma_start3A_59 = arith.constant 5 : i32
    %dma_start3A_60 = tpu.memref_slice %arg7[%dma_start3A_59] : memref<10x!tpu.dma_semaphore, #tpu.memory_space<semaphore_mem>> -> memref<1x!tpu.dma_semaphore, #tpu.memory_space<semaphore_mem>>
    %dma_start3A_61 = tpu.memref_squeeze %dma_start3A_60 : memref<1x!tpu.dma_semaphore, #tpu.memory_space<semaphore_mem>> -> memref<!tpu.dma_semaphore, #tpu.memory_space<semaphore_mem>>
    %dma_start3A_62 = arith.constant 0 : i32
    %dma_start3A_63 = arith.constant 0 : i32
    %dma_start3A_64 = tpu.memref_slice %arg6[%dma_start3A_58, %dma_start3A_62, %dma_start3A_63] : memref<10x6250x64xf32, #tpu.memory_space<vmem>> -> memref<1x6250x64xf32, #tpu.memory_space<vmem>>
    %dma_start3A_65 = tpu.memref_squeeze %dma_start3A_64 : memref<1x6250x64xf32, #tpu.memory_space<vmem>> -> memref<6250x64xf32, #tpu.memory_space<vmem>>
    %dma_start3A_66 = arith.constant 31250 : i32
    %dma_start3A_67 = arith.constant 0 : i32
    %dma_start3A_68 = tpu.memref_slice %arg1[%dma_start3A_66, %dma_start3A_67] : memref<1000000x64xf32, #tpu.memory_space<hbm>> -> memref<6250x64xf32, #tpu.memory_space<hbm>>
    tpu.enqueue_dma source(%dma_start3A_68 : memref<6250x64xf32, #tpu.memory_space<hbm>>) target(%dma_start3A_65 : memref<6250x64xf32, #tpu.memory_space<vmem>>) target_semaphore(%dma_start3A_61 : memref<!tpu.dma_semaphore, #tpu.memory_space<semaphore_mem>>)
    %dma_start3A_69 = arith.constant 6 : i32
    %dma_start3A_70 = arith.constant 6 : i32
    %dma_start3A_71 = tpu.memref_slice %arg7[%dma_start3A_70] : memref<10x!tpu.dma_semaphore, #tpu.memory_space<semaphore_mem>> -> memref<1x!tpu.dma_semaphore, #tpu.memory_space<semaphore_mem>>
    %dma_start3A_72 = tpu.memref_squeeze %dma_start3A_71 : memref<1x!tpu.dma_semaphore, #tpu.memory_space<semaphore_mem>> -> memref<!tpu.dma_semaphore, #tpu.memory_space<semaphore_mem>>
    %dma_start3A_73 = arith.constant 0 : i32
    %dma_start3A_74 = arith.constant 0 : i32
    %dma_start3A_75 = tpu.memref_slice %arg6[%dma_start3A_69, %dma_start3A_73, %dma_start3A_74] : memref<10x6250x64xf32, #tpu.memory_space<vmem>> -> memref<1x6250x64xf32, #tpu.memory_space<vmem>>
    %dma_start3A_76 = tpu.memref_squeeze %dma_start3A_75 : memref<1x6250x64xf32, #tpu.memory_space<vmem>> -> memref<6250x64xf32, #tpu.memory_space<vmem>>
    %dma_start3A_77 = arith.constant 37500 : i32
    %dma_start3A_78 = arith.constant 0 : i32
    %dma_start3A_79 = tpu.memref_slice %arg1[%dma_start3A_77, %dma_start3A_78] : memref<1000000x64xf32, #tpu.memory_space<hbm>> -> memref<6250x64xf32, #tpu.memory_space<hbm>>
    tpu.enqueue_dma source(%dma_start3A_79 : memref<6250x64xf32, #tpu.memory_space<hbm>>) target(%dma_start3A_76 : memref<6250x64xf32, #tpu.memory_space<vmem>>) target_semaphore(%dma_start3A_72 : memref<!tpu.dma_semaphore, #tpu.memory_space<semaphore_mem>>)
    %dma_start3A_80 = arith.constant 7 : i32
    %dma_start3A_81 = arith.constant 7 : i32
    %dma_start3A_82 = tpu.memref_slice %arg7[%dma_start3A_81] : memref<10x!tpu.dma_semaphore, #tpu.memory_space<semaphore_mem>> -> memref<1x!tpu.dma_semaphore, #tpu.memory_space<semaphore_mem>>
    %dma_start3A_83 = tpu.memref_squeeze %dma_start3A_82 : memref<1x!tpu.dma_semaphore, #tpu.memory_space<semaphore_mem>> -> memref<!tpu.dma_semaphore, #tpu.memory_space<semaphore_mem>>
    %dma_start3A_84 = arith.constant 0 : i32
    %dma_start3A_85 = arith.constant 0 : i32
    %dma_start3A_86 = tpu.memref_slice %arg6[%dma_start3A_80, %dma_start3A_84, %dma_start3A_85] : memref<10x6250x64xf32, #tpu.memory_space<vmem>> -> memref<1x6250x64xf32, #tpu.memory_space<vmem>>
    %dma_start3A_87 = tpu.memref_squeeze %dma_start3A_86 : memref<1x6250x64xf32, #tpu.memory_space<vmem>> -> memref<6250x64xf32, #tpu.memory_space<vmem>>
    %dma_start3A_88 = arith.constant 43750 : i32
    %dma_start3A_89 = arith.constant 0 : i32
    %dma_start3A_90 = tpu.memref_slice %arg1[%dma_start3A_88, %dma_start3A_89] : memref<1000000x64xf32, #tpu.memory_space<hbm>> -> memref<6250x64xf32, #tpu.memory_space<hbm>>
    tpu.enqueue_dma source(%dma_start3A_90 : memref<6250x64xf32, #tpu.memory_space<hbm>>) target(%dma_start3A_87 : memref<6250x64xf32, #tpu.memory_space<vmem>>) target_semaphore(%dma_start3A_83 : memref<!tpu.dma_semaphore, #tpu.memory_space<semaphore_mem>>)
    %dma_start3A_91 = arith.constant 8 : i32
    %dma_start3A_92 = arith.constant 8 : i32
    %dma_start3A_93 = tpu.memref_slice %arg7[%dma_start3A_92] : memref<10x!tpu.dma_semaphore, #tpu.memory_space<semaphore_mem>> -> memref<1x!tpu.dma_semaphore, #tpu.memory_space<semaphore_mem>>
    %dma_start3A_94 = tpu.memref_squeeze %dma_start3A_93 : memref<1x!tpu.dma_semaphore, #tpu.memory_space<semaphore_mem>> -> memref<!tpu.dma_semaphore, #tpu.memory_space<semaphore_mem>>
    %dma_start3A_95 = arith.constant 0 : i32
    %dma_start3A_96 = arith.constant 0 : i32
    %dma_start3A_97 = tpu.memref_slice %arg6[%dma_start3A_91, %dma_start3A_95, %dma_start3A_96] : memref<10x6250x64xf32, #tpu.memory_space<vmem>> -> memref<1x6250x64xf32, #tpu.memory_space<vmem>>
    %dma_start3A_98 = tpu.memref_squeeze %dma_start3A_97 : memref<1x6250x64xf32, #tpu.memory_space<vmem>> -> memref<6250x64xf32, #tpu.memory_space<vmem>>
    %dma_start3A_99 = arith.constant 50000 : i32
    %dma_start3A_100 = arith.constant 0 : i32
    %dma_start3A_101 = tpu.memref_slice %arg1[%dma_start3A_99, %dma_start3A_100] : memref<1000000x64xf32, #tpu.memory_space<hbm>> -> memref<6250x64xf32, #tpu.memory_space<hbm>>
    tpu.enqueue_dma source(%dma_start3A_101 : memref<6250x64xf32, #tpu.memory_space<hbm>>) target(%dma_start3A_98 : memref<6250x64xf32, #tpu.memory_space<vmem>>) target_semaphore(%dma_start3A_94 : memref<!tpu.dma_semaphore, #tpu.memory_space<semaphore_mem>>)
    %dma_start3A_102 = arith.constant 9 : i32
    %dma_start3A_103 = arith.constant 9 : i32
    %dma_start3A_104 = tpu.memref_slice %arg7[%dma_start3A_103] : memref<10x!tpu.dma_semaphore, #tpu.memory_space<semaphore_mem>> -> memref<1x!tpu.dma_semaphore, #tpu.memory_space<semaphore_mem>>
    %dma_start3A_105 = tpu.memref_squeeze %dma_start3A_104 : memref<1x!tpu.dma_semaphore, #tpu.memory_space<semaphore_mem>> -> memref<!tpu.dma_semaphore, #tpu.memory_space<semaphore_mem>>
    %dma_start3A_106 = arith.constant 0 : i32
    %dma_start3A_107 = arith.constant 0 : i32
    %dma_start3A_108 = tpu.memref_slice %arg6[%dma_start3A_102, %dma_start3A_106, %dma_start3A_107] : memref<10x6250x64xf32, #tpu.memory_space<vmem>> -> memref<1x6250x64xf32, #tpu.memory_space<vmem>>
    %dma_start3A_109 = tpu.memref_squeeze %dma_start3A_108 : memref<1x6250x64xf32, #tpu.memory_space<vmem>> -> memref<6250x64xf32, #tpu.memory_space<vmem>>
    %dma_start3A_110 = arith.constant 56250 : i32
    %dma_start3A_111 = arith.constant 0 : i32
    %dma_start3A_112 = tpu.memref_slice %arg1[%dma_start3A_110, %dma_start3A_111] : memref<1000000x64xf32, #tpu.memory_space<hbm>> -> memref<6250x64xf32, #tpu.memory_space<hbm>>
    tpu.enqueue_dma source(%dma_start3A_112 : memref<6250x64xf32, #tpu.memory_space<hbm>>) target(%dma_start3A_109 : memref<6250x64xf32, #tpu.memory_space<vmem>>) target_semaphore(%dma_start3A_105 : memref<!tpu.dma_semaphore, #tpu.memory_space<semaphore_mem>>)
    %scan3A_113 = arith.constant 0 : i32
    %scan3A_114 = arith.constant 200 : i32
    %scan3A_115 = arith.addi %scan3A_113, %scan3A_114 : i32
    %scan3A_116 = arith.constant 1 : i32
    scf.for %scan3A_125 = %scan3A_113 to %scan3A_115 step %scan3A_116  : i32 {
      %dma_wait3A = arith.constant 0 : i32
      %dma_wait3A_126 = arith.constant 0 : i32
      %dma_wait3A_127 = tpu.memref_slice %arg4[%dma_wait3A, %dma_wait3A_126] : memref<200x64xf32, #tpu.memory_space<vmem>> -> memref<1x64xf32, #tpu.memory_space<vmem>>
      %dma_wait3A_128 = arith.constant 0 : i32
      %dma_wait3A_129 = arith.constant 0 : i32
      %dma_wait3A_130 = tpu.memref_slice %arg1[%dma_wait3A_128, %dma_wait3A_129] : memref<1000000x64xf32, #tpu.memory_space<hbm>> -> memref<1x64xf32, #tpu.memory_space<hbm>>
      tpu.wait_dma2 semaphore(%arg5 : memref<!tpu.dma_semaphore, #tpu.memory_space<semaphore_mem>>) src(%dma_wait3A_130 : memref<1x64xf32, #tpu.memory_space<hbm>>) dst(%dma_wait3A_127 : memref<1x64xf32, #tpu.memory_space<vmem>>)
    }
    %get3A = arith.constant 0 : index
    %get3A_117 = arith.constant 0 : index
    %get3A_118 = vector.load %arg4[%get3A, %get3A_117] : memref<200x64xf32, #tpu.memory_space<vmem>>, vector<200x64xf32>
    %reduce_sum3A = arith.constant dense<0.000000e+00> : vector<64xf32>
    %reduce_sum3A_119 = vector.multi_reduction <add>, %get3A_118, %reduce_sum3A [0] : vector<200x64xf32> to vector<64xf32>
    %broadcast_in_dim3A = vector.shape_cast %reduce_sum3A_119 : vector<64xf32> to vector<1x64xf32>
    %scan3A_120 = arith.constant 0 : i32
    %scan3A_121 = arith.constant 160 : i32
    %scan3A_122 = arith.addi %scan3A_120, %scan3A_121 : i32
    %scan3A_123 = arith.constant 1 : i32
    scf.for %scan3A_125 = %scan3A_120 to %scan3A_122 step %scan3A_123  : i32 {
      %rem3A = arith.constant 10 : i32
      %rem3A_126 = arith.remsi %scan3A_125, %rem3A : i32
      %dma_wait3A = tpu.memref_slice %arg7[%rem3A_126] : memref<10x!tpu.dma_semaphore, #tpu.memory_space<semaphore_mem>> -> memref<1x!tpu.dma_semaphore, #tpu.memory_space<semaphore_mem>>
      %dma_wait3A_127 = tpu.memref_squeeze %dma_wait3A : memref<1x!tpu.dma_semaphore, #tpu.memory_space<semaphore_mem>> -> memref<!tpu.dma_semaphore, #tpu.memory_space<semaphore_mem>>
      %dma_wait3A_128 = arith.constant 0 : i32
      %dma_wait3A_129 = arith.constant 0 : i32
      %dma_wait3A_130 = tpu.memref_slice %arg6[%rem3A_126, %dma_wait3A_128, %dma_wait3A_129] : memref<10x6250x64xf32, #tpu.memory_space<vmem>> -> memref<1x6250x64xf32, #tpu.memory_space<vmem>>
      %dma_wait3A_131 = tpu.memref_squeeze %dma_wait3A_130 : memref<1x6250x64xf32, #tpu.memory_space<vmem>> -> memref<6250x64xf32, #tpu.memory_space<vmem>>
      %dma_wait3A_132 = arith.constant 0 : i32
      %dma_wait3A_133 = arith.constant 0 : i32
      %dma_wait3A_134 = tpu.memref_slice %arg1[%dma_wait3A_132, %dma_wait3A_133] : memref<1000000x64xf32, #tpu.memory_space<hbm>> -> memref<6250x64xf32, #tpu.memory_space<hbm>>
      tpu.wait_dma2 semaphore(%dma_wait3A_127 : memref<!tpu.dma_semaphore, #tpu.memory_space<semaphore_mem>>) src(%dma_wait3A_134 : memref<6250x64xf32, #tpu.memory_space<hbm>>) dst(%dma_wait3A_131 : memref<6250x64xf32, #tpu.memory_space<vmem>>)
      %get3A_135 = arith.index_cast %rem3A_126 : i32 to index
      %get3A_136 = arith.constant 0 : index
      %get3A_137 = arith.constant 0 : index
      %get3A_138 = vector.load %arg6[%get3A_135, %get3A_136, %get3A_137] : memref<10x6250x64xf32, #tpu.memory_space<vmem>>, vector<1x6250x64xf32>
      %get3A_139 = vector.shape_cast %get3A_138 : vector<1x6250x64xf32> to vector<6250x64xf32>
      %dot_general3A = arith.constant dense<0.000000e+00> : vector<1x6250xf32>
      %dot_general3A_140 = tpu.matmul %broadcast_in_dim3A, %get3A_139, %dot_general3A {dimension_numbers = #tpu.dot_dimension_numbers<[1], [1], [0], [0], [0, 0, 1, 0], [], []>, transpose_lhs_hint = false} : vector<1x64xf32>, vector<6250x64xf32>, vector<1x6250xf32> -> vector<1x6250xf32>
      %get3A_141 = arith.index_cast %scan3A_125 : i32 to index
      %get3A_142 = arith.constant 0 : index
      %get3A_143 = vector.load %arg2[%get3A_141, %get3A_142] : memref<160x6250xf32, #tpu.memory_space<vmem>>, vector<1x6250xf32>
      %mul3A = arith.mulf %get3A_143, %dot_general3A_140 : vector<1x6250xf32>
      %swap3A = arith.index_cast %scan3A_125 : i32 to index
      %swap3A_144 = arith.constant 0 : index
      %swap3A_145 = vector.load %arg3[%swap3A, %swap3A_144] : memref<160x6250xf32, #tpu.memory_space<vmem>>, vector<1x6250xf32>
      tpu.vector_store %arg3[%swap3A, %swap3A_144], %mul3A {strides = array<i32>} : memref<160x6250xf32, #tpu.memory_space<vmem>>, vector<1x6250xf32>,
      %add3A = arith.constant 10 : i32
      %add3A_146 = arith.addi %scan3A_125, %add3A : i32
      %lt3A = arith.constant 160 : i32
      %lt3A_147 = arith.cmpi slt, %add3A_146, %lt3A : i32
      %convert_element_type3A = arith.extui %lt3A_147 : i1 to i32
      %cond3A = arith.constant 0 : i32
      %cond3A_148 = arith.cmpi ne, %convert_element_type3A, %cond3A : i32
      scf.if %cond3A_148 {
        %add3A_149 = arith.constant 10 : i32
        %add3A_150 = arith.addi %scan3A_125, %add3A_149 : i32
        %mul3A_151 = arith.constant 6250 : i32
        %mul3A_152 = arith.muli %add3A_150, %mul3A_151 : i32
        %dma_start3A_153 = tpu.memref_slice %arg7[%rem3A_126] : memref<10x!tpu.dma_semaphore, #tpu.memory_space<semaphore_mem>> -> memref<1x!tpu.dma_semaphore, #tpu.memory_space<semaphore_mem>>
        %dma_start3A_154 = tpu.memref_squeeze %dma_start3A_153 : memref<1x!tpu.dma_semaphore, #tpu.memory_space<semaphore_mem>> -> memref<!tpu.dma_semaphore, #tpu.memory_space<semaphore_mem>>
        %dma_start3A_155 = arith.constant 0 : i32
        %dma_start3A_156 = arith.constant 0 : i32
        %dma_start3A_157 = tpu.memref_slice %arg6[%rem3A_126, %dma_start3A_155, %dma_start3A_156] : memref<10x6250x64xf32, #tpu.memory_space<vmem>> -> memref<1x6250x64xf32, #tpu.memory_space<vmem>>
        %dma_start3A_158 = tpu.memref_squeeze %dma_start3A_157 : memref<1x6250x64xf32, #tpu.memory_space<vmem>> -> memref<6250x64xf32, #tpu.memory_space<vmem>>
        %dma_start3A_159 = arith.constant 0 : i32
        %dma_start3A_160 = tpu.memref_slice %arg1[%mul3A_152, %dma_start3A_159] : memref<1000000x64xf32, #tpu.memory_space<hbm>> -> memref<6250x64xf32, #tpu.memory_space<hbm>>
        tpu.enqueue_dma source(%dma_start3A_160 : memref<6250x64xf32, #tpu.memory_space<hbm>>) target(%dma_start3A_158 : memref<6250x64xf32, #tpu.memory_space<vmem>>) target_semaphore(%dma_start3A_154 : memref<!tpu.dma_semaphore, #tpu.memory_space<semaphore_mem>>)
      } else {
      }
    }
    %scan3A_124 = arith.constant 160 : i32
    return
  }
}

module attributes {stable_mosaic.version = 14 : i64} {
  func.func @_softmax_body(%arg0: memref<32x128xf32, #tpu.memory_space<vmem>>, %arg1: memref<32x128xf32, #tpu.memory_space<vmem>>) attributes {dimension_semantics = [], scalar_prefetch = 0 : i64, scratch_operands = 0 : i64, tpu.core_type = #tpu.core_type<tc>} {
    %get3A = arith.constant 0 : index
    %get3A_0 = arith.constant 0 : index
    %get3A_1 = vector.load %arg0[%get3A, %get3A_0] : memref<32x128xf32, #tpu.memory_space<vmem>>, vector<32x128xf32>
    %abs3A = math.absf %get3A_1 : vector<32x128xf32>
    %reduce_max3A = vector.shape_cast %abs3A : vector<32x128xf32> to vector<1x32x128xf32>
    %reduce_max3A_2 = arith.constant dense<0xFF800000> : vector<1xf32>
    %reduce_max3A_3 = vector.multi_reduction <maximumf>, %reduce_max3A, %reduce_max3A_2 [1, 2] : vector<1x32x128xf32> to vector<1xf32>
    %reduce_max3A_4 = vector.shape_cast %reduce_max3A_3 : vector<1xf32> to vector<1x1x1xf32>
    %reduce_max3A_5 = vector.extract %reduce_max3A_4[0, 0, 0] : f32 from vector<1x1x1xf32>
    %broadcast_in_dim3A = vector.broadcast %reduce_max3A_5 : f32 to vector<1x1xf32>
    %sub3A = vector.broadcast %broadcast_in_dim3A : vector<1x1xf32> to vector<32x128xf32>
    %sub3A_6 = arith.subf %abs3A, %sub3A : vector<32x128xf32>
    %exp3A = math.exp %sub3A_6 : vector<32x128xf32>
    %reduce_sum3A = vector.shape_cast %exp3A : vector<32x128xf32> to vector<1x32x128xf32>
    %reduce_sum3A_7 = arith.constant dense<0.000000e+00> : vector<1xf32>
    %reduce_sum3A_8 = vector.multi_reduction <add>, %reduce_sum3A, %reduce_sum3A_7 [1, 2] : vector<1x32x128xf32> to vector<1xf32>
    %reduce_sum3A_9 = vector.shape_cast %reduce_sum3A_8 : vector<1xf32> to vector<1x1x1xf32>
    %reduce_sum3A_10 = vector.extract %reduce_sum3A_9[0, 0, 0] : f32 from vector<1x1x1xf32>
    %broadcast_in_dim3A_11 = vector.broadcast %reduce_sum3A_10 : f32 to vector<1x1xf32>
    %sub3A_12 = vector.broadcast %broadcast_in_dim3A : vector<1x1xf32> to vector<32x128xf32>
    %sub3A_13 = arith.subf %abs3A, %sub3A_12 : vector<32x128xf32>
    %log3A = math.log %broadcast_in_dim3A_11 : vector<1x1xf32>
    %sub3A_14 = vector.broadcast %log3A : vector<1x1xf32> to vector<32x128xf32>
    %sub3A_15 = arith.subf %sub3A_13, %sub3A_14 : vector<32x128xf32>
    %swap3A = arith.constant 0 : index
    %swap3A_16 = arith.constant 0 : index
    %swap3A_17 = vector.load %arg1[%swap3A, %swap3A_16] : memref<32x128xf32, #tpu.memory_space<vmem>>, vector<32x128xf32>
    tpu.vector_store %arg1[%swap3A, %swap3A_16], %sub3A_15 {strides = array<i32>} : memref<32x128xf32, #tpu.memory_space<vmem>>, vector<32x128xf32>,
    return
  }
}

</mosaic_0001>

<sc_bundles>
// kernel: kernel.5.cloned.1.call-start
scs
__scs_entry_jumppad:
0x0: {  	(pc) =	sbr.rel $0x88, $3  }
0x1: {  	(tag) =	ssettag $0x0;
	lr =	simm.s32 $0x1  }
0x2: {  	[smem:$0x3F9D] =	sst lr;
	_ =	strace $0xD0000000  }
0x3: {  	_ = 	snop  }
0x4: {  	_ = 	snop  }
0x5: {  	_ = 	snop  }
0x6: {  	_ = 	snop  }
0x7: {  	_ = 	snop  }
__scs_overlays_trampoline_lowered:
0x8: {  	[smem:$0x3FAC] =	sst s0  }
0x9: {  	[smem:$0x3FAD] =	sst s1  }
0xa: {  	[smem:$0x3FAE] =	sst s2  }
0xb: {  	[smem:$0x3FAF] =	sst s3  }
0xc: {  	[smem:$0x3FB0] =	sst s4  }
0xd: {  	[smem:$0x3FB1] =	sst s5  }
0xe: {  	[smem:$0x3FB2] =	sst s6  }
0xf: {  	[smem:$0x3FB3] =	sst s7  }
0x10: {  	[smem:$0x3FB4] =	sst s8  }
0x11: {  	[smem:$0x3FB5] =	sst s9;
	s0 =	simm.s32 @!p0 $0x0  }
0x12: {  	s1 =	sld [smem:$0x3F9B];
	s0 =	simm.s32 @p0 $0x1  }
0x13: {  	[smem:$0x3FB6] =	sst s0;
	s0 =	simm.s32 @!p1 $0x0  }
0x14: {  	s2 =	sld [smem:$0x3F9A];
	s0 =	simm.s32 @p1 $0x1  }
0x15: {  	[smem:$0x3FB7] =	sst s0;
	s0 =	simm.s32 @!p2 $0x0  }
0x16: {  	s3 =	sld [smem:$0x3FDB];
	s0 =	simm.s32 @p2 $0x1  }
0x17: {  	s4 =	simm.s32 $0x1BF5;
	[smem:$0x3FB9] =	sst s0  }
0x18: {  	s0 =	sld [smem:$0x3F9C];
	_ =	swait.ge [sflag:s4], $0x0  }
0x19: {  	s7 =	sld [smem:$0x3F9D]  }
0x1a: {  	s8 =	sadd.s32 $0xFFFFE003, lr  }
0x1b: {  	s9 =	sadd.s32 $0xFFFFFEF7, lr;
	s5 =	simm.s32 $0xFFFFFFFF;
	p2 =	slt.u32 s8, $0xFFFFF086  }
0x1c: {  	p1 =	slt.u32 s9, $0xF7A;
	s5 =	simm.s32 @!p2 $0x0  }
0x1d: {  	s5 =	simm.s32 @p1 $0x1;
	p0 =	seq.s32 s7, s2  }
0x1e: {  	s7 =	smul.u32 @!p0 $0xF7A, s2;
	p2 =	seq.s32 @!p0 s5, $0x0  }
0x1f: {  	s9 =	smul.u32 $0xF7A, s1;
	s8 =	simm.s32 @!p0 $0x1BF5;
	p2 =	por !p2, p0  }
0x20: {  	[sflag:s8] =	ssyncset.s32 @!p0 $0xFFFFF086;
	s6 =	sadd.s32 @!p0 s3, s7;
	s7 =	simm.s32 @!p0 $0x108  }
0x21: {  	s3 =	sadd.s32 s3, s9;
	s6 =	sadd.s32 @!p0 $0x88, s6;
	s7 =	simm.s32 @p2 $0x1082  }
0x22: {  	[simem:s7], [sflag:s8] =	dma.local @!p0 [hbm:s6], $0xF7A  }
0x23: {  	s9 =	sor.u32 $0xD0000000, s2;
	s6 =	simm.s32 $0x108;
	_ =	swait.ge @!p0 [sflag:s8], $0x0  }
0x24: {  	s3 =	sadd.s32 $0x88, s3;
	s6 =	simm.s32 @!p1 $0x1082;
	[sflag:s4] =	ssyncset.s32 $0xFFFFF086  }
0x25: {  	[simem:s6], [sflag:s4] =	dma.local [hbm:s3], $0xF7A  }
0x26: {  	[smem:$0x3F9D] =	sst s1;
	(tag) =	ssettag s2;
	_ =	strace s9  }
0x27: {  	s1 =	sld [smem:$0x3FAD]  }
0x28: {  	s2 =	sld [smem:$0x3FAE]  }
0x29: {  	s4 =	sld [smem:$0x3FB0]  }
0x2a: {  	p0 =	seq.s32 s5, $0x0;
	s5 =	sld [smem:$0x3FB1]  }
0x2b: {  	s6 =	sld [smem:$0x3FB2]  }
0x2c: {  	s7 =	sld [smem:$0x3FB3]  }
0x2d: {  	s3 =	simm.s32 $0x108;
	s8 =	sld [smem:$0x3FB4]  }
0x2e: {  	s3 =	simm.s32 @!p0 $0x1082;
	s9 =	sld [smem:$0x3FB5]  }
0x2f: {  	lr =	sadd.s32 s0, s3;
	s0 =	sld [smem:$0x3FAC]  }
0x30: {  	s3 =	sld [smem:$0x3FAF]  }
0x31: {  	[smem:$0x3FB8] =	sst s10  }
0x32: {  	s10 =	sld [smem:$0x3FB6];
	_ =	sdelay $0x3  }
0x33: {  	p0 =	seq.s32 s10, $0x1;
	s10 =	sld [smem:$0x3FB8];
	_ =	sdelay $0x3  }
0x34: {  	[smem:$0x3FB8] =	sst s10  }
0x35: {  	s10 =	sld [smem:$0x3FB7];
	_ =	sdelay $0x3  }
0x36: {  	p1 =	seq.s32 s10, $0x1;
	s10 =	sld [smem:$0x3FB8];
	_ =	sdelay $0x3  }
0x37: {  	[smem:$0x3FB8] =	sst s10  }
0x38: {  	s10 =	sld [smem:$0x3FB9]  }
0x39: {  	_ = 	snop;
	(pc) =	sbr.ind lr, $3  }
0x3a: {  	_ = 	snop  }
0x3b: {  	_ = 	snop  }
0x3c: {  	p2 =	seq.s32 s10, $0x1;
	s10 =	sld [smem:$0x3FB8]  }
0x3d: {  	_ =	shalt  }
0x3e: {  	_ =	shalt  }
0x3f: {  	_ =	shalt  }
0x40: {  	_ =	shalt  }
0x41: {  	_ =	shalt  }
0x42: {  	_ =	shalt  }
0x43: {  	_ =	shalt  }
0x44: {  	_ =	shalt  }
0x45: {  	_ =	shalt  }
0x46: {  	_ =	shalt  }
0x47: {  	_ =	shalt  }
0x48: {  	_ =	shalt  }
0x49: {  	_ =	shalt  }
0x4a: {  	_ =	shalt  }
0x4b: {  	_ =	shalt  }
0x4c: {  	_ =	shalt  }
0x4d: {  	_ =	shalt  }
0x4e: {  	_ =	shalt  }
0x4f: {  	_ =	shalt  }
0x50: {  	_ =	shalt  }
0x51: {  	_ =	shalt  }
0x52: {  	_ =	shalt  }
0x53: {  	_ =	shalt  }
0x54: {  	_ =	shalt  }
0x55: {  	_ =	shalt  }
0x56: {  	_ =	shalt  }
0x57: {  	_ =	shalt  }
0x58: {  	_ =	shalt  }
0x59: {  	_ =	shalt  }
0x5a: {  	_ =	shalt  }
0x5b: {  	_ =	shalt  }
0x5c: {  	_ =	shalt  }
0x5d: {  	_ =	shalt  }
0x5e: {  	_ =	shalt  }
0x5f: {  	_ =	shalt  }
0x60: {  	_ =	shalt  }
0x61: {  	_ =	shalt  }
0x62: {  	_ =	shalt  }
0x63: {  	_ =	shalt  }
0x64: {  	_ =	shalt  }
0x65: {  	_ =	shalt  }
0x66: {  	_ =	shalt  }
0x67: {  	_ =	shalt  }
0x68: {  	_ =	shalt  }
0x69: {  	_ =	shalt  }
0x6a: {  	_ =	shalt  }
0x6b: {  	_ =	shalt  }
0x6c: {  	_ =	shalt  }
0x6d: {  	_ =	shalt  }
0x6e: {  	_ =	shalt  }
0x6f: {  	_ =	shalt  }
0x70: {  	_ =	shalt  }
0x71: {  	_ =	shalt  }
0x72: {  	_ =	shalt  }
0x73: {  	_ =	shalt  }
0x74: {  	_ =	shalt  }
0x75: {  	_ =	shalt  }
0x76: {  	_ =	shalt  }
0x77: {  	_ =	shalt  }
0x78: {  	_ =	shalt  }
0x79: {  	_ =	shalt  }
0x7a: {  	_ =	shalt  }
0x7b: {  	_ =	shalt  }
0x7c: {  	_ =	shalt  }
0x7d: {  	_ =	shalt  }
0x7e: {  	_ =	shalt  }
0x7f: {  	_ =	shalt  }
0x80: {  	_ =	shalt  }
0x81: {  	_ =	shalt  }
0x82: {  	_ =	shalt  }
0x83: {  	_ =	shalt  }
0x84: {  	_ =	shalt  }
0x85: {  	_ =	shalt  }
0x86: {  	_ =	shalt  }
0x87: {  	_ =	shalt  }
.Lfunc_end0:
.L_simem_size_0:
called_computation_lowered:
.L_overlay_start_0:
0x88: {  	s2 =	sld [smem:$0x3FD9]  }
0x89: {  	s3 =	sld [smem:$0x3FFE];
	_ =	sdelay $0x1  }
0x8a: {  	s1 =	srdreg.scid  }
0x8b: {  	s0 =	sand.u32 $0x1, s1  }
0x8c: {  	s17 =	sshll.u32 s0, $0xA;
	s2 =	sadd.s32 s3, s2  }
0x8d: {  	s2 =	sadd.s32 s2, s17  }
0x8e: {  	[smem:$0x3FC4] =	sst s2  }
0x8f: {  	_ = 	snop  }
0x90: {  	s2 =	sld [smem:$0x3FD0];
	(tm) =	ssettm $0x1  }
0x91: {  	s18 =	sld [smem:$0x3FFB];
	_ =	sdelay $0x3  }
0x92: {  	_ =	strace s18  }
0x93: {  	s3 =	sld [smem:$0x3FFC];
	_ =	sdelay $0x3  }
0x94: {  	_ =	strace s3  }
0x95: {  	s3 =	sld [smem:$0x3FFD];
	_ =	sdelay $0x3  }
0x96: {  	_ =	strace s3  }
0x97: {  	_ =	strace $0x8FFFFFFF  }
0x98: {  	s19 =	sld [smem:$0x3FDB];
	_ =	sdelay $0x1  }
0x99: {  	s4 =	simm.s32 $_scs_section_size  }
0x9a: {  	s5 =	simm.s32 $_size__tile_overlayer_lowered;
	s6 =	simm.s32 $_tile_overlayer_lowered  }
0x9b: {  	s22 =	simm.s32 $0x1BFF;
	s21 =	sshll.u32 s6, $0x1;
	s3 =	sadd.s32 s4, s19  }
0x9c: {  	s7 =	simm.s32 $0x0;
	s20 =	sshll.u32 s5, $0x1;
	s5 =	sadd.s32 s21, s3  }
0x9d: {  	[timem:s7], [sflag:s22] =	dma.local [hbm:s5], s20  }
0x9e: {  	_ =	swait.ge [sflag:s22], s20  }
0x9f: {  	s4 =	ssub.s32 $0x0, s20;
	[sflag:s22] =	ssyncset.done $0x0  }
0xa0: {  	[sflag:s22] =	ssyncadd.s32 s4;
	_ =	sdelay $0x1  }
0xa1: {  	s23 =	simm.s32 $0x1B8B  }
0xa2: {  	_ =	swait.ge [sflag:s23], $0x1  }
0xa3: {  	[sflag:s23] =	ssyncset.done $0x0  }
0xa4: {  	s25 =	simm.s32 $0x1B8E;
	s24 =	sld [smem:$0x3FFE];
	[sflag:s23] =	ssyncadd.s32 $0xFFFFFFFF  }
0xa5: {  	s26 =	simm.s32 $execute0_lowered;
	[smem:$0x3FD2] =	sst s25  }
0xa6: {  	s5 =	sshll.u32 s26, $0x1;
	_ =	strace $0x80000046;
	[dreg:$0x1] =	wrdreg $0xFFFFFFFF  }
0xa7: {  	s28 =	simm.s32 $_size_execute0_lowered;
	s3 =	sadd.s32 s3, s5;
	[dreg:$0x0] =	wrdreg $0x0  }
0xa8: {  	s5 =	sshll.u32 s28, $0x1;
	[dreg:$0x2] =	wrdreg s3  }
0xa9: {  	[dreg:$0x3] =	wrdreg s5  }
0xaa: {  	[dreg:$0x4] =	wrdreg $0xC0  }
0xab: {  	_ =	task [dreg:s7], $0x5FFFF  }
0xac: {  	[dreg:$0x1] =	wrdreg $0xFFFFFFFF  }
0xad: {  	[dreg:$0x0] =	wrdreg $0x60  }
0xae: {  	[dreg:$0x2] =	wrdreg s24  }
0xaf: {  	[dreg:$0x3] =	wrdreg s2  }
0xb0: {  	[dreg:$0x4] =	wrdreg $0x9  }
0xb1: {  	_ =	task.clear_ibuf [dreg:s7], $0x5FFFF;
	_ =	strace $0x90000046  }
0xb2: {  	s29 =	simm.s32 $0x9;
	_ =	strace $0x80000048  }
0xb3: {  	_ =	swait.ge [sflag:s29], $0x1  }
0xb4: {  	[sflag:s29] =	ssyncadd.s32 $0xFFFFFFFF  }
0xb5: {  	_ =	strace $0x90000048  }
0xb6: {  	_ =	sfence  }
0xb7: {  	s30 =	sld [smem:$0x0];
	_ =	sdelay $0x2  }
0xb8: {  	s31 =	sshll.u32 s1, $0xD;
	s1 =	sshrl.u32 s1, $0x2  }
0xb9: {  	s3 =	sand.u32 $0x4000, s31;
	s1 =	sadd.s32 s1, s30  }
0xba: {  	s0 =	sor.u32 s3, s0;
	s1 =	sshll.u32 s1, $0x11  }
0xbb: {  	s0 =	sor.u32 s1, s0  }
0xbc: {  	s0 =	sadd.s32 $0x8F2B, s0  }
0xbd: {  	[sflag:s0] =	ssyncadd.remote.s32 $0x1  }
0xbe: {  	_ =	sfence.sel $0xFFFF  }
0xbf: {  	[dreg:$0x0] =	wrdreg $0xFFFFFFFF;
	(pc) =	sbr.abs _section_cstart, $3  }
0xc0: {  	[dreg:$0x1] =	wrdreg $0xFFFFFFFF  }
0xc1: {  	_ =	task.clear_ibuf [dreg:s7], $0x2FFFF;
	_ =	strace $0x9FFFFFFF  }
0xc2: {  	(tm) =	ssettm $0x7FFFFFFF  }
0xc3: {  	_ =	shalt  }
tec
execute0_lowered:
.L_overlay_start_1:
0x0: {  	(tag) =	ssettag $0x1  }
0x1: {  	s0 =	rddreg [dreg:$0x0];
	s1 =	srdreg.scid  }
0x2: {  	s2 =	stileid.u32;
	s5 =	rddreg [dreg:$0x1];
	s7 =	simm.s32 $0x2  }
0x3: {  	s8 =	simm.s32 $0x80;
	s9 =	simm.s32 $0x1900;
	s20 =	simm.s32 $0x1480  }
0x4: {  	s21 =	simm.s32 $0x2D80;
	s22 =	simm.s32 $0x1500;
	s23 =	simm.s32 $0x2E00  }
0x5: {  	s24 =	simm.s32 $0x1580;
	s28 =	simm.s32 $0x2F00;
	s29 =	simm.s32 $0x1680  }
0x6: {  	s30 =	simm.s32 $0x2F80;
	s31 =	simm.s32 $0x1700;
	s10 =	simm.s32 $0x3080  }
0x7: {  	s11 =	simm.s32 $0x1800;
	s12 =	simm.s32 $0x3100;
	s13 =	simm.s32 $0x1880  }
0x8: {  	s14 =	simm.s32 $0x3180;
	s15 =	simm.s32 $0x1;
	s16 =	simm.s32 $0x3200  }
0x9: {  	s1 =	sand.u32 $0x1, s1;
	s3 =	sshll.u32 s2, $0x1;
	s2 =	simm.s32 $0x0  }
0xa: {  	v0 =	vlaneseq.u32;
	s17 =	simm.s32 $0x0;
	s6 =	sor.u32 s1, s3;
	[smem:$0x7FF] =	sst s2  }
0xb: {  	v0 =	vmul.u32 $0x32, v0;
	s1 =	ssub.s32 $0x2, s1;
	s3 =	sadd.s32 $0xC00, s0;
	s4 =	smul.u32 $0x320, s6  }
0xc: {  	_ =	strace $0x80000047;
	s25 =	sshrl.u32 s1, $0x1;
	s26 =	sshll.u32 s6, $0x4  }
0xd: {  	v1 =	vadd.s32 $0x320, v0;
	s1 =	ssub.s32 s1, s25;
	s5 =	sadd.s32 s5, s26;
	s25 =	simm.s32 $0x2E80  }
0xe: {  	v2 =	vadd.s32 $0x640, v0;
	v3 =	vadd.s32 $0x960, v0;
	v4 =	vadd.s32 $0xC80, v0;
	s26 =	simm.s32 $0x1600;
	s0 =	sadd.s32 s4, s0;
	s6 =	smax.u32 s1, $0x1  }
0xf: {  	v5 =	vadd.s32 $0xFA0, v0;
	v6 =	vadd.s32 $0x12C0, v0;
	v7 =	vadd.s32 $0x15E0, v0;
	s1 =	simm.s32 $0x3000;
	s4 =	sadd.s32 $0x1F600, s0;
	s0 =	simm.s32 $0x1780  }
.LBB2_1:
0x10: {  	[tilespmem:s2], [sflag:$0x2] =	stream.linear.gather [hbm4b:s4+s2], $0x1900, $0x38;
	[tilespmem:$0x3280] =	vst v63  }
0x11: {  	_ =	swait.ge [sflag:s7], $0x1900  }
0x12: {  	[sflag:s7] =	ssyncset.done $0x0  }
0x13: {  	[sflag:s7] =	ssyncadd.s32 $0xFFFFE700  }
0x14: {  	[tilespmem:s9], [sflag:$0x1] =	stream.indirect.gather [hbm4b:s3+s8], $0x1, s2, s8, $0xb8;
	[tilespmem:$0x3280] =	vst v63  }
0x15: {  	s18 =	simm.s32 $0x1980  }
0x16: {  	[tilespmem:s18], [sflag:$0x1] =	stream.indirect.gather [hbm4b:s3+s8], $0x1, s8, s8, $0xb8;
	[tilespmem:$0x3280] =	vst v63  }
0x17: {  	s19 =	simm.s32 $0x1A00;
	s18 =	simm.s32 $0x100  }
0x18: {  	[tilespmem:s19], [sflag:$0x1] =	stream.indirect.gather [hbm4b:s3+s8], $0x1, s18, s8, $0xb8;
	[tilespmem:$0x3280] =	vst v63  }
0x19: {  	s18 =	simm.s32 $0x180;
	s19 =	simm.s32 $0x1A80  }
0x1a: {  	[tilespmem:s19], [sflag:$0x1] =	stream.indirect.gather [hbm4b:s3+s8], $0x1, s18, s8, $0xb8;
	[tilespmem:$0x3280] =	vst v63  }
0x1b: {  	s18 =	simm.s32 $0x200;
	s19 =	simm.s32 $0x1B00  }
0x1c: {  	[tilespmem:s19], [sflag:$0x1] =	stream.indirect.gather [hbm4b:s3+s8], $0x1, s18, s8, $0xb8;
	[tilespmem:$0x3280] =	vst v63  }
0x1d: {  	s18 =	simm.s32 $0x280;
	s19 =	simm.s32 $0x1B80  }
0x1e: {  	[tilespmem:s19], [sflag:$0x1] =	stream.indirect.gather [hbm4b:s3+s8], $0x1, s18, s8, $0xb8;
	[tilespmem:$0x3280] =	vst v63  }
0x1f: {  	s18 =	simm.s32 $0x300;
	s19 =	simm.s32 $0x1C00  }
0x20: {  	[tilespmem:s19], [sflag:$0x1] =	stream.indirect.gather [hbm4b:s3+s8], $0x1, s18, s8, $0xb8;
	[tilespmem:$0x3280] =	vst v63  }
0x21: {  	s18 =	simm.s32 $0x380;
	s19 =	simm.s32 $0x1C80  }
0x22: {  	[tilespmem:s19], [sflag:$0x1] =	stream.indirect.gather [hbm4b:s3+s8], $0x1, s18, s8, $0xb8;
	[tilespmem:$0x3280] =	vst v63  }
0x23: {  	s18 =	simm.s32 $0x400;
	s19 =	simm.s32 $0x1D00  }
0x24: {  	[tilespmem:s19], [sflag:$0x1] =	stream.indirect.gather [hbm4b:s3+s8], $0x1, s18, s8, $0xb8;
	[tilespmem:$0x3280] =	vst v63  }
0x25: {  	s18 =	simm.s32 $0x480;
	s19 =	simm.s32 $0x1D80  }
0x26: {  	[tilespmem:s19], [sflag:$0x1] =	stream.indirect.gather [hbm4b:s3+s8], $0x1, s18, s8, $0xb8;
	[tilespmem:$0x3280] =	vst v63  }
0x27: {  	s18 =	simm.s32 $0x500;
	s19 =	simm.s32 $0x1E00  }
0x28: {  	[tilespmem:s19], [sflag:$0x1] =	stream.indirect.gather [hbm4b:s3+s8], $0x1, s18, s8, $0xb8;
	[tilespmem:$0x3280] =	vst v63  }
0x29: {  	s18 =	simm.s32 $0x580;
	s19 =	simm.s32 $0x1E80  }
0x2a: {  	[tilespmem:s19], [sflag:$0x1] =	stream.indirect.gather [hbm4b:s3+s8], $0x1, s18, s8, $0xb8;
	[tilespmem:$0x3280] =	vst v63  }
0x2b: {  	s18 =	simm.s32 $0x600;
	s19 =	simm.s32 $0x1F00  }
0x2c: {  	[tilespmem:s19], [sflag:$0x1] =	stream.indirect.gather [hbm4b:s3+s8], $0x1, s18, s8, $0xb8;
	[tilespmem:$0x3280] =	vst v63  }
0x2d: {  	s18 =	simm.s32 $0x680;
	s19 =	simm.s32 $0x1F80  }
0x2e: {  	[tilespmem:s19], [sflag:$0x1] =	stream.indirect.gather [hbm4b:s3+s8], $0x1, s18, s8, $0xb8;
	[tilespmem:$0x3280] =	vst v63  }
0x2f: {  	s18 =	simm.s32 $0x700;
	s19 =	simm.s32 $0x2000  }
0x30: {  	[tilespmem:s19], [sflag:$0x1] =	stream.indirect.gather [hbm4b:s3+s8], $0x1, s18, s8, $0xb8;
	[tilespmem:$0x3280] =	vst v63  }
0x31: {  	s18 =	simm.s32 $0x780;
	s19 =	simm.s32 $0x2080  }
0x32: {  	[tilespmem:s19], [sflag:$0x1] =	stream.indirect.gather [hbm4b:s3+s8], $0x1, s18, s8, $0xb8;
	[tilespmem:$0x3280] =	vst v63  }
0x33: {  	s18 =	simm.s32 $0x800;
	s19 =	simm.s32 $0x2100  }
0x34: {  	[tilespmem:s19], [sflag:$0x1] =	stream.indirect.gather [hbm4b:s3+s8], $0x1, s18, s8, $0xb8;
	[tilespmem:$0x3280] =	vst v63  }
0x35: {  	s18 =	simm.s32 $0x880;
	s19 =	simm.s32 $0x2180  }
0x36: {  	[tilespmem:s19], [sflag:$0x1] =	stream.indirect.gather [hbm4b:s3+s8], $0x1, s18, s8, $0xb8;
	[tilespmem:$0x3280] =	vst v63  }
0x37: {  	s18 =	simm.s32 $0x900;
	s19 =	simm.s32 $0x2200  }
0x38: {  	[tilespmem:s19], [sflag:$0x1] =	stream.indirect.gather [hbm4b:s3+s8], $0x1, s18, s8, $0xb8;
	[tilespmem:$0x3280] =	vst v63  }
0x39: {  	s18 =	simm.s32 $0x980;
	s19 =	simm.s32 $0x2280  }
0x3a: {  	[tilespmem:s19], [sflag:$0x1] =	stream.indirect.gather [hbm4b:s3+s8], $0x1, s18, s8, $0xb8;
	[tilespmem:$0x3280] =	vst v63  }
0x3b: {  	s18 =	simm.s32 $0xA00;
	s19 =	simm.s32 $0x2300  }
0x3c: {  	[tilespmem:s19], [sflag:$0x1] =	stream.indirect.gather [hbm4b:s3+s8], $0x1, s18, s8, $0xb8;
	[tilespmem:$0x3280] =	vst v63  }
0x3d: {  	s18 =	simm.s32 $0xA80;
	s19 =	simm.s32 $0x2380  }
0x3e: {  	[tilespmem:s19], [sflag:$0x1] =	stream.indirect.gather [hbm4b:s3+s8], $0x1, s18, s8, $0xb8;
	[tilespmem:$0x3280] =	vst v63  }
0x3f: {  	s18 =	simm.s32 $0xB00;
	s19 =	simm.s32 $0x2400  }
0x40: {  	[tilespmem:s19], [sflag:$0x1] =	stream.indirect.gather [hbm4b:s3+s8], $0x1, s18, s8, $0xb8;
	[tilespmem:$0x3280] =	vst v63  }
0x41: {  	s18 =	simm.s32 $0xB80;
	s19 =	simm.s32 $0x2480  }
0x42: {  	[tilespmem:s19], [sflag:$0x1] =	stream.indirect.gather [hbm4b:s3+s8], $0x1, s18, s8, $0xb8;
	[tilespmem:$0x3280] =	vst v63  }
0x43: {  	s18 =	simm.s32 $0xC00;
	s19 =	simm.s32 $0x2500  }
0x44: {  	[tilespmem:s19], [sflag:$0x1] =	stream.indirect.gather [hbm4b:s3+s8], $0x1, s18, s8, $0xb8;
	[tilespmem:$0x3280] =	vst v63  }
0x45: {  	s18 =	simm.s32 $0xC80;
	s19 =	simm.s32 $0x2580  }
0x46: {  	[tilespmem:s19], [sflag:$0x1] =	stream.indirect.gather [hbm4b:s3+s8], $0x1, s18, s8, $0xb8;
	[tilespmem:$0x3280] =	vst v63  }
0x47: {  	s18 =	simm.s32 $0xD00;
	s19 =	simm.s32 $0x2600  }
0x48: {  	[tilespmem:s19], [sflag:$0x1] =	stream.indirect.gather [hbm4b:s3+s8], $0x1, s18, s8, $0xb8;
	[tilespmem:$0x3280] =	vst v63  }
0x49: {  	s18 =	simm.s32 $0xD80;
	s19 =	simm.s32 $0x2680  }
0x4a: {  	[tilespmem:s19], [sflag:$0x1] =	stream.indirect.gather [hbm4b:s3+s8], $0x1, s18, s8, $0xb8;
	[tilespmem:$0x3280] =	vst v63  }
0x4b: {  	s18 =	simm.s32 $0xE00;
	s19 =	simm.s32 $0x2700  }
0x4c: {  	[tilespmem:s19], [sflag:$0x1] =	stream.indirect.gather [hbm4b:s3+s8], $0x1, s18, s8, $0xb8;
	[tilespmem:$0x3280] =	vst v63  }
0x4d: {  	s18 =	simm.s32 $0xE80;
	s19 =	simm.s32 $0x2780  }
0x4e: {  	[tilespmem:s19], [sflag:$0x1] =	stream.indirect.gather [hbm4b:s3+s8], $0x1, s18, s8, $0xb8;
	[tilespmem:$0x3280] =	vst v63  }
0x4f: {  	s18 =	simm.s32 $0xF00;
	s19 =	simm.s32 $0x2800  }
0x50: {  	[tilespmem:s19], [sflag:$0x1] =	stream.indirect.gather [hbm4b:s3+s8], $0x1, s18, s8, $0xb8;
	[tilespmem:$0x3280] =	vst v63  }
0x51: {  	s18 =	simm.s32 $0xF80;
	s19 =	simm.s32 $0x2880  }
0x52: {  	[tilespmem:s19], [sflag:$0x1] =	stream.indirect.gather [hbm4b:s3+s8], $0x1, s18, s8, $0xb8;
	[tilespmem:$0x3280] =	vst v63  }
0x53: {  	s18 =	simm.s32 $0x1000;
	s19 =	simm.s32 $0x2900  }
0x54: {  	[tilespmem:s19], [sflag:$0x1] =	stream.indirect.gather [hbm4b:s3+s8], $0x1, s18, s8, $0xb8;
	[tilespmem:$0x3280] =	vst v63  }
0x55: {  	s18 =	simm.s32 $0x1080;
	s19 =	simm.s32 $0x2980  }
0x56: {  	[tilespmem:s19], [sflag:$0x1] =	stream.indirect.gather [hbm4b:s3+s8], $0x1, s18, s8, $0xb8;
	[tilespmem:$0x3280] =	vst v63  }
0x57: {  	s18 =	simm.s32 $0x1100;
	s19 =	simm.s32 $0x2A00  }
0x58: {  	[tilespmem:s19], [sflag:$0x1] =	stream.indirect.gather [hbm4b:s3+s8], $0x1, s18, s8, $0xb8;
	[tilespmem:$0x3280] =	vst v63  }
0x59: {  	s18 =	simm.s32 $0x1180;
	s19 =	simm.s32 $0x2A80  }
0x5a: {  	[tilespmem:s19], [sflag:$0x1] =	stream.indirect.gather [hbm4b:s3+s8], $0x1, s18, s8, $0xb8;
	[tilespmem:$0x3280] =	vst v63  }
0x5b: {  	s18 =	simm.s32 $0x1200;
	s19 =	simm.s32 $0x2B00  }
0x5c: {  	[tilespmem:s19], [sflag:$0x1] =	stream.indirect.gather [hbm4b:s3+s8], $0x1, s18, s8, $0xb8;
	[tilespmem:$0x3280] =	vst v63  }
0x5d: {  	s18 =	simm.s32 $0x1280;
	s19 =	simm.s32 $0x2B80  }
0x5e: {  	[tilespmem:s19], [sflag:$0x1] =	stream.indirect.gather [hbm4b:s3+s8], $0x1, s18, s8, $0xb8;
	[tilespmem:$0x3280] =	vst v63  }
0x5f: {  	s18 =	simm.s32 $0x1300;
	s19 =	simm.s32 $0x2C00  }
0x60: {  	[tilespmem:s19], [sflag:$0x1] =	stream.indirect.gather [hbm4b:s3+s8], $0x1, s18, s8, $0xb8;
	[tilespmem:$0x3280] =	vst v63  }
0x61: {  	s18 =	simm.s32 $0x1380;
	s19 =	simm.s32 $0x2C80  }
0x62: {  	[tilespmem:s19], [sflag:$0x1] =	stream.indirect.gather [hbm4b:s3+s8], $0x1, s18, s8, $0xb8;
	[tilespmem:$0x3280] =	vst v63  }
0x63: {  	s18 =	simm.s32 $0x1400;
	s19 =	simm.s32 $0x2D00  }
0x64: {  	[tilespmem:s19], [sflag:$0x1] =	stream.indirect.gather [hbm4b:s3+s8], $0x1, s18, s8, $0xb8;
	[tilespmem:$0x3280] =	vst v63  }
0x65: {  	_ = 	snop  }
0x66: {  	[tilespmem:s21], [sflag:$0x1] =	stream.indirect.gather [hbm4b:s3+s8], $0x1, s20, s8, $0xb8;
	[tilespmem:$0x3280] =	vst v63  }
0x67: {  	_ = 	snop  }
0x68: {  	[tilespmem:s23], [sflag:$0x1] =	stream.indirect.gather [hbm4b:s3+s8], $0x1, s22, s8, $0xb8;
	[tilespmem:$0x3280] =	vst v63  }
0x69: {  	_ = 	snop  }
0x6a: {  	[tilespmem:s25], [sflag:$0x1] =	stream.indirect.gather [hbm4b:s3+s8], $0x1, s24, s8, $0xb8;
	[tilespmem:$0x3280] =	vst v63  }
0x6b: {  	_ = 	snop  }
0x6c: {  	[tilespmem:s28], [sflag:$0x1] =	stream.indirect.gather [hbm4b:s3+s8], $0x1, s26, s8, $0xb8;
	[tilespmem:$0x3280] =	vst v63  }
0x6d: {  	_ = 	snop  }
0x6e: {  	[tilespmem:s30], [sflag:$0x1] =	stream.indirect.gather [hbm4b:s3+s8], $0x1, s29, s8, $0xb8;
	[tilespmem:$0x3280] =	vst v63  }
0x6f: {  	_ = 	snop  }
0x70: {  	[tilespmem:s1], [sflag:$0x1] =	stream.indirect.gather [hbm4b:s3+s8], $0x1, s31, s8, $0xb8;
	[tilespmem:$0x3280] =	vst v63  }
0x71: {  	_ = 	snop  }
0x72: {  	[tilespmem:s10], [sflag:$0x1] =	stream.indirect.gather [hbm4b:s3+s8], $0x1, s0, s8, $0xb8;
	[tilespmem:$0x3280] =	vst v63  }
0x73: {  	_ = 	snop  }
0x74: {  	[tilespmem:s12], [sflag:$0x1] =	stream.indirect.gather [hbm4b:s3+s8], $0x1, s11, s8, $0xb8;
	[tilespmem:$0x3280] =	vst v63  }
0x75: {  	_ = 	snop  }
0x76: {  	[tilespmem:s14], [sflag:$0x1] =	stream.indirect.gather [hbm4b:s3+s8], $0x1, s13, s8, $0xb8;
	[tilespmem:$0x3280] =	vst v63  }
0x77: {  	_ =	swait.ge [sflag:s15], $0x80  }
0x78: {  	[sflag:s15] =	ssyncset.done $0x0  }
0x79: {  	[sflag:s15] =	ssyncadd.s32 $0xFFFFFF80  }
0x7a: {  	_ =	swait.ge [sflag:s15], $0x80  }
0x7b: {  	[sflag:s15] =	ssyncset.done $0x0  }
0x7c: {  	[sflag:s15] =	ssyncadd.s32 $0xFFFFFF80  }
0x7d: {  	_ =	swait.ge [sflag:s15], $0x80  }
0x7e: {  	[sflag:s15] =	ssyncset.done $0x0  }
0x7f: {  	[sflag:s15] =	ssyncadd.s32 $0xFFFFFF80  }
0x80: {  	_ =	swait.ge [sflag:s15], $0x80  }
0x81: {  	[sflag:s15] =	ssyncset.done $0x0  }
0x82: {  	[sflag:s15] =	ssyncadd.s32 $0xFFFFFF80  }
0x83: {  	_ =	swait.ge [sflag:s15], $0x80  }
0x84: {  	[sflag:s15] =	ssyncset.done $0x0  }
0x85: {  	[sflag:s15] =	ssyncadd.s32 $0xFFFFFF80  }
0x86: {  	_ =	swait.ge [sflag:s15], $0x80  }
0x87: {  	[sflag:s15] =	ssyncset.done $0x0  }
0x88: {  	[sflag:s15] =	ssyncadd.s32 $0xFFFFFF80  }
0x89: {  	_ =	swait.ge [sflag:s15], $0x80  }
0x8a: {  	[sflag:s15] =	ssyncset.done $0x0  }
0x8b: {  	[sflag:s15] =	ssyncadd.s32 $0xFFFFFF80  }
0x8c: {  	_ =	swait.ge [sflag:s15], $0x80  }
0x8d: {  	[sflag:s15] =	ssyncset.done $0x0  }
0x8e: {  	[sflag:s15] =	ssyncadd.s32 $0xFFFFFF80  }
0x8f: {  	_ =	swait.ge [sflag:s15], $0x80  }
0x90: {  	[sflag:s15] =	ssyncset.done $0x0  }
0x91: {  	[sflag:s15] =	ssyncadd.s32 $0xFFFFFF80  }
0x92: {  	_ =	swait.ge [sflag:s15], $0x80  }
0x93: {  	[sflag:s15] =	ssyncset.done $0x0  }
0x94: {  	[sflag:s15] =	ssyncadd.s32 $0xFFFFFF80  }
0x95: {  	_ =	swait.ge [sflag:s15], $0x80  }
0x96: {  	[sflag:s15] =	ssyncset.done $0x0  }
0x97: {  	[sflag:s15] =	ssyncadd.s32 $0xFFFFFF80  }
0x98: {  	_ =	swait.ge [sflag:s15], $0x80  }
0x99: {  	[sflag:s15] =	ssyncset.done $0x0  }
0x9a: {  	[sflag:s15] =	ssyncadd.s32 $0xFFFFFF80  }
0x9b: {  	_ =	swait.ge [sflag:s15], $0x80  }
0x9c: {  	[sflag:s15] =	ssyncset.done $0x0  }
0x9d: {  	[sflag:s15] =	ssyncadd.s32 $0xFFFFFF80  }
0x9e: {  	_ =	swait.ge [sflag:s15], $0x80  }
0x9f: {  	[sflag:s15] =	ssyncset.done $0x0  }
0xa0: {  	[sflag:s15] =	ssyncadd.s32 $0xFFFFFF80  }
0xa1: {  	_ =	swait.ge [sflag:s15], $0x80  }
0xa2: {  	[sflag:s15] =	ssyncset.done $0x0  }
0xa3: {  	[sflag:s15] =	ssyncadd.s32 $0xFFFFFF80  }
0xa4: {  	_ =	swait.ge [sflag:s15], $0x80  }
0xa5: {  	[sflag:s15] =	ssyncset.done $0x0  }
0xa6: {  	[sflag:s15] =	ssyncadd.s32 $0xFFFFFF80  }
0xa7: {  	_ =	swait.ge [sflag:s15], $0x80  }
0xa8: {  	[sflag:s15] =	ssyncset.done $0x0  }
0xa9: {  	[sflag:s15] =	ssyncadd.s32 $0xFFFFFF80  }
0xaa: {  	_ =	swait.ge [sflag:s15], $0x80  }
0xab: {  	[sflag:s15] =	ssyncset.done $0x0  }
0xac: {  	[sflag:s15] =	ssyncadd.s32 $0xFFFFFF80  }
0xad: {  	_ =	swait.ge [sflag:s15], $0x80  }
0xae: {  	[sflag:s15] =	ssyncset.done $0x0  }
0xaf: {  	[sflag:s15] =	ssyncadd.s32 $0xFFFFFF80  }
0xb0: {  	_ =	swait.ge [sflag:s15], $0x80  }
0xb1: {  	[sflag:s15] =	ssyncset.done $0x0  }
0xb2: {  	[sflag:s15] =	ssyncadd.s32 $0xFFFFFF80  }
0xb3: {  	_ =	swait.ge [sflag:s15], $0x80  }
0xb4: {  	[sflag:s15] =	ssyncset.done $0x0  }
0xb5: {  	[sflag:s15] =	ssyncadd.s32 $0xFFFFFF80  }
0xb6: {  	_ =	swait.ge [sflag:s15], $0x80  }
0xb7: {  	[sflag:s15] =	ssyncset.done $0x0  }
0xb8: {  	[sflag:s15] =	ssyncadd.s32 $0xFFFFFF80  }
0xb9: {  	_ =	swait.ge [sflag:s15], $0x80  }
0xba: {  	[sflag:s15] =	ssyncset.done $0x0  }
0xbb: {  	[sflag:s15] =	ssyncadd.s32 $0xFFFFFF80  }
0xbc: {  	_ =	swait.ge [sflag:s15], $0x80  }
0xbd: {  	[sflag:s15] =	ssyncset.done $0x0  }
0xbe: {  	[sflag:s15] =	ssyncadd.s32 $0xFFFFFF80  }
0xbf: {  	_ =	swait.ge [sflag:s15], $0x80  }
0xc0: {  	[sflag:s15] =	ssyncset.done $0x0  }
0xc1: {  	[sflag:s15] =	ssyncadd.s32 $0xFFFFFF80  }
0xc2: {  	_ =	swait.ge [sflag:s15], $0x80  }
0xc3: {  	[sflag:s15] =	ssyncset.done $0x0  }
0xc4: {  	[sflag:s15] =	ssyncadd.s32 $0xFFFFFF80  }
0xc5: {  	_ =	swait.ge [sflag:s15], $0x80  }
0xc6: {  	[sflag:s15] =	ssyncset.done $0x0  }
0xc7: {  	[sflag:s15] =	ssyncadd.s32 $0xFFFFFF80  }
0xc8: {  	_ =	swait.ge [sflag:s15], $0x80  }
0xc9: {  	[sflag:s15] =	ssyncset.done $0x0  }
0xca: {  	[sflag:s15] =	ssyncadd.s32 $0xFFFFFF80  }
0xcb: {  	_ =	swait.ge [sflag:s15], $0x80  }
0xcc: {  	[sflag:s15] =	ssyncset.done $0x0  }
0xcd: {  	[sflag:s15] =	ssyncadd.s32 $0xFFFFFF80  }
0xce: {  	_ =	swait.ge [sflag:s15], $0x80  }
0xcf: {  	[sflag:s15] =	ssyncset.done $0x0  }
0xd0: {  	[sflag:s15] =	ssyncadd.s32 $0xFFFFFF80  }
0xd1: {  	_ =	swait.ge [sflag:s15], $0x80  }
0xd2: {  	[sflag:s15] =	ssyncset.done $0x0  }
0xd3: {  	[sflag:s15] =	ssyncadd.s32 $0xFFFFFF80  }
0xd4: {  	_ =	swait.ge [sflag:s15], $0x80  }
0xd5: {  	[sflag:s15] =	ssyncset.done $0x0  }
0xd6: {  	[sflag:s15] =	ssyncadd.s32 $0xFFFFFF80  }
0xd7: {  	_ =	swait.ge [sflag:s15], $0x80  }
0xd8: {  	[sflag:s15] =	ssyncset.done $0x0  }
0xd9: {  	[sflag:s15] =	ssyncadd.s32 $0xFFFFFF80  }
0xda: {  	_ =	swait.ge [sflag:s15], $0x80  }
0xdb: {  	[sflag:s15] =	ssyncset.done $0x0  }
0xdc: {  	[sflag:s15] =	ssyncadd.s32 $0xFFFFFF80  }
0xdd: {  	_ =	swait.ge [sflag:s15], $0x80  }
0xde: {  	[sflag:s15] =	ssyncset.done $0x0  }
0xdf: {  	[sflag:s15] =	ssyncadd.s32 $0xFFFFFF80  }
0xe0: {  	_ =	swait.ge [sflag:s15], $0x80  }
0xe1: {  	[sflag:s15] =	ssyncset.done $0x0  }
0xe2: {  	[sflag:s15] =	ssyncadd.s32 $0xFFFFFF80  }
0xe3: {  	_ =	swait.ge [sflag:s15], $0x80  }
0xe4: {  	[sflag:s15] =	ssyncset.done $0x0  }
0xe5: {  	[sflag:s15] =	ssyncadd.s32 $0xFFFFFF80  }
0xe6: {  	_ =	swait.ge [sflag:s15], $0x80  }
0xe7: {  	[sflag:s15] =	ssyncset.done $0x0  }
0xe8: {  	[sflag:s15] =	ssyncadd.s32 $0xFFFFFF80  }
0xe9: {  	_ =	swait.ge [sflag:s15], $0x80  }
0xea: {  	[sflag:s15] =	ssyncset.done $0x0  }
0xeb: {  	[sflag:s15] =	ssyncadd.s32 $0xFFFFFF80  }
0xec: {  	_ =	swait.ge [sflag:s15], $0x80  }
0xed: {  	[sflag:s15] =	ssyncset.done $0x0  }
0xee: {  	[sflag:s15] =	ssyncadd.s32 $0xFFFFFF80  }
0xef: {  	_ =	swait.ge [sflag:s15], $0x80  }
0xf0: {  	[sflag:s15] =	ssyncset.done $0x0  }
0xf1: {  	[sflag:s15] =	ssyncadd.s32 $0xFFFFFF80  }
0xf2: {  	_ =	swait.ge [sflag:s15], $0x80  }
0xf3: {  	[sflag:s15] =	ssyncset.done $0x0  }
0xf4: {  	[sflag:s15] =	ssyncadd.s32 $0xFFFFFF80  }
0xf5: {  	_ =	swait.ge [sflag:s15], $0x80  }
0xf6: {  	[sflag:s15] =	ssyncset.done $0x0  }
0xf7: {  	[sflag:s15] =	ssyncadd.s32 $0xFFFFFF80  }
0xf8: {  	_ =	swait.ge [sflag:s15], $0x80  }
0xf9: {  	[sflag:s15] =	ssyncset.done $0x0  }
0xfa: {  	[sflag:s15] =	ssyncadd.s32 $0xFFFFFF80  }
0xfb: {  	_ =	swait.ge [sflag:s15], $0x80  }
0xfc: {  	[sflag:s15] =	ssyncset.done $0x0  }
0xfd: {  	[sflag:s15] =	ssyncadd.s32 $0xFFFFFF80  }
0xfe: {  	_ =	swait.ge [sflag:s15], $0x80  }
0xff: {  	[sflag:s15] =	ssyncset.done $0x0  }
0x100: {  	[sflag:s15] =	ssyncadd.s32 $0xFFFFFF80  }
0x101: {  	_ =	swait.ge [sflag:s15], $0x80  }
0x102: {  	[sflag:s15] =	ssyncset.done $0x0  }
0x103: {  	[sflag:s15] =	ssyncadd.s32 $0xFFFFFF80  }
0x104: {  	_ =	swait.ge [sflag:s15], $0x80  }
0x105: {  	[sflag:s15] =	ssyncset.done $0x0  }
0x106: {  	[sflag:s15] =	ssyncadd.s32 $0xFFFFFF80  }
0x107: {  	_ =	swait.ge [sflag:s15], $0x80  }
0x108: {  	v9 =	vadd.s32 s2, v0;
	[sflag:s15] =	ssyncset.done $0x0  }
0x109: {  	[sflag:s15] =	ssyncadd.s32 $0xFFFFFF80  }
0x10a: {  	_ =	swait.ge [sflag:s15], $0x80  }
0x10b: {  	[sflag:s15] =	ssyncset.done $0x0  }
0x10c: {  	[sflag:s15] =	ssyncadd.s32 $0xFFFFFF80  }
0x10d: {  	v8 =	vimm.f32 $0.0e+00;
	s18 =	simm.s32 $0x1;
	v9 =	vld.idx.msk [tilespmem:v9+s9+$0x0], $0xffff  }
.LBB2_2:
0x10e: {  	v10 =	vadd.s32 s18, v0;
	p0 =	sne.s32 s18, $0x31;
	s18 =	sadd.s32 $0x1, s18  }
.Ltmp0:
0x10f: {  	(pc) =	sbr.rel @p0 .LBB2_2-.Ltmp0, $2  }
0x110: {  	_ =	sdelay $0x2  }
0x111: {  	v8 =	vadd.f32 v9, v8;
	v9 =	vld.idx.msk [tilespmem:v10+s9+$0x0], $0xffff  }
0x112: {  	_ =	sdelay $0x2  }
0x113: {  	s18 =	simm.s32 $0x0  }
0x114: {  	v8 =	vadd.f32 v9, v8;
	v9 =	vadd.s32 s18, v1;
	_ =	sdelay $0x1  }
0x115: {  	v8 =	vmul.f32 $1.999999960e-02, v8;
	_ =	sdelay $0x1  }
0x116: {  	[tilespmem:$0x3200] =	vst v8  }
0x117: {  	s18 =	simm.s32 $0x1;
	v8 =	vimm.f32 $0.0e+00;
	v9 =	vld.idx.msk [tilespmem:v9+s9+$0x0], $0xffff  }
.LBB2_4:
0x118: {  	v10 =	vadd.s32 s18, v1;
	p0 =	sne.s32 s18, $0x31;
	s18 =	sadd.s32 $0x1, s18  }
.Ltmp1:
0x119: {  	(pc) =	sbr.rel @p0 .LBB2_4-.Ltmp1, $2  }
0x11a: {  	_ =	sdelay $0x2  }
0x11b: {  	v8 =	vadd.f32 v9, v8;
	v9 =	vld.idx.msk [tilespmem:v10+s9+$0x0], $0xffff  }
0x11c: {  	_ =	sdelay $0x2  }
0x11d: {  	s18 =	simm.s32 $0x0  }
0x11e: {  	v8 =	vadd.f32 v9, v8;
	v9 =	vadd.s32 s18, v2;
	_ =	sdelay $0x1  }
0x11f: {  	v8 =	vmul.f32 $1.999999960e-02, v8;
	_ =	sdelay $0x1  }
0x120: {  	[tilespmem:$0x3210] =	vst v8  }
0x121: {  	s18 =	simm.s32 $0x1;
	v8 =	vimm.f32 $0.0e+00;
	v9 =	vld.idx.msk [tilespmem:v9+s9+$0x0], $0xffff  }
.LBB2_6:
0x122: {  	v10 =	vadd.s32 s18, v2;
	p0 =	sne.s32 s18, $0x31;
	s18 =	sadd.s32 $0x1, s18  }
.Ltmp2:
0x123: {  	(pc) =	sbr.rel @p0 .LBB2_6-.Ltmp2, $2  }
0x124: {  	_ =	sdelay $0x2  }
0x125: {  	v8 =	vadd.f32 v9, v8;
	v9 =	vld.idx.msk [tilespmem:v10+s9+$0x0], $0xffff  }
0x126: {  	_ =	sdelay $0x2  }
0x127: {  	s18 =	simm.s32 $0x0  }
0x128: {  	v8 =	vadd.f32 v9, v8;
	v9 =	vadd.s32 s18, v3;
	_ =	sdelay $0x1  }
0x129: {  	v8 =	vmul.f32 $1.999999960e-02, v8;
	_ =	sdelay $0x1  }
0x12a: {  	[tilespmem:$0x3220] =	vst v8  }
0x12b: {  	s18 =	simm.s32 $0x1;
	v8 =	vimm.f32 $0.0e+00;
	v9 =	vld.idx.msk [tilespmem:v9+s9+$0x0], $0xffff  }
.LBB2_8:
0x12c: {  	v10 =	vadd.s32 s18, v3;
	p0 =	sne.s32 s18, $0x31;
	s18 =	sadd.s32 $0x1, s18  }
.Ltmp3:
0x12d: {  	(pc) =	sbr.rel @p0 .LBB2_8-.Ltmp3, $2  }
0x12e: {  	_ =	sdelay $0x2  }
0x12f: {  	v8 =	vadd.f32 v9, v8;
	v9 =	vld.idx.msk [tilespmem:v10+s9+$0x0], $0xffff  }
0x130: {  	_ =	sdelay $0x2  }
0x131: {  	s18 =	simm.s32 $0x0  }
0x132: {  	v8 =	vadd.f32 v9, v8;
	v9 =	vadd.s32 s18, v4;
	_ =	sdelay $0x1  }
0x133: {  	v8 =	vmul.f32 $1.999999960e-02, v8;
	_ =	sdelay $0x1  }
0x134: {  	[tilespmem:$0x3230] =	vst v8  }
0x135: {  	s18 =	simm.s32 $0x1;
	v8 =	vimm.f32 $0.0e+00;
	v9 =	vld.idx.msk [tilespmem:v9+s9+$0x0], $0xffff  }
.LBB2_10:
0x136: {  	v10 =	vadd.s32 s18, v4;
	p0 =	sne.s32 s18, $0x31;
	s18 =	sadd.s32 $0x1, s18  }
.Ltmp4:
0x137: {  	(pc) =	sbr.rel @p0 .LBB2_10-.Ltmp4, $2  }
0x138: {  	_ =	sdelay $0x2  }
0x139: {  	v8 =	vadd.f32 v9, v8;
	v9 =	vld.idx.msk [tilespmem:v10+s9+$0x0], $0xffff  }
0x13a: {  	_ =	sdelay $0x2  }
0x13b: {  	s18 =	simm.s32 $0x0  }
0x13c: {  	v8 =	vadd.f32 v9, v8;
	v9 =	vadd.s32 s18, v5;
	_ =	sdelay $0x1  }
0x13d: {  	v8 =	vmul.f32 $1.999999960e-02, v8;
	_ =	sdelay $0x1  }
0x13e: {  	[tilespmem:$0x3240] =	vst v8  }
0x13f: {  	s18 =	simm.s32 $0x1;
	v8 =	vimm.f32 $0.0e+00;
	v9 =	vld.idx.msk [tilespmem:v9+s9+$0x0], $0xffff  }
.LBB2_12:
0x140: {  	v10 =	vadd.s32 s18, v5;
	p0 =	sne.s32 s18, $0x31;
	s18 =	sadd.s32 $0x1, s18  }
.Ltmp5:
0x141: {  	(pc) =	sbr.rel @p0 .LBB2_12-.Ltmp5, $2  }
0x142: {  	_ =	sdelay $0x2  }
0x143: {  	v8 =	vadd.f32 v9, v8;
	v9 =	vld.idx.msk [tilespmem:v10+s9+$0x0], $0xffff  }
0x144: {  	_ =	sdelay $0x2  }
0x145: {  	s18 =	simm.s32 $0x0  }
0x146: {  	v8 =	vadd.f32 v9, v8;
	v9 =	vadd.s32 s18, v6;
	_ =	sdelay $0x1  }
0x147: {  	v8 =	vmul.f32 $1.999999960e-02, v8;
	_ =	sdelay $0x1  }
0x148: {  	[tilespmem:$0x3250] =	vst v8  }
0x149: {  	s18 =	simm.s32 $0x1;
	v8 =	vimm.f32 $0.0e+00;
	v9 =	vld.idx.msk [tilespmem:v9+s9+$0x0], $0xffff  }
.LBB2_14:
0x14a: {  	v10 =	vadd.s32 s18, v6;
	p0 =	sne.s32 s18, $0x31;
	s18 =	sadd.s32 $0x1, s18  }
.Ltmp6:
0x14b: {  	(pc) =	sbr.rel @p0 .LBB2_14-.Ltmp6, $2  }
0x14c: {  	_ =	sdelay $0x2  }
0x14d: {  	v8 =	vadd.f32 v9, v8;
	v9 =	vld.idx.msk [tilespmem:v10+s9+$0x0], $0xffff  }
0x14e: {  	_ =	sdelay $0x2  }
0x14f: {  	s18 =	simm.s32 $0x0  }
0x150: {  	v8 =	vadd.f32 v9, v8;
	v9 =	vadd.s32 s18, v7;
	_ =	sdelay $0x1  }
0x151: {  	v8 =	vmul.f32 $1.999999960e-02, v8;
	_ =	sdelay $0x1  }
0x152: {  	[tilespmem:$0x3260] =	vst v8  }
0x153: {  	s18 =	simm.s32 $0x1;
	v8 =	vimm.f32 $0.0e+00;
	v9 =	vld.idx.msk [tilespmem:v9+s9+$0x0], $0xffff  }
.LBB2_16:
0x154: {  	v10 =	vadd.s32 s18, v7;
	p0 =	sne.s32 s18, $0x31;
	s18 =	sadd.s32 $0x1, s18  }
.Ltmp7:
0x155: {  	(pc) =	sbr.rel @p0 .LBB2_16-.Ltmp7, $2  }
0x156: {  	_ =	sdelay $0x2  }
0x157: {  	v8 =	vadd.f32 v9, v8;
	v9 =	vld.idx.msk [tilespmem:v10+s9+$0x0], $0xffff  }
0x158: {  	_ =	sdelay $0x3  }
0x159: {  	v8 =	vadd.f32 v9, v8;
	_ =	sdelay $0x1  }
0x15a: {  	s17 =	sadd.s32 $0x1, s17;
	v8 =	vmul.f32 $1.999999960e-02, v8  }
0x15b: {  	p0 =	sne.s32 s17, s6  }
.Ltmp8:
0x15c: {  	[tilespmem:$0x3270] =	vst v8;
	(pc) =	sbr.rel @p0 .LBB2_1-.Ltmp8, $4  }
0x15d: {  	[hbm4b:s5+s2] =	stream.linear.scatter [tilespmem:s16], [sflag:$0x2], $0x80, $0x38;
	[tilespmem:$0x3280] =	vst v63  }
0x15e: {  	_ =	swait.ge [sflag:s7], $0x80  }
0x15f: {  	[sflag:s7] =	ssyncset.done $0x0  }
0x160: {  	[sflag:s7] =	ssyncadd.s32 $0xFFFFFF80  }
0x161: {  	_ =	sfence.sel $0x180000  }
0x162: {  	[bflag:$0x0] =	sbarrier.arrive $0xFFFF  }
0x163: {  	_ =	strace $0x90000047  }
0x164: {  	s0 =	stileid.u32;
	[bflag:$0x2] =	sbarrier.arrive $0xFFFF  }
0x165: {  	p0 =	sne.s32 s0, $0x0;
	s0 =	rddreg [dreg:$0x2]  }
0x166: {  	s0 =	sadd.s32 @!p0 $0x100000, s0  }
0x167: {  	[sflag:s0] =	ssyncadd.tile.s32 @!p0 $0x1;
	_ =	shalt  }
.Lfunc_end2:
_tile_overlayer_lowered:
.L_overlay_start_2:
0x168: {  	(tag) =	ssettag $0x2  }
0x169: {  	s0 =	rddreg [dreg:$0x0];
	s2 =	stileid.u32  }
0x16a: {  	s1 =	rddreg [dreg:$0x1];
	p0 =	sne.s32 s2, $0x0  }
0x16b: {  	s3 =	rddreg [dreg:$0x2];
	[bflag:$0x3] =	sbarrier.arrive $0xFFFF;
	s2 =	simm.s32 @!p0 $0x1C02  }
0x16c: {  	[timem:s3], [sflag:s2] =	dma.local @!p0 [hbm:s0], s1  }
0x16d: {  	s0 =	simm.s32 @!p0 $0x2  }
0x16e: {  	_ =	swait.ge @!p0 [sflag:s0], s1  }
0x16f: {  	s1 =	ssub.s32 @!p0 $0x0, s1;
	[sflag:s0] =	ssyncset.done @!p0 $0x0  }
0x170: {  	[sflag:s0] =	ssyncadd.s32 @!p0 s1  }
0x171: {  	[bflag:$0x3] =	sbarrier.arrive $0xFFFF  }
0x172: {  	_ =	shalt  }

</sc_bundles>
